<compile_context>
chip_gen: v7x
topology: tpu7x:2x2x1
jax: 0.10.2.dev20260603
libtpu: 0.0.44.dev20260713+nightly
codegen_flags: <defaults>
</compile_context>

<pallas_src>
import functools
import math

import jax
import jax.numpy as jnp
from jax import lax
from jax.experimental import pallas as pl
from jax.experimental.pallas import tpu as pltpu
from jax.experimental.pallas import tpu_sc as plsc

_TM = 512
_NW = 32
_LANES = 16


def _gelu(x):
    return 0.5 * x * (1.0 + jnp.tanh(math.sqrt(2.0 / math.pi) * (x + 0.044715 * x ** 3)))


def _cumsum_col(v):
    n = v.shape[0]
    k = 1
    zero = jnp.zeros_like(v)
    while k < n:
        v = v + jnp.concatenate([zero[:k], v[:-k]], axis=0)
        k *= 2
    return v


def _gating_body(x_ref, wg_ref, c0_ref, c1_ref, e0_ref, e1_ref, r0_ref, r1_ref,
                 offpad_ref, te_ref, loss_ref, running_ref,
                 *, n_tokens, n_experts, nt_ffn):
    j = pl.program_id(0)
    nsteps = pl.num_programs(0)

    @pl.when(j == 0)
    def _init():
        loss_ref[0, 0] = 0.0
        for e in range(n_experts):
            running_ref[e] = 0

    xt = x_ref[...]
    g = jnp.dot(xt, wg_ref[...], preferred_element_type=jnp.float32)
    loss_ref[0, 0] += jnp.sum(g)

    ids = lax.broadcasted_iota(jnp.int32, g.shape, 1)
    w0 = jnp.max(g, axis=1, keepdims=True)
    e0 = jnp.min(jnp.where(g == w0, ids, n_experts), axis=1, keepdims=True)
    first = ids == e0
    g2 = jnp.where(first, -jnp.inf, g)
    w1 = jnp.max(g2, axis=1, keepdims=True)
    e1 = jnp.min(jnp.where(g2 == w1, ids, n_experts), axis=1, keepdims=True)
    second = ids == e1
    z = jnp.exp(w1 - w0)
    c0_ref[...] = jnp.broadcast_to(1.0 / (1.0 + z), c0_ref.shape)
    c1_ref[...] = jnp.broadcast_to(z / (1.0 + z), c1_ref.shape)
    e0_ref[...] = e0
    e1_ref[...] = e1

    first_i = first.astype(jnp.int32)
    second_i = second.astype(jnp.int32)
    ce = first_i + second_i
    excl = _cumsum_col(ce) - ce
    base_row = jnp.zeros_like(ce)
    for e in range(n_experts):
        base_row = base_row + running_ref[e] * (ids == e).astype(jnp.int32)
    pos = excl + base_row
    r0_ref[...] = jnp.sum(pos * first_i, axis=1, keepdims=True)
    r1_ref[...] = jnp.sum(pos * second_i, axis=1, keepdims=True)
    for e in range(n_experts):
        running_ref[e] += jnp.sum(ce[:, e:e + 1])

    @pl.when(j == nsteps - 1)
    def _fini():
        m = loss_ref[0, 0] / (n_tokens * n_experts)
        loss_ref[0, 0] = m * jnp.log(m + 0.1)
        b = 0
        bt = []
        for e in range(n_experts):
            offpad_ref[0, e] = b * _TM
            b = b + (running_ref[e] + (_TM - 1)) // _TM
            bt.append(b)
        for e in range(n_experts, 16):
            offpad_ref[0, e] = b * _TM

        def _assign(m_, _):
            te = jnp.int32(0)
            for e in range(n_experts - 1):
                te = te + (m_ >= bt[e]).astype(jnp.int32)
            te_ref[0, m_] = te
            return 0

        lax.fori_loop(0, nt_ffn, _assign, 0)


def _gating(flat, Wg, nt_ffn):
    n_tokens, d = flat.shape
    n_experts = Wg.shape[1]
    grid = (n_tokens // _TM,)
    body = functools.partial(_gating_body, n_tokens=n_tokens,
                             n_experts=n_experts, nt_ffn=nt_ffn)
    return pl.pallas_call(
        body,
        grid=grid,
        in_specs=[
            pl.BlockSpec((_TM, d), lambda j: (j, 0)),
            pl.BlockSpec((d, n_experts), lambda j: (0, 0)),
        ],
        out_specs=[
            pl.BlockSpec((_TM, 16), lambda j: (j, 0)),
            pl.BlockSpec((_TM, 16), lambda j: (j, 0)),
            pl.BlockSpec((_TM, 1), lambda j: (j, 0)),
            pl.BlockSpec((_TM, 1), lambda j: (j, 0)),
            pl.BlockSpec((_TM, 1), lambda j: (j, 0)),
            pl.BlockSpec((_TM, 1), lambda j: (j, 0)),
            pl.BlockSpec(memory_space=pltpu.SMEM),
            pl.BlockSpec(memory_space=pltpu.SMEM),
            pl.BlockSpec(memory_space=pltpu.SMEM),
        ],
        out_shape=[
            jax.ShapeDtypeStruct((n_tokens, 16), jnp.float32),
            jax.ShapeDtypeStruct((n_tokens, 16), jnp.float32),
            jax.ShapeDtypeStruct((n_tokens, 1), jnp.int32),
            jax.ShapeDtypeStruct((n_tokens, 1), jnp.int32),
            jax.ShapeDtypeStruct((n_tokens, 1), jnp.int32),
            jax.ShapeDtypeStruct((n_tokens, 1), jnp.int32),
            jax.ShapeDtypeStruct((1, 16), jnp.int32),
            jax.ShapeDtypeStruct((1, nt_ffn), jnp.int32),
            jax.ShapeDtypeStruct((1, 1), jnp.float32),
        ],
        scratch_shapes=[pltpu.SMEM((n_experts,), jnp.int32)],
    )(flat, Wg)


def _dispatch(flat, e0, e1, r0, r1, offpad, n_pad):
    n_tokens, d = flat.shape
    tpw = n_tokens // _NW
    c = min(64, tpw)
    nch = tpw // c
    mesh = plsc.VectorSubcoreMesh(core_axis_name="c", subcore_axis_name="s", num_cores=2, num_subcores=16)
    nc = mesh.num_cores

    @functools.partial(
        pl.kernel, mesh=mesh,
        out_type=[
            jax.ShapeDtypeStruct((n_pad, d), jnp.float32),
            jax.ShapeDtypeStruct((n_tokens,), jnp.int32),
            jax.ShapeDtypeStruct((n_tokens,), jnp.int32),
        ],
        scratch_types=[
            pltpu.VMEM((c, d), jnp.float32),
            pltpu.VMEM((c,), jnp.int32),
            pltpu.VMEM((c,), jnp.int32),
            pltpu.VMEM((c,), jnp.int32),
            pltpu.VMEM((c,), jnp.int32),
            pltpu.VMEM((c,), jnp.int32),
            pltpu.VMEM((c,), jnp.int32),
            pltpu.VMEM((16,), jnp.int32),
            pltpu.SemaphoreType.DMA,
        ],
    )
    def k(x_hbm, e0_hbm, e1_hbm, r0_hbm, r1_hbm, off_hbm,
          xs_hbm, p0_hbm, p1_hbm,
          rows_v, e0_v, e1_v, r0_v, r1_v, p0_v, p1_v, off_v, sem):
        wid = lax.axis_index("s") * nc + lax.axis_index("c")
        base = wid * tpw
        pltpu.sync_copy(off_hbm, off_v)

        def chunk(ci, _):
            tb = base + ci * c
            pltpu.sync_copy(e0_hbm.at[pl.ds(tb, c)], e0_v)
            pltpu.sync_copy(e1_hbm.at[pl.ds(tb, c)], e1_v)
            pltpu.sync_copy(r0_hbm.at[pl.ds(tb, c)], r0_v)
            pltpu.sync_copy(r1_hbm.at[pl.ds(tb, c)], r1_v)
            off_vec = off_v[...]
            offs = [off_vec[e] for e in range(4)]

            def lookup(ev):
                res = jnp.full((_LANES,), offs[0], jnp.int32)
                for e in range(1, 4):
                    res = jnp.where(ev == e, offs[e], res)
                return res

            for kk in range(c // _LANES):
                sl = pl.ds(kk * _LANES, _LANES)
                p0_v[sl] = lookup(e0_v[sl]) + r0_v[sl]
                p1_v[sl] = lookup(e1_v[sl]) + r1_v[sl]
            pltpu.sync_copy(x_hbm.at[pl.ds(tb, c)], rows_v)
            pltpu.async_copy(rows_v, xs_hbm.at[p0_v], sem).wait()
            pltpu.async_copy(rows_v, xs_hbm.at[p1_v], sem).wait()
            pltpu.sync_copy(p0_v, p0_hbm.at[pl.ds(tb, c)])
            pltpu.sync_copy(p1_v, p1_hbm.at[pl.ds(tb, c)])
            return 0

        lax.fori_loop(0, nch, chunk, 0)

    return k(flat, e0, e1, r0, r1, offpad)


def _ffn_body(te_ref, xs_ref, w1_ref, b1_ref, w2_ref, b2_ref, ys_ref):
    h = _gelu(jnp.dot(xs_ref[...], w1_ref[0], preferred_element_type=jnp.float32)
              + b1_ref[0])
    ys_ref[...] = (jnp.dot(h, w2_ref[0], preferred_element_type=jnp.float32)
                   + b2_ref[0])


def _ffn(xs, te, W1, b1, W2, b2):
    n_pad, d = xs.shape
    n_experts, _, d_ff = W1.shape
    nt = n_pad // _TM
    grid_spec = pltpu.PrefetchScalarGridSpec(
        num_scalar_prefetch=1,
        grid=(nt,),
        in_specs=[
            pl.BlockSpec((_TM, d), lambda j, te: (j, 0)),
            pl.BlockSpec((1, d, d_ff), lambda j, te: (te[j], 0, 0)),
            pl.BlockSpec((1, 1, d_ff), lambda j, te: (te[j], 0, 0)),
            pl.BlockSpec((1, d_ff, d), lambda j, te: (te[j], 0, 0)),
            pl.BlockSpec((1, 1, d), lambda j, te: (te[j], 0, 0)),
        ],
        out_specs=pl.BlockSpec((_TM, d), lambda j, te: (j, 0)),
    )
    return pl.pallas_call(
        _ffn_body,
        grid_spec=grid_spec,
        out_shape=jax.ShapeDtypeStruct((n_pad, d), jnp.float32),
    )(te, xs, W1, b1.reshape(n_experts, 1, d_ff), W2, b2.reshape(n_experts, 1, d))


def _combine(ys, pos0, pos1, c0, c1, n_tokens, d):
    tpw = n_tokens // _NW
    c = min(32, tpw)
    nch = tpw // c
    mesh = plsc.VectorSubcoreMesh(core_axis_name="c", subcore_axis_name="s", num_cores=2, num_subcores=16)
    nc = mesh.num_cores

    nslots = 2 if nch % 2 == 0 else 1

    @functools.partial(
        pl.kernel, mesh=mesh,
        out_type=jax.ShapeDtypeStruct((n_tokens, d), jnp.float32),
        scratch_types=[
            [pltpu.VMEM((c, d), jnp.float32)] * nslots,
            [pltpu.VMEM((c, d), jnp.float32)] * nslots,
            pltpu.VMEM((c, d), jnp.float32),
            [pltpu.VMEM((c,), jnp.int32)] * nslots,
            [pltpu.VMEM((c,), jnp.int32)] * nslots,
            [pltpu.VMEM((c, 16), jnp.float32)] * nslots,
            [pltpu.VMEM((c, 16), jnp.float32)] * nslots,
            [pltpu.SemaphoreType.DMA] * nslots,
        ],
    )
    def k(ys_hbm, p0_hbm, p1_hbm, c0_hbm, c1_hbm, out_hbm,
          g0_v, g1_v, ob_v, p0_v, p1_v, c0_v, c1_v, sem):
        wid = lax.axis_index("s") * nc + lax.axis_index("c")
        base = wid * tpw

        def start(ci, s):
            tb = base + ci * c
            pltpu.sync_copy(p0_hbm.at[pl.ds(tb, c)], p0_v[s])
            pltpu.sync_copy(p1_hbm.at[pl.ds(tb, c)], p1_v[s])
            pltpu.sync_copy(c0_hbm.at[pl.ds(tb, c)], c0_v[s])
            pltpu.sync_copy(c1_hbm.at[pl.ds(tb, c)], c1_v[s])
            pltpu.make_async_copy(ys_hbm.at[p0_v[s]], g0_v[s], sem[s]).start()
            pltpu.make_async_copy(ys_hbm.at[p1_v[s]], g1_v[s], sem[s]).start()

        def finish(ci, s):
            tb = base + ci * c
            pltpu.make_async_copy(ys_hbm.at[p0_v[s]], g0_v[s], sem[s]).wait()
            pltpu.make_async_copy(ys_hbm.at[p1_v[s]], g1_v[s], sem[s]).wait()

            def tok(t, _):
                c0b = c0_v[s][t]
                c1b = c1_v[s][t]
                for v in range(d // _LANES):
                    sl = pl.ds(v * _LANES, _LANES)
                    ob_v[t, sl] = c0b * g0_v[s][t, sl] + c1b * g1_v[s][t, sl]
                return 0

            lax.fori_loop(0, c, tok, 0)
            pltpu.sync_copy(ob_v, out_hbm.at[pl.ds(tb, c)])

        if nslots == 1:
            def chunk(ci, _):
                start(ci, 0)
                finish(ci, 0)
                return 0

            lax.fori_loop(0, nch, chunk, 0)
        else:
            ngrp = nch // 2
            start(0, 0)

            def grp(g, _):
                start(2 * g + 1, 1)
                finish(2 * g, 0)

                @pl.when(g < ngrp - 1)
                def _pre():
                    start(2 * g + 2, 0)

                finish(2 * g + 1, 1)
                return 0

            lax.fori_loop(0, ngrp, grp, 0)

    return k(ys, pos0, pos1, c0, c1)


def kernel(x, Wg, W1, b1, W2, b2):
    orig_shape = x.shape
    d = x.shape[-1]
    flat = x.reshape(-1, d)
    n_tokens = flat.shape[0]
    n_experts = W1.shape[0]
    top_k = 2
    n_pad = n_tokens * top_k + n_experts * _TM
    nt_ffn = n_pad // _TM

    c0, c1, e0, e1, r0, r1, offpad, te, loss = _gating(flat, Wg, nt_ffn)
    xs, pos0, pos1 = _dispatch(
        flat, e0.reshape(-1), e1.reshape(-1), r0.reshape(-1), r1.reshape(-1),
        offpad.reshape(-1), n_pad)
    ys = _ffn(xs, te.reshape(-1), W1, b1, W2, b2)
    out = _combine(ys, pos0, pos1, c0, c1, n_tokens, d)
    return out.reshape(orig_shape), loss.reshape(())

# --- scband reference (transcript-rebuilt; emitter-appended) ---
"""Pipeline reference for scband-mixture-of-experts-34703335752395 (READ-ONLY COPY).

The authoritative reference and input builder live on the scoring server;
editing this copy changes nothing except your own understanding.
"""

import jax, jax.numpy as jnp
import numpy as np
import math

N_EMBD = 512
NUM_EXPERTS = 4
TOP_K = 2
D_FF = 4 * N_EMBD


def gelu_gpt2(x):
    return 0.5 * x * (1.0 + jnp.tanh(math.sqrt(2.0 / math.pi) * (x + 0.044715 * x ** 3)))


def setup_inputs(seed: int = 0) -> dict:
    key = jax.random.key(seed)
    ks = jax.random.split(key, 6)
    x = jax.random.normal(ks[0], (4, 8192, N_EMBD), dtype=jnp.float32)
    Wg = jax.random.normal(ks[1], (N_EMBD, NUM_EXPERTS), dtype=jnp.float32) * 0.02
    W1 = jax.random.normal(ks[2], (NUM_EXPERTS, N_EMBD, D_FF), dtype=jnp.float32) * 0.02
    b1 = jnp.zeros((NUM_EXPERTS, D_FF), dtype=jnp.float32)
    W2 = jax.random.normal(ks[3], (NUM_EXPERTS, D_FF, N_EMBD), dtype=jnp.float32) * 0.02
    b2 = jnp.zeros((NUM_EXPERTS, N_EMBD), dtype=jnp.float32)
    return {"x": x, "Wg": Wg, "W1": W1, "b1": b1, "W2": W2, "b2": b2}


def reference(x, Wg, W1, b1, W2, b2):
    flat = x.reshape(-1, x.shape[-1])
    gate_output = flat @ Wg
    # load_balancing_loss: torch.mean(gate_output, dim=(0,1)) on a 2D tensor -> scalar
    expert_probs = jnp.mean(gate_output)
    balancing_loss = jnp.sum(expert_probs * jnp.log(expert_probs + 0.1))
    weights, selected_experts = jax.lax.top_k(gate_output, TOP_K)
    weights = jax.nn.softmax(weights.astype(jnp.float32), axis=1).astype(x.dtype)
    final_output = jnp.zeros_like(flat)
    for i in range(NUM_EXPERTS):
        # coefficient for expert i per token: sum over top-k slots where it was selected
        coeff = jnp.sum(weights * (selected_experts == i).astype(weights.dtype), axis=1)
        h = gelu_gpt2(flat @ W1[i] + b1[i])
        y = h @ W2[i] + b2[i]  # dropout is identity in eval mode
        final_output = final_output + coeff[:, None] * y
    return final_output.reshape(x.shape), balancing_loss

if __name__ == "__main__":
    import jax
    _d = setup_inputs()
    print(jax.jit(kernel)(*tuple(_d.values())))

</pallas_src>

<mosaic_0001>
#map = affine_map<(d0, d1) -> (0, 0)>
#map1 = affine_map<(d0, d1) -> (0)>
module attributes {stable_mosaic.version = 14 : i64} {
  func.func @k(%arg0: i32, %arg1: i32, %arg2: memref<32768x512xf32, #tpu.memory_space<hbm>>, %arg3: memref<32768xi32, #tpu.memory_space<hbm>>, %arg4: memref<32768xi32, #tpu.memory_space<hbm>>, %arg5: memref<32768xi32, #tpu.memory_space<hbm>>, %arg6: memref<32768xi32, #tpu.memory_space<hbm>>, %arg7: memref<16xi32, #tpu.memory_space<hbm>>, %arg8: memref<67584x512xf32, #tpu.memory_space<hbm>>, %arg9: memref<32768xi32, #tpu.memory_space<hbm>>, %arg10: memref<32768xi32, #tpu.memory_space<hbm>>, %arg11: memref<64x512xf32, #tpu.memory_space<vmem>>, %arg12: memref<64xi32, #tpu.memory_space<vmem>>, %arg13: memref<64xi32, #tpu.memory_space<vmem>>, %arg14: memref<64xi32, #tpu.memory_space<vmem>>, %arg15: memref<64xi32, #tpu.memory_space<vmem>>, %arg16: memref<64xi32, #tpu.memory_space<vmem>>, %arg17: memref<64xi32, #tpu.memory_space<vmem>>, %arg18: memref<16xi32, #tpu.memory_space<vmem>>, %arg19: memref<!tpu.dma_semaphore, #tpu.memory_space<semaphore_mem>>) attributes {dimension_semantics = [#tpu.dimension_semantics<core_parallel>, #tpu.dimension_semantics<subcore_parallel>], iteration_bounds = array<i64: 2, 16>, scalar_prefetch = 0 : i64, scratch_operands = 9 : i64, tpu.core_type = #tpu.core_type<sc_vector_subcore>, window_params = [{transform_indices = #map}, {transform_indices = #map1}, {transform_indices = #map1}, {transform_indices = #map1}, {transform_indices = #map1}, {transform_indices = #map1}, {transform_indices = #map}, {transform_indices = #map1}, {transform_indices = #map1}]} {
    %mul3A = arith.constant 2 : i32
    %mul3A_0 = arith.muli %arg1, %mul3A : i32
    %add3A = arith.addi %mul3A_0, %arg0 : i32
    %mul3A_1 = arith.constant 1024 : i32
    %mul3A_2 = arith.muli %add3A, %mul3A_1 : i32
    "tpu.region"() ({
      %run_scoped3A = tpu.sem_alloc : memref<!tpu.dma_semaphore, #tpu.memory_space<semaphore_mem>>
      tpu.enqueue_dma source(%arg7 : memref<16xi32, #tpu.memory_space<hbm>>) target(%arg18 : memref<16xi32, #tpu.memory_space<vmem>>) target_semaphore(%run_scoped3A : memref<!tpu.dma_semaphore, #tpu.memory_space<semaphore_mem>>)
      tpu.wait_dma2 semaphore(%run_scoped3A : memref<!tpu.dma_semaphore, #tpu.memory_space<semaphore_mem>>) src(%arg7 : memref<16xi32, #tpu.memory_space<hbm>>) dst(%arg18 : memref<16xi32, #tpu.memory_space<vmem>>)
      tpu.yield
    }) : () -> ()
    %scan3A = arith.constant 0 : i32
    %scan3A_3 = arith.constant 0 : i32
    %scan3A_4 = arith.constant 16 : i32
    %scan3A_5 = arith.addi %scan3A_3, %scan3A_4 : i32
    %scan3A_6 = arith.constant 1 : i32
    %scan3A_7 = scf.for %scan3A_9 = %scan3A_3 to %scan3A_5 step %scan3A_6 iter_args(%scan3A_10 = %scan3A) -> (i32)  : i32 {
      %mul3A_11 = arith.constant 64 : i32
      %mul3A_12 = arith.muli %scan3A_9, %mul3A_11 : i32
      %add3A_13 = arith.addi %mul3A_2, %mul3A_12 : i32
      "tpu.region"() ({
        %run_scoped3A = tpu.sem_alloc : memref<!tpu.dma_semaphore, #tpu.memory_space<semaphore_mem>>
        %dma_start3A_245 = tpu.memref_slice %arg3[%add3A_13] : memref<32768xi32, #tpu.memory_space<hbm>> -> memref<64xi32, #tpu.memory_space<hbm>>
        %dma_start3A_246 = tpu.memref_slice %arg3[%add3A_13] : memref<32768xi32, #tpu.memory_space<hbm>> -> memref<64xi32, #tpu.memory_space<hbm>>
        tpu.enqueue_dma source(%dma_start3A_246 : memref<64xi32, #tpu.memory_space<hbm>>) target(%arg12 : memref<64xi32, #tpu.memory_space<vmem>>) target_semaphore(%run_scoped3A : memref<!tpu.dma_semaphore, #tpu.memory_space<semaphore_mem>>)
        %dma_wait3A_247 = tpu.memref_slice %arg3[%add3A_13] : memref<32768xi32, #tpu.memory_space<hbm>> -> memref<64xi32, #tpu.memory_space<hbm>>
        %dma_wait3A_248 = tpu.memref_slice %arg3[%add3A_13] : memref<32768xi32, #tpu.memory_space<hbm>> -> memref<64xi32, #tpu.memory_space<hbm>>
        tpu.wait_dma2 semaphore(%run_scoped3A : memref<!tpu.dma_semaphore, #tpu.memory_space<semaphore_mem>>) src(%dma_wait3A_248 : memref<64xi32, #tpu.memory_space<hbm>>) dst(%arg12 : memref<64xi32, #tpu.memory_space<vmem>>)
        tpu.yield
      }) : () -> ()
      "tpu.region"() ({
        %run_scoped3A = tpu.sem_alloc : memref<!tpu.dma_semaphore, #tpu.memory_space<semaphore_mem>>
        %dma_start3A_245 = tpu.memref_slice %arg4[%add3A_13] : memref<32768xi32, #tpu.memory_space<hbm>> -> memref<64xi32, #tpu.memory_space<hbm>>
        %dma_start3A_246 = tpu.memref_slice %arg4[%add3A_13] : memref<32768xi32, #tpu.memory_space<hbm>> -> memref<64xi32, #tpu.memory_space<hbm>>
        tpu.enqueue_dma source(%dma_start3A_246 : memref<64xi32, #tpu.memory_space<hbm>>) target(%arg13 : memref<64xi32, #tpu.memory_space<vmem>>) target_semaphore(%run_scoped3A : memref<!tpu.dma_semaphore, #tpu.memory_space<semaphore_mem>>)
        %dma_wait3A_247 = tpu.memref_slice %arg4[%add3A_13] : memref<32768xi32, #tpu.memory_space<hbm>> -> memref<64xi32, #tpu.memory_space<hbm>>
        %dma_wait3A_248 = tpu.memref_slice %arg4[%add3A_13] : memref<32768xi32, #tpu.memory_space<hbm>> -> memref<64xi32, #tpu.memory_space<hbm>>
        tpu.wait_dma2 semaphore(%run_scoped3A : memref<!tpu.dma_semaphore, #tpu.memory_space<semaphore_mem>>) src(%dma_wait3A_248 : memref<64xi32, #tpu.memory_space<hbm>>) dst(%arg13 : memref<64xi32, #tpu.memory_space<vmem>>)
        tpu.yield
      }) : () -> ()
      "tpu.region"() ({
        %run_scoped3A = tpu.sem_alloc : memref<!tpu.dma_semaphore, #tpu.memory_space<semaphore_mem>>
        %dma_start3A_245 = tpu.memref_slice %arg5[%add3A_13] : memref<32768xi32, #tpu.memory_space<hbm>> -> memref<64xi32, #tpu.memory_space<hbm>>
        %dma_start3A_246 = tpu.memref_slice %arg5[%add3A_13] : memref<32768xi32, #tpu.memory_space<hbm>> -> memref<64xi32, #tpu.memory_space<hbm>>
        tpu.enqueue_dma source(%dma_start3A_246 : memref<64xi32, #tpu.memory_space<hbm>>) target(%arg14 : memref<64xi32, #tpu.memory_space<vmem>>) target_semaphore(%run_scoped3A : memref<!tpu.dma_semaphore, #tpu.memory_space<semaphore_mem>>)
        %dma_wait3A_247 = tpu.memref_slice %arg5[%add3A_13] : memref<32768xi32, #tpu.memory_space<hbm>> -> memref<64xi32, #tpu.memory_space<hbm>>
        %dma_wait3A_248 = tpu.memref_slice %arg5[%add3A_13] : memref<32768xi32, #tpu.memory_space<hbm>> -> memref<64xi32, #tpu.memory_space<hbm>>
        tpu.wait_dma2 semaphore(%run_scoped3A : memref<!tpu.dma_semaphore, #tpu.memory_space<semaphore_mem>>) src(%dma_wait3A_248 : memref<64xi32, #tpu.memory_space<hbm>>) dst(%arg14 : memref<64xi32, #tpu.memory_space<vmem>>)
        tpu.yield
      }) : () -> ()
      "tpu.region"() ({
        %run_scoped3A = tpu.sem_alloc : memref<!tpu.dma_semaphore, #tpu.memory_space<semaphore_mem>>
        %dma_start3A_245 = tpu.memref_slice %arg6[%add3A_13] : memref<32768xi32, #tpu.memory_space<hbm>> -> memref<64xi32, #tpu.memory_space<hbm>>
        %dma_start3A_246 = tpu.memref_slice %arg6[%add3A_13] : memref<32768xi32, #tpu.memory_space<hbm>> -> memref<64xi32, #tpu.memory_space<hbm>>
        tpu.enqueue_dma source(%dma_start3A_246 : memref<64xi32, #tpu.memory_space<hbm>>) target(%arg15 : memref<64xi32, #tpu.memory_space<vmem>>) target_semaphore(%run_scoped3A : memref<!tpu.dma_semaphore, #tpu.memory_space<semaphore_mem>>)
        %dma_wait3A_247 = tpu.memref_slice %arg6[%add3A_13] : memref<32768xi32, #tpu.memory_space<hbm>> -> memref<64xi32, #tpu.memory_space<hbm>>
        %dma_wait3A_248 = tpu.memref_slice %arg6[%add3A_13] : memref<32768xi32, #tpu.memory_space<hbm>> -> memref<64xi32, #tpu.memory_space<hbm>>
        tpu.wait_dma2 semaphore(%run_scoped3A : memref<!tpu.dma_semaphore, #tpu.memory_space<semaphore_mem>>) src(%dma_wait3A_248 : memref<64xi32, #tpu.memory_space<hbm>>) dst(%arg15 : memref<64xi32, #tpu.memory_space<vmem>>)
        tpu.yield
      }) : () -> ()
      %get3A = arith.constant 0 : index
      %get3A_14 = tpu.vector_load %arg18[%get3A] {strides = array<i32>} : memref<16xi32, #tpu.memory_space<vmem>>, vector<16xi32>,
      %get3A_15 = vector.shape_cast %get3A_14 : vector<16xi32> to vector<16xi32>
      %slice3A = vector.extract_strided_slice %get3A_15 {offsets = [0], sizes = [1], strides = [1]} : vector<16xi32> to vector<1xi32>
      %squeeze3A = vector.extract %slice3A[0] : i32 from vector<1xi32>
      %slice3A_16 = vector.extract_strided_slice %get3A_15 {offsets = [1], sizes = [1], strides = [1]} : vector<16xi32> to vector<1xi32>
      %squeeze3A_17 = vector.extract %slice3A_16[0] : i32 from vector<1xi32>
      %slice3A_18 = vector.extract_strided_slice %get3A_15 {offsets = [2], sizes = [1], strides = [1]} : vector<16xi32> to vector<1xi32>
      %squeeze3A_19 = vector.extract %slice3A_18[0] : i32 from vector<1xi32>
      %slice3A_20 = vector.extract_strided_slice %get3A_15 {offsets = [3], sizes = [1], strides = [1]} : vector<16xi32> to vector<1xi32>
      %squeeze3A_21 = vector.extract %slice3A_20[0] : i32 from vector<1xi32>
      %get3A_22 = arith.constant 0 : index
      %get3A_23 = tpu.vector_load %arg12[%get3A_22] {strides = array<i32>} : memref<64xi32, #tpu.memory_space<vmem>>, vector<16xi32>,
      %get3A_24 = vector.shape_cast %get3A_23 : vector<16xi32> to vector<16xi32>
      %broadcast_in_dim3A = vector.broadcast %squeeze3A : i32 to vector<16xi32>
      %eq3A = arith.constant 1 : i32
      %eq3A_25 = vector.broadcast %eq3A : i32 to vector<16xi32>
      %eq3A_26 = arith.cmpi eq, %get3A_24, %eq3A_25 : vector<16xi32>
      %broadcast_in_dim3A_27 = vector.broadcast %squeeze3A_17 : i32 to vector<16xi32>
      %select_n3A = arith.select %eq3A_26, %broadcast_in_dim3A_27, %broadcast_in_dim3A : vector<16xi1>, vector<16xi32>
      %eq3A_28 = arith.constant 2 : i32
      %eq3A_29 = vector.broadcast %eq3A_28 : i32 to vector<16xi32>
      %eq3A_30 = arith.cmpi eq, %get3A_24, %eq3A_29 : vector<16xi32>
      %broadcast_in_dim3A_31 = vector.broadcast %squeeze3A_19 : i32 to vector<16xi32>
      %select_n3A_32 = arith.select %eq3A_30, %broadcast_in_dim3A_31, %select_n3A : vector<16xi1>, vector<16xi32>
      %eq3A_33 = arith.constant 3 : i32
      %eq3A_34 = vector.broadcast %eq3A_33 : i32 to vector<16xi32>
      %eq3A_35 = arith.cmpi eq, %get3A_24, %eq3A_34 : vector<16xi32>
      %broadcast_in_dim3A_36 = vector.broadcast %squeeze3A_21 : i32 to vector<16xi32>
      %select_n3A_37 = arith.select %eq3A_35, %broadcast_in_dim3A_36, %select_n3A_32 : vector<16xi1>, vector<16xi32>
      %get3A_38 = arith.constant 0 : index
      %get3A_39 = tpu.vector_load %arg14[%get3A_38] {strides = array<i32>} : memref<64xi32, #tpu.memory_space<vmem>>, vector<16xi32>,
      %get3A_40 = vector.shape_cast %get3A_39 : vector<16xi32> to vector<16xi32>
      %add3A_41 = arith.addi %select_n3A_37, %get3A_40 : vector<16xi32>
      %swap3A = arith.constant 0 : index
      %swap3A_42 = tpu.vector_load %arg16[%swap3A] {strides = array<i32>} : memref<64xi32, #tpu.memory_space<vmem>>, vector<16xi32>,
      %swap3A_43 = vector.shape_cast %swap3A_42 : vector<16xi32> to vector<16xi32>
      %swap3A_44 = vector.shape_cast %add3A_41 : vector<16xi32> to vector<16xi32>
      tpu.vector_store %arg16[%swap3A], %swap3A_44 {strides = array<i32>} : memref<64xi32, #tpu.memory_space<vmem>>, vector<16xi32>,
      %get3A_45 = arith.constant 0 : index
      %get3A_46 = tpu.vector_load %arg13[%get3A_45] {strides = array<i32>} : memref<64xi32, #tpu.memory_space<vmem>>, vector<16xi32>,
      %get3A_47 = vector.shape_cast %get3A_46 : vector<16xi32> to vector<16xi32>
      %broadcast_in_dim3A_48 = vector.broadcast %squeeze3A : i32 to vector<16xi32>
      %eq3A_49 = arith.constant 1 : i32
      %eq3A_50 = vector.broadcast %eq3A_49 : i32 to vector<16xi32>
      %eq3A_51 = arith.cmpi eq, %get3A_47, %eq3A_50 : vector<16xi32>
      %broadcast_in_dim3A_52 = vector.broadcast %squeeze3A_17 : i32 to vector<16xi32>
      %select_n3A_53 = arith.select %eq3A_51, %broadcast_in_dim3A_52, %broadcast_in_dim3A_48 : vector<16xi1>, vector<16xi32>
      %eq3A_54 = arith.constant 2 : i32
      %eq3A_55 = vector.broadcast %eq3A_54 : i32 to vector<16xi32>
      %eq3A_56 = arith.cmpi eq, %get3A_47, %eq3A_55 : vector<16xi32>
      %broadcast_in_dim3A_57 = vector.broadcast %squeeze3A_19 : i32 to vector<16xi32>
      %select_n3A_58 = arith.select %eq3A_56, %broadcast_in_dim3A_57, %select_n3A_53 : vector<16xi1>, vector<16xi32>
      %eq3A_59 = arith.constant 3 : i32
      %eq3A_60 = vector.broadcast %eq3A_59 : i32 to vector<16xi32>
      %eq3A_61 = arith.cmpi eq, %get3A_47, %eq3A_60 : vector<16xi32>
      %broadcast_in_dim3A_62 = vector.broadcast %squeeze3A_21 : i32 to vector<16xi32>
      %select_n3A_63 = arith.select %eq3A_61, %broadcast_in_dim3A_62, %select_n3A_58 : vector<16xi1>, vector<16xi32>
      %get3A_64 = arith.constant 0 : index
      %get3A_65 = tpu.vector_load %arg15[%get3A_64] {strides = array<i32>} : memref<64xi32, #tpu.memory_space<vmem>>, vector<16xi32>,
      %get3A_66 = vector.shape_cast %get3A_65 : vector<16xi32> to vector<16xi32>
      %add3A_67 = arith.addi %select_n3A_63, %get3A_66 : vector<16xi32>
      %swap3A_68 = arith.constant 0 : index
      %swap3A_69 = tpu.vector_load %arg17[%swap3A_68] {strides = array<i32>} : memref<64xi32, #tpu.memory_space<vmem>>, vector<16xi32>,
      %swap3A_70 = vector.shape_cast %swap3A_69 : vector<16xi32> to vector<16xi32>
      %swap3A_71 = vector.shape_cast %add3A_67 : vector<16xi32> to vector<16xi32>
      tpu.vector_store %arg17[%swap3A_68], %swap3A_71 {strides = array<i32>} : memref<64xi32, #tpu.memory_space<vmem>>, vector<16xi32>,
      %get3A_72 = arith.constant 16 : index
      %get3A_73 = tpu.vector_load %arg12[%get3A_72] {strides = array<i32>} : memref<64xi32, #tpu.memory_space<vmem>>, vector<16xi32>,
      %get3A_74 = vector.shape_cast %get3A_73 : vector<16xi32> to vector<16xi32>
      %broadcast_in_dim3A_75 = vector.broadcast %squeeze3A : i32 to vector<16xi32>
      %eq3A_76 = arith.constant 1 : i32
      %eq3A_77 = vector.broadcast %eq3A_76 : i32 to vector<16xi32>
      %eq3A_78 = arith.cmpi eq, %get3A_74, %eq3A_77 : vector<16xi32>
      %broadcast_in_dim3A_79 = vector.broadcast %squeeze3A_17 : i32 to vector<16xi32>
      %select_n3A_80 = arith.select %eq3A_78, %broadcast_in_dim3A_79, %broadcast_in_dim3A_75 : vector<16xi1>, vector<16xi32>
      %eq3A_81 = arith.constant 2 : i32
      %eq3A_82 = vector.broadcast %eq3A_81 : i32 to vector<16xi32>
      %eq3A_83 = arith.cmpi eq, %get3A_74, %eq3A_82 : vector<16xi32>
      %broadcast_in_dim3A_84 = vector.broadcast %squeeze3A_19 : i32 to vector<16xi32>
      %select_n3A_85 = arith.select %eq3A_83, %broadcast_in_dim3A_84, %select_n3A_80 : vector<16xi1>, vector<16xi32>
      %eq3A_86 = arith.constant 3 : i32
      %eq3A_87 = vector.broadcast %eq3A_86 : i32 to vector<16xi32>
      %eq3A_88 = arith.cmpi eq, %get3A_74, %eq3A_87 : vector<16xi32>
      %broadcast_in_dim3A_89 = vector.broadcast %squeeze3A_21 : i32 to vector<16xi32>
      %select_n3A_90 = arith.select %eq3A_88, %broadcast_in_dim3A_89, %select_n3A_85 : vector<16xi1>, vector<16xi32>
      %get3A_91 = arith.constant 16 : index
      %get3A_92 = tpu.vector_load %arg14[%get3A_91] {strides = array<i32>} : memref<64xi32, #tpu.memory_space<vmem>>, vector<16xi32>,
      %get3A_93 = vector.shape_cast %get3A_92 : vector<16xi32> to vector<16xi32>
      %add3A_94 = arith.addi %select_n3A_90, %get3A_93 : vector<16xi32>
      %swap3A_95 = arith.constant 16 : index
      %swap3A_96 = tpu.vector_load %arg16[%swap3A_95] {strides = array<i32>} : memref<64xi32, #tpu.memory_space<vmem>>, vector<16xi32>,
      %swap3A_97 = vector.shape_cast %swap3A_96 : vector<16xi32> to vector<16xi32>
      %swap3A_98 = vector.shape_cast %add3A_94 : vector<16xi32> to vector<16xi32>
      tpu.vector_store %arg16[%swap3A_95], %swap3A_98 {strides = array<i32>} : memref<64xi32, #tpu.memory_space<vmem>>, vector<16xi32>,
      %get3A_99 = arith.constant 16 : index
      %get3A_100 = tpu.vector_load %arg13[%get3A_99] {strides = array<i32>} : memref<64xi32, #tpu.memory_space<vmem>>, vector<16xi32>,
      %get3A_101 = vector.shape_cast %get3A_100 : vector<16xi32> to vector<16xi32>
      %broadcast_in_dim3A_102 = vector.broadcast %squeeze3A : i32 to vector<16xi32>
      %eq3A_103 = arith.constant 1 : i32
      %eq3A_104 = vector.broadcast %eq3A_103 : i32 to vector<16xi32>
      %eq3A_105 = arith.cmpi eq, %get3A_101, %eq3A_104 : vector<16xi32>
      %broadcast_in_dim3A_106 = vector.broadcast %squeeze3A_17 : i32 to vector<16xi32>
      %select_n3A_107 = arith.select %eq3A_105, %broadcast_in_dim3A_106, %broadcast_in_dim3A_102 : vector<16xi1>, vector<16xi32>
      %eq3A_108 = arith.constant 2 : i32
      %eq3A_109 = vector.broadcast %eq3A_108 : i32 to vector<16xi32>
      %eq3A_110 = arith.cmpi eq, %get3A_101, %eq3A_109 : vector<16xi32>
      %broadcast_in_dim3A_111 = vector.broadcast %squeeze3A_19 : i32 to vector<16xi32>
      %select_n3A_112 = arith.select %eq3A_110, %broadcast_in_dim3A_111, %select_n3A_107 : vector<16xi1>, vector<16xi32>
      %eq3A_113 = arith.constant 3 : i32
      %eq3A_114 = vector.broadcast %eq3A_113 : i32 to vector<16xi32>
      %eq3A_115 = arith.cmpi eq, %get3A_101, %eq3A_114 : vector<16xi32>
      %broadcast_in_dim3A_116 = vector.broadcast %squeeze3A_21 : i32 to vector<16xi32>
      %select_n3A_117 = arith.select %eq3A_115, %broadcast_in_dim3A_116, %select_n3A_112 : vector<16xi1>, vector<16xi32>
      %get3A_118 = arith.constant 16 : index
      %get3A_119 = tpu.vector_load %arg15[%get3A_118] {strides = array<i32>} : memref<64xi32, #tpu.memory_space<vmem>>, vector<16xi32>,
      %get3A_120 = vector.shape_cast %get3A_119 : vector<16xi32> to vector<16xi32>
      %add3A_121 = arith.addi %select_n3A_117, %get3A_120 : vector<16xi32>
      %swap3A_122 = arith.constant 16 : index
      %swap3A_123 = tpu.vector_load %arg17[%swap3A_122] {strides = array<i32>} : memref<64xi32, #tpu.memory_space<vmem>>, vector<16xi32>,
      %swap3A_124 = vector.shape_cast %swap3A_123 : vector<16xi32> to vector<16xi32>
      %swap3A_125 = vector.shape_cast %add3A_121 : vector<16xi32> to vector<16xi32>
      tpu.vector_store %arg17[%swap3A_122], %swap3A_125 {strides = array<i32>} : memref<64xi32, #tpu.memory_space<vmem>>, vector<16xi32>,
      %get3A_126 = arith.constant 32 : index
      %get3A_127 = tpu.vector_load %arg12[%get3A_126] {strides = array<i32>} : memref<64xi32, #tpu.memory_space<vmem>>, vector<16xi32>,
      %get3A_128 = vector.shape_cast %get3A_127 : vector<16xi32> to vector<16xi32>
      %broadcast_in_dim3A_129 = vector.broadcast %squeeze3A : i32 to vector<16xi32>
      %eq3A_130 = arith.constant 1 : i32
      %eq3A_131 = vector.broadcast %eq3A_130 : i32 to vector<16xi32>
      %eq3A_132 = arith.cmpi eq, %get3A_128, %eq3A_131 : vector<16xi32>
      %broadcast_in_dim3A_133 = vector.broadcast %squeeze3A_17 : i32 to vector<16xi32>
      %select_n3A_134 = arith.select %eq3A_132, %broadcast_in_dim3A_133, %broadcast_in_dim3A_129 : vector<16xi1>, vector<16xi32>
      %eq3A_135 = arith.constant 2 : i32
      %eq3A_136 = vector.broadcast %eq3A_135 : i32 to vector<16xi32>
      %eq3A_137 = arith.cmpi eq, %get3A_128, %eq3A_136 : vector<16xi32>
      %broadcast_in_dim3A_138 = vector.broadcast %squeeze3A_19 : i32 to vector<16xi32>
      %select_n3A_139 = arith.select %eq3A_137, %broadcast_in_dim3A_138, %select_n3A_134 : vector<16xi1>, vector<16xi32>
      %eq3A_140 = arith.constant 3 : i32
      %eq3A_141 = vector.broadcast %eq3A_140 : i32 to vector<16xi32>
      %eq3A_142 = arith.cmpi eq, %get3A_128, %eq3A_141 : vector<16xi32>
      %broadcast_in_dim3A_143 = vector.broadcast %squeeze3A_21 : i32 to vector<16xi32>
      %select_n3A_144 = arith.select %eq3A_142, %broadcast_in_dim3A_143, %select_n3A_139 : vector<16xi1>, vector<16xi32>
      %get3A_145 = arith.constant 32 : index
      %get3A_146 = tpu.vector_load %arg14[%get3A_145] {strides = array<i32>} : memref<64xi32, #tpu.memory_space<vmem>>, vector<16xi32>,
      %get3A_147 = vector.shape_cast %get3A_146 : vector<16xi32> to vector<16xi32>
      %add3A_148 = arith.addi %select_n3A_144, %get3A_147 : vector<16xi32>
      %swap3A_149 = arith.constant 32 : index
      %swap3A_150 = tpu.vector_load %arg16[%swap3A_149] {strides = array<i32>} : memref<64xi32, #tpu.memory_space<vmem>>, vector<16xi32>,
      %swap3A_151 = vector.shape_cast %swap3A_150 : vector<16xi32> to vector<16xi32>
      %swap3A_152 = vector.shape_cast %add3A_148 : vector<16xi32> to vector<16xi32>
      tpu.vector_store %arg16[%swap3A_149], %swap3A_152 {strides = array<i32>} : memref<64xi32, #tpu.memory_space<vmem>>, vector<16xi32>,
      %get3A_153 = arith.constant 32 : index
      %get3A_154 = tpu.vector_load %arg13[%get3A_153] {strides = array<i32>} : memref<64xi32, #tpu.memory_space<vmem>>, vector<16xi32>,
      %get3A_155 = vector.shape_cast %get3A_154 : vector<16xi32> to vector<16xi32>
      %broadcast_in_dim3A_156 = vector.broadcast %squeeze3A : i32 to vector<16xi32>
      %eq3A_157 = arith.constant 1 : i32
      %eq3A_158 = vector.broadcast %eq3A_157 : i32 to vector<16xi32>
      %eq3A_159 = arith.cmpi eq, %get3A_155, %eq3A_158 : vector<16xi32>
      %broadcast_in_dim3A_160 = vector.broadcast %squeeze3A_17 : i32 to vector<16xi32>
      %select_n3A_161 = arith.select %eq3A_159, %broadcast_in_dim3A_160, %broadcast_in_dim3A_156 : vector<16xi1>, vector<16xi32>
      %eq3A_162 = arith.constant 2 : i32
      %eq3A_163 = vector.broadcast %eq3A_162 : i32 to vector<16xi32>
      %eq3A_164 = arith.cmpi eq, %get3A_155, %eq3A_163 : vector<16xi32>
      %broadcast_in_dim3A_165 = vector.broadcast %squeeze3A_19 : i32 to vector<16xi32>
      %select_n3A_166 = arith.select %eq3A_164, %broadcast_in_dim3A_165, %select_n3A_161 : vector<16xi1>, vector<16xi32>
      %eq3A_167 = arith.constant 3 : i32
      %eq3A_168 = vector.broadcast %eq3A_167 : i32 to vector<16xi32>
      %eq3A_169 = arith.cmpi eq, %get3A_155, %eq3A_168 : vector<16xi32>
      %broadcast_in_dim3A_170 = vector.broadcast %squeeze3A_21 : i32 to vector<16xi32>
      %select_n3A_171 = arith.select %eq3A_169, %broadcast_in_dim3A_170, %select_n3A_166 : vector<16xi1>, vector<16xi32>
      %get3A_172 = arith.constant 32 : index
      %get3A_173 = tpu.vector_load %arg15[%get3A_172] {strides = array<i32>} : memref<64xi32, #tpu.memory_space<vmem>>, vector<16xi32>,
      %get3A_174 = vector.shape_cast %get3A_173 : vector<16xi32> to vector<16xi32>
      %add3A_175 = arith.addi %select_n3A_171, %get3A_174 : vector<16xi32>
      %swap3A_176 = arith.constant 32 : index
      %swap3A_177 = tpu.vector_load %arg17[%swap3A_176] {strides = array<i32>} : memref<64xi32, #tpu.memory_space<vmem>>, vector<16xi32>,
      %swap3A_178 = vector.shape_cast %swap3A_177 : vector<16xi32> to vector<16xi32>
      %swap3A_179 = vector.shape_cast %add3A_175 : vector<16xi32> to vector<16xi32>
      tpu.vector_store %arg17[%swap3A_176], %swap3A_179 {strides = array<i32>} : memref<64xi32, #tpu.memory_space<vmem>>, vector<16xi32>,
      %get3A_180 = arith.constant 48 : index
      %get3A_181 = tpu.vector_load %arg12[%get3A_180] {strides = array<i32>} : memref<64xi32, #tpu.memory_space<vmem>>, vector<16xi32>,
      %get3A_182 = vector.shape_cast %get3A_181 : vector<16xi32> to vector<16xi32>
      %broadcast_in_dim3A_183 = vector.broadcast %squeeze3A : i32 to vector<16xi32>
      %eq3A_184 = arith.constant 1 : i32
      %eq3A_185 = vector.broadcast %eq3A_184 : i32 to vector<16xi32>
      %eq3A_186 = arith.cmpi eq, %get3A_182, %eq3A_185 : vector<16xi32>
      %broadcast_in_dim3A_187 = vector.broadcast %squeeze3A_17 : i32 to vector<16xi32>
      %select_n3A_188 = arith.select %eq3A_186, %broadcast_in_dim3A_187, %broadcast_in_dim3A_183 : vector<16xi1>, vector<16xi32>
      %eq3A_189 = arith.constant 2 : i32
      %eq3A_190 = vector.broadcast %eq3A_189 : i32 to vector<16xi32>
      %eq3A_191 = arith.cmpi eq, %get3A_182, %eq3A_190 : vector<16xi32>
      %broadcast_in_dim3A_192 = vector.broadcast %squeeze3A_19 : i32 to vector<16xi32>
      %select_n3A_193 = arith.select %eq3A_191, %broadcast_in_dim3A_192, %select_n3A_188 : vector<16xi1>, vector<16xi32>
      %eq3A_194 = arith.constant 3 : i32
      %eq3A_195 = vector.broadcast %eq3A_194 : i32 to vector<16xi32>
      %eq3A_196 = arith.cmpi eq, %get3A_182, %eq3A_195 : vector<16xi32>
      %broadcast_in_dim3A_197 = vector.broadcast %squeeze3A_21 : i32 to vector<16xi32>
      %select_n3A_198 = arith.select %eq3A_196, %broadcast_in_dim3A_197, %select_n3A_193 : vector<16xi1>, vector<16xi32>
      %get3A_199 = arith.constant 48 : index
      %get3A_200 = tpu.vector_load %arg14[%get3A_199] {strides = array<i32>} : memref<64xi32, #tpu.memory_space<vmem>>, vector<16xi32>,
      %get3A_201 = vector.shape_cast %get3A_200 : vector<16xi32> to vector<16xi32>
      %add3A_202 = arith.addi %select_n3A_198, %get3A_201 : vector<16xi32>
      %swap3A_203 = arith.constant 48 : index
      %swap3A_204 = tpu.vector_load %arg16[%swap3A_203] {strides = array<i32>} : memref<64xi32, #tpu.memory_space<vmem>>, vector<16xi32>,
      %swap3A_205 = vector.shape_cast %swap3A_204 : vector<16xi32> to vector<16xi32>
      %swap3A_206 = vector.shape_cast %add3A_202 : vector<16xi32> to vector<16xi32>
      tpu.vector_store %arg16[%swap3A_203], %swap3A_206 {strides = array<i32>} : memref<64xi32, #tpu.memory_space<vmem>>, vector<16xi32>,
      %get3A_207 = arith.constant 48 : index
      %get3A_208 = tpu.vector_load %arg13[%get3A_207] {strides = array<i32>} : memref<64xi32, #tpu.memory_space<vmem>>, vector<16xi32>,
      %get3A_209 = vector.shape_cast %get3A_208 : vector<16xi32> to vector<16xi32>
      %broadcast_in_dim3A_210 = vector.broadcast %squeeze3A : i32 to vector<16xi32>
      %eq3A_211 = arith.constant 1 : i32
      %eq3A_212 = vector.broadcast %eq3A_211 : i32 to vector<16xi32>
      %eq3A_213 = arith.cmpi eq, %get3A_209, %eq3A_212 : vector<16xi32>
      %broadcast_in_dim3A_214 = vector.broadcast %squeeze3A_17 : i32 to vector<16xi32>
      %select_n3A_215 = arith.select %eq3A_213, %broadcast_in_dim3A_214, %broadcast_in_dim3A_210 : vector<16xi1>, vector<16xi32>
      %eq3A_216 = arith.constant 2 : i32
      %eq3A_217 = vector.broadcast %eq3A_216 : i32 to vector<16xi32>
      %eq3A_218 = arith.cmpi eq, %get3A_209, %eq3A_217 : vector<16xi32>
      %broadcast_in_dim3A_219 = vector.broadcast %squeeze3A_19 : i32 to vector<16xi32>
      %select_n3A_220 = arith.select %eq3A_218, %broadcast_in_dim3A_219, %select_n3A_215 : vector<16xi1>, vector<16xi32>
      %eq3A_221 = arith.constant 3 : i32
      %eq3A_222 = vector.broadcast %eq3A_221 : i32 to vector<16xi32>
      %eq3A_223 = arith.cmpi eq, %get3A_209, %eq3A_222 : vector<16xi32>
      %broadcast_in_dim3A_224 = vector.broadcast %squeeze3A_21 : i32 to vector<16xi32>
      %select_n3A_225 = arith.select %eq3A_223, %broadcast_in_dim3A_224, %select_n3A_220 : vector<16xi1>, vector<16xi32>
      %get3A_226 = arith.constant 48 : index
      %get3A_227 = tpu.vector_load %arg15[%get3A_226] {strides = array<i32>} : memref<64xi32, #tpu.memory_space<vmem>>, vector<16xi32>,
      %get3A_228 = vector.shape_cast %get3A_227 : vector<16xi32> to vector<16xi32>
      %add3A_229 = arith.addi %select_n3A_225, %get3A_228 : vector<16xi32>
      %swap3A_230 = arith.constant 48 : index
      %swap3A_231 = tpu.vector_load %arg17[%swap3A_230] {strides = array<i32>} : memref<64xi32, #tpu.memory_space<vmem>>, vector<16xi32>,
      %swap3A_232 = vector.shape_cast %swap3A_231 : vector<16xi32> to vector<16xi32>
      %swap3A_233 = vector.shape_cast %add3A_229 : vector<16xi32> to vector<16xi32>
      tpu.vector_store %arg17[%swap3A_230], %swap3A_233 {strides = array<i32>} : memref<64xi32, #tpu.memory_space<vmem>>, vector<16xi32>,
      "tpu.region"() ({
        %run_scoped3A = tpu.sem_alloc : memref<!tpu.dma_semaphore, #tpu.memory_space<semaphore_mem>>
        %dma_start3A_245 = arith.constant 0 : i32
        %dma_start3A_246 = tpu.memref_slice %arg2[%add3A_13, %dma_start3A_245] : memref<32768x512xf32, #tpu.memory_space<hbm>> -> memref<64x512xf32, #tpu.memory_space<hbm>>
        %dma_start3A_247 = arith.constant 0 : i32
        %dma_start3A_248 = tpu.memref_slice %arg2[%add3A_13, %dma_start3A_247] : memref<32768x512xf32, #tpu.memory_space<hbm>> -> memref<64x512xf32, #tpu.memory_space<hbm>>
        tpu.enqueue_dma source(%dma_start3A_248 : memref<64x512xf32, #tpu.memory_space<hbm>>) target(%arg11 : memref<64x512xf32, #tpu.memory_space<vmem>>) target_semaphore(%run_scoped3A : memref<!tpu.dma_semaphore, #tpu.memory_space<semaphore_mem>>)
        %dma_wait3A_249 = arith.constant 0 : i32
        %dma_wait3A_250 = tpu.memref_slice %arg2[%add3A_13, %dma_wait3A_249] : memref<32768x512xf32, #tpu.memory_space<hbm>> -> memref<64x512xf32, #tpu.memory_space<hbm>>
        %dma_wait3A_251 = arith.constant 0 : i32
        %dma_wait3A_252 = tpu.memref_slice %arg2[%add3A_13, %dma_wait3A_251] : memref<32768x512xf32, #tpu.memory_space<hbm>> -> memref<64x512xf32, #tpu.memory_space<hbm>>
        tpu.wait_dma2 semaphore(%run_scoped3A : memref<!tpu.dma_semaphore, #tpu.memory_space<semaphore_mem>>) src(%dma_wait3A_252 : memref<64x512xf32, #tpu.memory_space<hbm>>) dst(%arg11 : memref<64x512xf32, #tpu.memory_space<vmem>>)
        tpu.yield
      }) : () -> ()
      %dma_start3A = arith.constant 0 : i32
      %dma_start3A_234 = arith.constant 0 : i32
      %dma_start3A_235 = tpu.memref_slice %arg8[%dma_start3A, %dma_start3A_234] : memref<67584x512xf32, #tpu.memory_space<hbm>> -> memref<67584x512xf32, #tpu.memory_space<hbm>>
      tpu.enqueue_indirect_dma source(%arg11 : memref<64x512xf32, #tpu.memory_space<vmem>>) target(%dma_start3A_235 : memref<67584x512xf32, #tpu.memory_space<hbm>>) offsets(%arg16 : memref<64xi32, #tpu.memory_space<vmem>>) semaphore(%arg19 : memref<!tpu.dma_semaphore, #tpu.memory_space<semaphore_mem>>)
      %dma_wait3A = arith.constant 0 : i32
      %dma_wait3A_236 = arith.constant 0 : i32
      %dma_wait3A_237 = tpu.memref_slice %arg8[%dma_wait3A, %dma_wait3A_236] : memref<67584x512xf32, #tpu.memory_space<hbm>> -> memref<67584x512xf32, #tpu.memory_space<hbm>>
      tpu.wait_indirect_dma semaphore(%arg19 : memref<!tpu.dma_semaphore, #tpu.memory_space<semaphore_mem>>) src(%arg11 : memref<64x512xf32, #tpu.memory_space<vmem>>) dst(%dma_wait3A_237 : memref<67584x512xf32, #tpu.memory_space<hbm>>)
      %dma_start3A_238 = arith.constant 0 : i32
      %dma_start3A_239 = arith.constant 0 : i32
      %dma_start3A_240 = tpu.memref_slice %arg8[%dma_start3A_238, %dma_start3A_239] : memref<67584x512xf32, #tpu.memory_space<hbm>> -> memref<67584x512xf32, #tpu.memory_space<hbm>>
      tpu.enqueue_indirect_dma source(%arg11 : memref<64x512xf32, #tpu.memory_space<vmem>>) target(%dma_start3A_240 : memref<67584x512xf32, #tpu.memory_space<hbm>>) offsets(%arg17 : memref<64xi32, #tpu.memory_space<vmem>>) semaphore(%arg19 : memref<!tpu.dma_semaphore, #tpu.memory_space<semaphore_mem>>)
      %dma_wait3A_241 = arith.constant 0 : i32
      %dma_wait3A_242 = arith.constant 0 : i32
      %dma_wait3A_243 = tpu.memref_slice %arg8[%dma_wait3A_241, %dma_wait3A_242] : memref<67584x512xf32, #tpu.memory_space<hbm>> -> memref<67584x512xf32, #tpu.memory_space<hbm>>
      tpu.wait_indirect_dma semaphore(%arg19 : memref<!tpu.dma_semaphore, #tpu.memory_space<semaphore_mem>>) src(%arg11 : memref<64x512xf32, #tpu.memory_space<vmem>>) dst(%dma_wait3A_243 : memref<67584x512xf32, #tpu.memory_space<hbm>>)
      "tpu.region"() ({
        %run_scoped3A = tpu.sem_alloc : memref<!tpu.dma_semaphore, #tpu.memory_space<semaphore_mem>>
        %dma_start3A_245 = tpu.memref_slice %arg9[%add3A_13] : memref<32768xi32, #tpu.memory_space<hbm>> -> memref<64xi32, #tpu.memory_space<hbm>>
        %dma_start3A_246 = tpu.memref_slice %arg9[%add3A_13] : memref<32768xi32, #tpu.memory_space<hbm>> -> memref<64xi32, #tpu.memory_space<hbm>>
        tpu.enqueue_dma source(%arg16 : memref<64xi32, #tpu.memory_space<vmem>>) target(%dma_start3A_246 : memref<64xi32, #tpu.memory_space<hbm>>) target_semaphore(%run_scoped3A : memref<!tpu.dma_semaphore, #tpu.memory_space<semaphore_mem>>)
        %dma_wait3A_247 = tpu.memref_slice %arg9[%add3A_13] : memref<32768xi32, #tpu.memory_space<hbm>> -> memref<64xi32, #tpu.memory_space<hbm>>
        %dma_wait3A_248 = tpu.memref_slice %arg9[%add3A_13] : memref<32768xi32, #tpu.memory_space<hbm>> -> memref<64xi32, #tpu.memory_space<hbm>>
        tpu.wait_dma2 semaphore(%run_scoped3A : memref<!tpu.dma_semaphore, #tpu.memory_space<semaphore_mem>>) src(%arg16 : memref<64xi32, #tpu.memory_space<vmem>>) dst(%dma_wait3A_248 : memref<64xi32, #tpu.memory_space<hbm>>)
        tpu.yield
      }) : () -> ()
      "tpu.region"() ({
        %run_scoped3A = tpu.sem_alloc : memref<!tpu.dma_semaphore, #tpu.memory_space<semaphore_mem>>
        %dma_start3A_245 = tpu.memref_slice %arg10[%add3A_13] : memref<32768xi32, #tpu.memory_space<hbm>> -> memref<64xi32, #tpu.memory_space<hbm>>
        %dma_start3A_246 = tpu.memref_slice %arg10[%add3A_13] : memref<32768xi32, #tpu.memory_space<hbm>> -> memref<64xi32, #tpu.memory_space<hbm>>
        tpu.enqueue_dma source(%arg17 : memref<64xi32, #tpu.memory_space<vmem>>) target(%dma_start3A_246 : memref<64xi32, #tpu.memory_space<hbm>>) target_semaphore(%run_scoped3A : memref<!tpu.dma_semaphore, #tpu.memory_space<semaphore_mem>>)
        %dma_wait3A_247 = tpu.memref_slice %arg10[%add3A_13] : memref<32768xi32, #tpu.memory_space<hbm>> -> memref<64xi32, #tpu.memory_space<hbm>>
        %dma_wait3A_248 = tpu.memref_slice %arg10[%add3A_13] : memref<32768xi32, #tpu.memory_space<hbm>> -> memref<64xi32, #tpu.memory_space<hbm>>
        tpu.wait_dma2 semaphore(%run_scoped3A : memref<!tpu.dma_semaphore, #tpu.memory_space<semaphore_mem>>) src(%arg17 : memref<64xi32, #tpu.memory_space<vmem>>) dst(%dma_wait3A_248 : memref<64xi32, #tpu.memory_space<hbm>>)
        tpu.yield
      }) : () -> ()
      %scan3A_244 = arith.constant 0 : i32
      scf.yield %scan3A_244 : i32
    }
    %scan3A_8 = arith.constant 16 : i32
    return
  }
}

#map = affine_map<(d0, d1) -> (0, 0)>
#map1 = affine_map<(d0, d1) -> (0)>
module attributes {stable_mosaic.version = 14 : i64} {
  func.func @k(%arg0: i32, %arg1: i32, %arg2: memref<67584x512xf32, #tpu.memory_space<hbm>>, %arg3: memref<32768xi32, #tpu.memory_space<hbm>>, %arg4: memref<32768xi32, #tpu.memory_space<hbm>>, %arg5: memref<32768x16xf32, #tpu.memory_space<hbm>>, %arg6: memref<32768x16xf32, #tpu.memory_space<hbm>>, %arg7: memref<32768x512xf32, #tpu.memory_space<hbm>>, %arg8: memref<32x512xf32, #tpu.memory_space<vmem>>, %arg9: memref<32x512xf32, #tpu.memory_space<vmem>>, %arg10: memref<32x512xf32, #tpu.memory_space<vmem>>, %arg11: memref<32x512xf32, #tpu.memory_space<vmem>>, %arg12: memref<32x512xf32, #tpu.memory_space<vmem>>, %arg13: memref<32xi32, #tpu.memory_space<vmem>>, %arg14: memref<32xi32, #tpu.memory_space<vmem>>, %arg15: memref<32xi32, #tpu.memory_space<vmem>>, %arg16: memref<32xi32, #tpu.memory_space<vmem>>, %arg17: memref<32x16xf32, #tpu.memory_space<vmem>>, %arg18: memref<32x16xf32, #tpu.memory_space<vmem>>, %arg19: memref<32x16xf32, #tpu.memory_space<vmem>>, %arg20: memref<32x16xf32, #tpu.memory_space<vmem>>, %arg21: memref<!tpu.dma_semaphore, #tpu.memory_space<semaphore_mem>>, %arg22: memref<!tpu.dma_semaphore, #tpu.memory_space<semaphore_mem>>) attributes {dimension_semantics = [#tpu.dimension_semantics<core_parallel>, #tpu.dimension_semantics<subcore_parallel>], iteration_bounds = array<i64: 2, 16>, scalar_prefetch = 0 : i64, scratch_operands = 15 : i64, tpu.core_type = #tpu.core_type<sc_vector_subcore>, window_params = [{transform_indices = #map}, {transform_indices = #map1}, {transform_indices = #map1}, {transform_indices = #map}, {transform_indices = #map}, {transform_indices = #map}]} {
    %mul3A = arith.constant 2 : i32
    %mul3A_0 = arith.muli %arg1, %mul3A : i32
    %add3A = arith.addi %mul3A_0, %arg0 : i32
    %mul3A_1 = arith.constant 1024 : i32
    %mul3A_2 = arith.muli %add3A, %mul3A_1 : i32
    %add3A_3 = arith.constant 0 : i32
    %add3A_4 = arith.addi %mul3A_2, %add3A_3 : i32
    "tpu.region"() ({
      %run_scoped3A = tpu.sem_alloc : memref<!tpu.dma_semaphore, #tpu.memory_space<semaphore_mem>>
      %dma_start3A_16 = tpu.memref_slice %arg3[%add3A_4] : memref<32768xi32, #tpu.memory_space<hbm>> -> memref<32xi32, #tpu.memory_space<hbm>>
      %dma_start3A_17 = tpu.memref_slice %arg3[%add3A_4] : memref<32768xi32, #tpu.memory_space<hbm>> -> memref<32xi32, #tpu.memory_space<hbm>>
      tpu.enqueue_dma source(%dma_start3A_17 : memref<32xi32, #tpu.memory_space<hbm>>) target(%arg13 : memref<32xi32, #tpu.memory_space<vmem>>) target_semaphore(%run_scoped3A : memref<!tpu.dma_semaphore, #tpu.memory_space<semaphore_mem>>)
      %dma_wait3A = tpu.memref_slice %arg3[%add3A_4] : memref<32768xi32, #tpu.memory_space<hbm>> -> memref<32xi32, #tpu.memory_space<hbm>>
      %dma_wait3A_18 = tpu.memref_slice %arg3[%add3A_4] : memref<32768xi32, #tpu.memory_space<hbm>> -> memref<32xi32, #tpu.memory_space<hbm>>
      tpu.wait_dma2 semaphore(%run_scoped3A : memref<!tpu.dma_semaphore, #tpu.memory_space<semaphore_mem>>) src(%dma_wait3A_18 : memref<32xi32, #tpu.memory_space<hbm>>) dst(%arg13 : memref<32xi32, #tpu.memory_space<vmem>>)
      tpu.yield
    }) : () -> ()
    "tpu.region"() ({
      %run_scoped3A = tpu.sem_alloc : memref<!tpu.dma_semaphore, #tpu.memory_space<semaphore_mem>>
      %dma_start3A_16 = tpu.memref_slice %arg4[%add3A_4] : memref<32768xi32, #tpu.memory_space<hbm>> -> memref<32xi32, #tpu.memory_space<hbm>>
      %dma_start3A_17 = tpu.memref_slice %arg4[%add3A_4] : memref<32768xi32, #tpu.memory_space<hbm>> -> memref<32xi32, #tpu.memory_space<hbm>>
      tpu.enqueue_dma source(%dma_start3A_17 : memref<32xi32, #tpu.memory_space<hbm>>) target(%arg15 : memref<32xi32, #tpu.memory_space<vmem>>) target_semaphore(%run_scoped3A : memref<!tpu.dma_semaphore, #tpu.memory_space<semaphore_mem>>)
      %dma_wait3A = tpu.memref_slice %arg4[%add3A_4] : memref<32768xi32, #tpu.memory_space<hbm>> -> memref<32xi32, #tpu.memory_space<hbm>>
      %dma_wait3A_18 = tpu.memref_slice %arg4[%add3A_4] : memref<32768xi32, #tpu.memory_space<hbm>> -> memref<32xi32, #tpu.memory_space<hbm>>
      tpu.wait_dma2 semaphore(%run_scoped3A : memref<!tpu.dma_semaphore, #tpu.memory_space<semaphore_mem>>) src(%dma_wait3A_18 : memref<32xi32, #tpu.memory_space<hbm>>) dst(%arg15 : memref<32xi32, #tpu.memory_space<vmem>>)
      tpu.yield
    }) : () -> ()
    "tpu.region"() ({
      %run_scoped3A = tpu.sem_alloc : memref<!tpu.dma_semaphore, #tpu.memory_space<semaphore_mem>>
      %dma_start3A_16 = arith.constant 0 : i32
      %dma_start3A_17 = tpu.memref_slice %arg5[%add3A_4, %dma_start3A_16] : memref<32768x16xf32, #tpu.memory_space<hbm>> -> memref<32x16xf32, #tpu.memory_space<hbm>>
      %dma_start3A_18 = arith.constant 0 : i32
      %dma_start3A_19 = tpu.memref_slice %arg5[%add3A_4, %dma_start3A_18] : memref<32768x16xf32, #tpu.memory_space<hbm>> -> memref<32x16xf32, #tpu.memory_space<hbm>>
      tpu.enqueue_dma source(%dma_start3A_19 : memref<32x16xf32, #tpu.memory_space<hbm>>) target(%arg17 : memref<32x16xf32, #tpu.memory_space<vmem>>) target_semaphore(%run_scoped3A : memref<!tpu.dma_semaphore, #tpu.memory_space<semaphore_mem>>)
      %dma_wait3A = arith.constant 0 : i32
      %dma_wait3A_20 = tpu.memref_slice %arg5[%add3A_4, %dma_wait3A] : memref<32768x16xf32, #tpu.memory_space<hbm>> -> memref<32x16xf32, #tpu.memory_space<hbm>>
      %dma_wait3A_21 = arith.constant 0 : i32
      %dma_wait3A_22 = tpu.memref_slice %arg5[%add3A_4, %dma_wait3A_21] : memref<32768x16xf32, #tpu.memory_space<hbm>> -> memref<32x16xf32, #tpu.memory_space<hbm>>
      tpu.wait_dma2 semaphore(%run_scoped3A : memref<!tpu.dma_semaphore, #tpu.memory_space<semaphore_mem>>) src(%dma_wait3A_22 : memref<32x16xf32, #tpu.memory_space<hbm>>) dst(%arg17 : memref<32x16xf32, #tpu.memory_space<vmem>>)
      tpu.yield
    }) : () -> ()
    "tpu.region"() ({
      %run_scoped3A = tpu.sem_alloc : memref<!tpu.dma_semaphore, #tpu.memory_space<semaphore_mem>>
      %dma_start3A_16 = arith.constant 0 : i32
      %dma_start3A_17 = tpu.memref_slice %arg6[%add3A_4, %dma_start3A_16] : memref<32768x16xf32, #tpu.memory_space<hbm>> -> memref<32x16xf32, #tpu.memory_space<hbm>>
      %dma_start3A_18 = arith.constant 0 : i32
      %dma_start3A_19 = tpu.memref_slice %arg6[%add3A_4, %dma_start3A_18] : memref<32768x16xf32, #tpu.memory_space<hbm>> -> memref<32x16xf32, #tpu.memory_space<hbm>>
      tpu.enqueue_dma source(%dma_start3A_19 : memref<32x16xf32, #tpu.memory_space<hbm>>) target(%arg19 : memref<32x16xf32, #tpu.memory_space<vmem>>) target_semaphore(%run_scoped3A : memref<!tpu.dma_semaphore, #tpu.memory_space<semaphore_mem>>)
      %dma_wait3A = arith.constant 0 : i32
      %dma_wait3A_20 = tpu.memref_slice %arg6[%add3A_4, %dma_wait3A] : memref<32768x16xf32, #tpu.memory_space<hbm>> -> memref<32x16xf32, #tpu.memory_space<hbm>>
      %dma_wait3A_21 = arith.constant 0 : i32
      %dma_wait3A_22 = tpu.memref_slice %arg6[%add3A_4, %dma_wait3A_21] : memref<32768x16xf32, #tpu.memory_space<hbm>> -> memref<32x16xf32, #tpu.memory_space<hbm>>
      tpu.wait_dma2 semaphore(%run_scoped3A : memref<!tpu.dma_semaphore, #tpu.memory_space<semaphore_mem>>) src(%dma_wait3A_22 : memref<32x16xf32, #tpu.memory_space<hbm>>) dst(%arg19 : memref<32x16xf32, #tpu.memory_space<vmem>>)
      tpu.yield
    }) : () -> ()
    %dma_start3A = arith.constant 0 : i32
    %dma_start3A_5 = arith.constant 0 : i32
    %dma_start3A_6 = tpu.memref_slice %arg2[%dma_start3A, %dma_start3A_5] : memref<67584x512xf32, #tpu.memory_space<hbm>> -> memref<67584x512xf32, #tpu.memory_space<hbm>>
    tpu.enqueue_indirect_dma source(%dma_start3A_6 : memref<67584x512xf32, #tpu.memory_space<hbm>>) target(%arg8 : memref<32x512xf32, #tpu.memory_space<vmem>>) offsets(%arg13 : memref<32xi32, #tpu.memory_space<vmem>>) semaphore(%arg21 : memref<!tpu.dma_semaphore, #tpu.memory_space<semaphore_mem>>)
    %dma_start3A_7 = arith.constant 0 : i32
    %dma_start3A_8 = arith.constant 0 : i32
    %dma_start3A_9 = tpu.memref_slice %arg2[%dma_start3A_7, %dma_start3A_8] : memref<67584x512xf32, #tpu.memory_space<hbm>> -> memref<67584x512xf32, #tpu.memory_space<hbm>>
    tpu.enqueue_indirect_dma source(%dma_start3A_9 : memref<67584x512xf32, #tpu.memory_space<hbm>>) target(%arg10 : memref<32x512xf32, #tpu.memory_space<vmem>>) offsets(%arg15 : memref<32xi32, #tpu.memory_space<vmem>>) semaphore(%arg21 : memref<!tpu.dma_semaphore, #tpu.memory_space<semaphore_mem>>)
    %scan3A = arith.constant 0 : i32
    %scan3A_10 = arith.constant 0 : i32
    %scan3A_11 = arith.constant 16 : i32
    %scan3A_12 = arith.addi %scan3A_10, %scan3A_11 : i32
    %scan3A_13 = arith.constant 1 : i32
    %scan3A_14 = scf.for %scan3A_16 = %scan3A_10 to %scan3A_12 step %scan3A_13 iter_args(%scan3A_17 = %scan3A) -> (i32)  : i32 {
      %mul3A_18 = arith.constant 2 : i32
      %mul3A_19 = arith.muli %mul3A_18, %scan3A_16 : i32
      %add3A_20 = arith.constant 1 : i32
      %add3A_21 = arith.addi %mul3A_19, %add3A_20 : i32
      %mul3A_22 = arith.constant 32 : i32
      %mul3A_23 = arith.muli %add3A_21, %mul3A_22 : i32
      %add3A_24 = arith.addi %mul3A_2, %mul3A_23 : i32
      "tpu.region"() ({
        %run_scoped3A = tpu.sem_alloc : memref<!tpu.dma_semaphore, #tpu.memory_space<semaphore_mem>>
        %dma_start3A_71 = tpu.memref_slice %arg3[%add3A_24] : memref<32768xi32, #tpu.memory_space<hbm>> -> memref<32xi32, #tpu.memory_space<hbm>>
        %dma_start3A_72 = tpu.memref_slice %arg3[%add3A_24] : memref<32768xi32, #tpu.memory_space<hbm>> -> memref<32xi32, #tpu.memory_space<hbm>>
        tpu.enqueue_dma source(%dma_start3A_72 : memref<32xi32, #tpu.memory_space<hbm>>) target(%arg14 : memref<32xi32, #tpu.memory_space<vmem>>) target_semaphore(%run_scoped3A : memref<!tpu.dma_semaphore, #tpu.memory_space<semaphore_mem>>)
        %dma_wait3A_73 = tpu.memref_slice %arg3[%add3A_24] : memref<32768xi32, #tpu.memory_space<hbm>> -> memref<32xi32, #tpu.memory_space<hbm>>
        %dma_wait3A_74 = tpu.memref_slice %arg3[%add3A_24] : memref<32768xi32, #tpu.memory_space<hbm>> -> memref<32xi32, #tpu.memory_space<hbm>>
        tpu.wait_dma2 semaphore(%run_scoped3A : memref<!tpu.dma_semaphore, #tpu.memory_space<semaphore_mem>>) src(%dma_wait3A_74 : memref<32xi32, #tpu.memory_space<hbm>>) dst(%arg14 : memref<32xi32, #tpu.memory_space<vmem>>)
        tpu.yield
      }) : () -> ()
      "tpu.region"() ({
        %run_scoped3A = tpu.sem_alloc : memref<!tpu.dma_semaphore, #tpu.memory_space<semaphore_mem>>
        %dma_start3A_71 = tpu.memref_slice %arg4[%add3A_24] : memref<32768xi32, #tpu.memory_space<hbm>> -> memref<32xi32, #tpu.memory_space<hbm>>
        %dma_start3A_72 = tpu.memref_slice %arg4[%add3A_24] : memref<32768xi32, #tpu.memory_space<hbm>> -> memref<32xi32, #tpu.memory_space<hbm>>
        tpu.enqueue_dma source(%dma_start3A_72 : memref<32xi32, #tpu.memory_space<hbm>>) target(%arg16 : memref<32xi32, #tpu.memory_space<vmem>>) target_semaphore(%run_scoped3A : memref<!tpu.dma_semaphore, #tpu.memory_space<semaphore_mem>>)
        %dma_wait3A_73 = tpu.memref_slice %arg4[%add3A_24] : memref<32768xi32, #tpu.memory_space<hbm>> -> memref<32xi32, #tpu.memory_space<hbm>>
        %dma_wait3A_74 = tpu.memref_slice %arg4[%add3A_24] : memref<32768xi32, #tpu.memory_space<hbm>> -> memref<32xi32, #tpu.memory_space<hbm>>
        tpu.wait_dma2 semaphore(%run_scoped3A : memref<!tpu.dma_semaphore, #tpu.memory_space<semaphore_mem>>) src(%dma_wait3A_74 : memref<32xi32, #tpu.memory_space<hbm>>) dst(%arg16 : memref<32xi32, #tpu.memory_space<vmem>>)
        tpu.yield
      }) : () -> ()
      "tpu.region"() ({
        %run_scoped3A = tpu.sem_alloc : memref<!tpu.dma_semaphore, #tpu.memory_space<semaphore_mem>>
        %dma_start3A_71 = arith.constant 0 : i32
        %dma_start3A_72 = tpu.memref_slice %arg5[%add3A_24, %dma_start3A_71] : memref<32768x16xf32, #tpu.memory_space<hbm>> -> memref<32x16xf32, #tpu.memory_space<hbm>>
        %dma_start3A_73 = arith.constant 0 : i32
        %dma_start3A_74 = tpu.memref_slice %arg5[%add3A_24, %dma_start3A_73] : memref<32768x16xf32, #tpu.memory_space<hbm>> -> memref<32x16xf32, #tpu.memory_space<hbm>>
        tpu.enqueue_dma source(%dma_start3A_74 : memref<32x16xf32, #tpu.memory_space<hbm>>) target(%arg18 : memref<32x16xf32, #tpu.memory_space<vmem>>) target_semaphore(%run_scoped3A : memref<!tpu.dma_semaphore, #tpu.memory_space<semaphore_mem>>)
        %dma_wait3A_75 = arith.constant 0 : i32
        %dma_wait3A_76 = tpu.memref_slice %arg5[%add3A_24, %dma_wait3A_75] : memref<32768x16xf32, #tpu.memory_space<hbm>> -> memref<32x16xf32, #tpu.memory_space<hbm>>
        %dma_wait3A_77 = arith.constant 0 : i32
        %dma_wait3A_78 = tpu.memref_slice %arg5[%add3A_24, %dma_wait3A_77] : memref<32768x16xf32, #tpu.memory_space<hbm>> -> memref<32x16xf32, #tpu.memory_space<hbm>>
        tpu.wait_dma2 semaphore(%run_scoped3A : memref<!tpu.dma_semaphore, #tpu.memory_space<semaphore_mem>>) src(%dma_wait3A_78 : memref<32x16xf32, #tpu.memory_space<hbm>>) dst(%arg18 : memref<32x16xf32, #tpu.memory_space<vmem>>)
        tpu.yield
      }) : () -> ()
      "tpu.region"() ({
        %run_scoped3A = tpu.sem_alloc : memref<!tpu.dma_semaphore, #tpu.memory_space<semaphore_mem>>
        %dma_start3A_71 = arith.constant 0 : i32
        %dma_start3A_72 = tpu.memref_slice %arg6[%add3A_24, %dma_start3A_71] : memref<32768x16xf32, #tpu.memory_space<hbm>> -> memref<32x16xf32, #tpu.memory_space<hbm>>
        %dma_start3A_73 = arith.constant 0 : i32
        %dma_start3A_74 = tpu.memref_slice %arg6[%add3A_24, %dma_start3A_73] : memref<32768x16xf32, #tpu.memory_space<hbm>> -> memref<32x16xf32, #tpu.memory_space<hbm>>
        tpu.enqueue_dma source(%dma_start3A_74 : memref<32x16xf32, #tpu.memory_space<hbm>>) target(%arg20 : memref<32x16xf32, #tpu.memory_space<vmem>>) target_semaphore(%run_scoped3A : memref<!tpu.dma_semaphore, #tpu.memory_space<semaphore_mem>>)
        %dma_wait3A_75 = arith.constant 0 : i32
        %dma_wait3A_76 = tpu.memref_slice %arg6[%add3A_24, %dma_wait3A_75] : memref<32768x16xf32, #tpu.memory_space<hbm>> -> memref<32x16xf32, #tpu.memory_space<hbm>>
        %dma_wait3A_77 = arith.constant 0 : i32
        %dma_wait3A_78 = tpu.memref_slice %arg6[%add3A_24, %dma_wait3A_77] : memref<32768x16xf32, #tpu.memory_space<hbm>> -> memref<32x16xf32, #tpu.memory_space<hbm>>
        tpu.wait_dma2 semaphore(%run_scoped3A : memref<!tpu.dma_semaphore, #tpu.memory_space<semaphore_mem>>) src(%dma_wait3A_78 : memref<32x16xf32, #tpu.memory_space<hbm>>) dst(%arg20 : memref<32x16xf32, #tpu.memory_space<vmem>>)
        tpu.yield
      }) : () -> ()
      %dma_start3A_25 = arith.constant 0 : i32
      %dma_start3A_26 = arith.constant 0 : i32
      %dma_start3A_27 = tpu.memref_slice %arg2[%dma_start3A_25, %dma_start3A_26] : memref<67584x512xf32, #tpu.memory_space<hbm>> -> memref<67584x512xf32, #tpu.memory_space<hbm>>
      tpu.enqueue_indirect_dma source(%dma_start3A_27 : memref<67584x512xf32, #tpu.memory_space<hbm>>) target(%arg9 : memref<32x512xf32, #tpu.memory_space<vmem>>) offsets(%arg14 : memref<32xi32, #tpu.memory_space<vmem>>) semaphore(%arg22 : memref<!tpu.dma_semaphore, #tpu.memory_space<semaphore_mem>>)
      %dma_start3A_28 = arith.constant 0 : i32
      %dma_start3A_29 = arith.constant 0 : i32
      %dma_start3A_30 = tpu.memref_slice %arg2[%dma_start3A_28, %dma_start3A_29] : memref<67584x512xf32, #tpu.memory_space<hbm>> -> memref<67584x512xf32, #tpu.memory_space<hbm>>
      tpu.enqueue_indirect_dma source(%dma_start3A_30 : memref<67584x512xf32, #tpu.memory_space<hbm>>) target(%arg11 : memref<32x512xf32, #tpu.memory_space<vmem>>) offsets(%arg16 : memref<32xi32, #tpu.memory_space<vmem>>) semaphore(%arg22 : memref<!tpu.dma_semaphore, #tpu.memory_space<semaphore_mem>>)
      %mul3A_31 = arith.constant 2 : i32
      %mul3A_32 = arith.muli %mul3A_31, %scan3A_16 : i32
      %mul3A_33 = arith.constant 32 : i32
      %mul3A_34 = arith.muli %mul3A_32, %mul3A_33 : i32
      %add3A_35 = arith.addi %mul3A_2, %mul3A_34 : i32
      %dma_wait3A = arith.constant 0 : i32
      %dma_wait3A_36 = arith.constant 0 : i32
      %dma_wait3A_37 = tpu.memref_slice %arg2[%dma_wait3A, %dma_wait3A_36] : memref<67584x512xf32, #tpu.memory_space<hbm>> -> memref<67584x512xf32, #tpu.memory_space<hbm>>
      tpu.wait_indirect_dma semaphore(%arg21 : memref<!tpu.dma_semaphore, #tpu.memory_space<semaphore_mem>>) src(%dma_wait3A_37 : memref<67584x512xf32, #tpu.memory_space<hbm>>) dst(%arg8 : memref<32x512xf32, #tpu.memory_space<vmem>>)
      %dma_wait3A_38 = arith.constant 0 : i32
      %dma_wait3A_39 = arith.constant 0 : i32
      %dma_wait3A_40 = tpu.memref_slice %arg2[%dma_wait3A_38, %dma_wait3A_39] : memref<67584x512xf32, #tpu.memory_space<hbm>> -> memref<67584x512xf32, #tpu.memory_space<hbm>>
      tpu.wait_indirect_dma semaphore(%arg21 : memref<!tpu.dma_semaphore, #tpu.memory_space<semaphore_mem>>) src(%dma_wait3A_40 : memref<67584x512xf32, #tpu.memory_space<hbm>>) dst(%arg10 : memref<32x512xf32, #tpu.memory_space<vmem>>)
      %scan3A_41 = arith.constant 0 : i32
      %scan3A_42 = arith.constant 0 : i32
      %scan3A_43 = arith.constant 32 : i32
      %scan3A_44 = arith.addi %scan3A_42, %scan3A_43 : i32
      %scan3A_45 = arith.constant 1 : i32
      %scan3A_46 = scf.for %scan3A_71 = %scan3A_42 to %scan3A_44 step %scan3A_45 iter_args(%scan3A_72 = %scan3A_41) -> (i32)  : i32 {
        %get3A = arith.index_cast %scan3A_71 : i32 to index
        %get3A_73 = arith.constant 0 : index
        %get3A_74 = tpu.vector_load %arg17[%get3A, %get3A_73] {strides = array<i32>} : memref<32x16xf32, #tpu.memory_space<vmem>>, vector<1x16xf32>,
        %get3A_75 = vector.shape_cast %get3A_74 : vector<1x16xf32> to vector<16xf32>
        %get3A_76 = arith.index_cast %scan3A_71 : i32 to index
        %get3A_77 = arith.constant 0 : index
        %get3A_78 = tpu.vector_load %arg19[%get3A_76, %get3A_77] {strides = array<i32>} : memref<32x16xf32, #tpu.memory_space<vmem>>, vector<1x16xf32>,
        %get3A_79 = vector.shape_cast %get3A_78 : vector<1x16xf32> to vector<16xf32>
        %get3A_80 = arith.index_cast %scan3A_71 : i32 to index
        %get3A_81 = arith.constant 0 : index
        %get3A_82 = tpu.vector_load %arg8[%get3A_80, %get3A_81] {strides = array<i32>} : memref<32x512xf32, #tpu.memory_space<vmem>>, vector<1x16xf32>,
        %get3A_83 = vector.shape_cast %get3A_82 : vector<1x16xf32> to vector<16xf32>
        %mul3A_84 = arith.mulf %get3A_75, %get3A_83 : vector<16xf32>
        %get3A_85 = arith.index_cast %scan3A_71 : i32 to index
        %get3A_86 = arith.constant 0 : index
        %get3A_87 = tpu.vector_load %arg10[%get3A_85, %get3A_86] {strides = array<i32>} : memref<32x512xf32, #tpu.memory_space<vmem>>, vector<1x16xf32>,
        %get3A_88 = vector.shape_cast %get3A_87 : vector<1x16xf32> to vector<16xf32>
        %mul3A_89 = arith.mulf %get3A_79, %get3A_88 : vector<16xf32>
        %add3A_90 = arith.addf %mul3A_84, %mul3A_89 : vector<16xf32>
        %swap3A = arith.index_cast %scan3A_71 : i32 to index
        %swap3A_91 = arith.constant 0 : index
        %swap3A_92 = tpu.vector_load %arg12[%swap3A, %swap3A_91] {strides = array<i32>} : memref<32x512xf32, #tpu.memory_space<vmem>>, vector<1x16xf32>,
        %swap3A_93 = vector.shape_cast %swap3A_92 : vector<1x16xf32> to vector<16xf32>
        %swap3A_94 = vector.shape_cast %add3A_90 : vector<16xf32> to vector<1x16xf32>
        tpu.vector_store %arg12[%swap3A, %swap3A_91], %swap3A_94 {strides = array<i32>} : memref<32x512xf32, #tpu.memory_space<vmem>>, vector<1x16xf32>,
        %get3A_95 = arith.index_cast %scan3A_71 : i32 to index
        %get3A_96 = arith.constant 16 : index
        %get3A_97 = tpu.vector_load %arg8[%get3A_95, %get3A_96] {strides = array<i32>} : memref<32x512xf32, #tpu.memory_space<vmem>>, vector<1x16xf32>,
        %get3A_98 = vector.shape_cast %get3A_97 : vector<1x16xf32> to vector<16xf32>
        %mul3A_99 = arith.mulf %get3A_75, %get3A_98 : vector<16xf32>
        %get3A_100 = arith.index_cast %scan3A_71 : i32 to index
        %get3A_101 = arith.constant 16 : index
        %get3A_102 = tpu.vector_load %arg10[%get3A_100, %get3A_101] {strides = array<i32>} : memref<32x512xf32, #tpu.memory_space<vmem>>, vector<1x16xf32>,
        %get3A_103 = vector.shape_cast %get3A_102 : vector<1x16xf32> to vector<16xf32>
        %mul3A_104 = arith.mulf %get3A_79, %get3A_103 : vector<16xf32>
        %add3A_105 = arith.addf %mul3A_99, %mul3A_104 : vector<16xf32>
        %swap3A_106 = arith.index_cast %scan3A_71 : i32 to index
        %swap3A_107 = arith.constant 16 : index
        %swap3A_108 = tpu.vector_load %arg12[%swap3A_106, %swap3A_107] {strides = array<i32>} : memref<32x512xf32, #tpu.memory_space<vmem>>, vector<1x16xf32>,
        %swap3A_109 = vector.shape_cast %swap3A_108 : vector<1x16xf32> to vector<16xf32>
        %swap3A_110 = vector.shape_cast %add3A_105 : vector<16xf32> to vector<1x16xf32>
        tpu.vector_store %arg12[%swap3A_106, %swap3A_107], %swap3A_110 {strides = array<i32>} : memref<32x512xf32, #tpu.memory_space<vmem>>, vector<1x16xf32>,
        %get3A_111 = arith.index_cast %scan3A_71 : i32 to index
        %get3A_112 = arith.constant 32 : index
        %get3A_113 = tpu.vector_load %arg8[%get3A_111, %get3A_112] {strides = array<i32>} : memref<32x512xf32, #tpu.memory_space<vmem>>, vector<1x16xf32>,
        %get3A_114 = vector.shape_cast %get3A_113 : vector<1x16xf32> to vector<16xf32>
        %mul3A_115 = arith.mulf %get3A_75, %get3A_114 : vector<16xf32>
        %get3A_116 = arith.index_cast %scan3A_71 : i32 to index
        %get3A_117 = arith.constant 32 : index
        %get3A_118 = tpu.vector_load %arg10[%get3A_116, %get3A_117] {strides = array<i32>} : memref<32x512xf32, #tpu.memory_space<vmem>>, vector<1x16xf32>,
        %get3A_119 = vector.shape_cast %get3A_118 : vector<1x16xf32> to vector<16xf32>
        %mul3A_120 = arith.mulf %get3A_79, %get3A_119 : vector<16xf32>
        %add3A_121 = arith.addf %mul3A_115, %mul3A_120 : vector<16xf32>
        %swap3A_122 = arith.index_cast %scan3A_71 : i32 to index
        %swap3A_123 = arith.constant 32 : index
        %swap3A_124 = tpu.vector_load %arg12[%swap3A_122, %swap3A_123] {strides = array<i32>} : memref<32x512xf32, #tpu.memory_space<vmem>>, vector<1x16xf32>,
        %swap3A_125 = vector.shape_cast %swap3A_124 : vector<1x16xf32> to vector<16xf32>
        %swap3A_126 = vector.shape_cast %add3A_121 : vector<16xf32> to vector<1x16xf32>
        tpu.vector_store %arg12[%swap3A_122, %swap3A_123], %swap3A_126 {strides = array<i32>} : memref<32x512xf32, #tpu.memory_space<vmem>>, vector<1x16xf32>,
        %get3A_127 = arith.index_cast %scan3A_71 : i32 to index
        %get3A_128 = arith.constant 48 : index
        %get3A_129 = tpu.vector_load %arg8[%get3A_127, %get3A_128] {strides = array<i32>} : memref<32x512xf32, #tpu.memory_space<vmem>>, vector<1x16xf32>,
        %get3A_130 = vector.shape_cast %get3A_129 : vector<1x16xf32> to vector<16xf32>
        %mul3A_131 = arith.mulf %get3A_75, %get3A_130 : vector<16xf32>
        %get3A_132 = arith.index_cast %scan3A_71 : i32 to index
        %get3A_133 = arith.constant 48 : index
        %get3A_134 = tpu.vector_load %arg10[%get3A_132, %get3A_133] {strides = array<i32>} : memref<32x512xf32, #tpu.memory_space<vmem>>, vector<1x16xf32>,
        %get3A_135 = vector.shape_cast %get3A_134 : vector<1x16xf32> to vector<16xf32>
        %mul3A_136 = arith.mulf %get3A_79, %get3A_135 : vector<16xf32>
        %add3A_137 = arith.addf %mul3A_131, %mul3A_136 : vector<16xf32>
        %swap3A_138 = arith.index_cast %scan3A_71 : i32 to index
        %swap3A_139 = arith.constant 48 : index
        %swap3A_140 = tpu.vector_load %arg12[%swap3A_138, %swap3A_139] {strides = array<i32>} : memref<32x512xf32, #tpu.memory_space<vmem>>, vector<1x16xf32>,
        %swap3A_141 = vector.shape_cast %swap3A_140 : vector<1x16xf32> to vector<16xf32>
        %swap3A_142 = vector.shape_cast %add3A_137 : vector<16xf32> to vector<1x16xf32>
        tpu.vector_store %arg12[%swap3A_138, %swap3A_139], %swap3A_142 {strides = array<i32>} : memref<32x512xf32, #tpu.memory_space<vmem>>, vector<1x16xf32>,
        %get3A_143 = arith.index_cast %scan3A_71 : i32 to index
        %get3A_144 = arith.constant 64 : index
        %get3A_145 = tpu.vector_load %arg8[%get3A_143, %get3A_144] {strides = array<i32>} : memref<32x512xf32, #tpu.memory_space<vmem>>, vector<1x16xf32>,
        %get3A_146 = vector.shape_cast %get3A_145 : vector<1x16xf32> to vector<16xf32>
        %mul3A_147 = arith.mulf %get3A_75, %get3A_146 : vector<16xf32>
        %get3A_148 = arith.index_cast %scan3A_71 : i32 to index
        %get3A_149 = arith.constant 64 : index
        %get3A_150 = tpu.vector_load %arg10[%get3A_148, %get3A_149] {strides = array<i32>} : memref<32x512xf32, #tpu.memory_space<vmem>>, vector<1x16xf32>,
        %get3A_151 = vector.shape_cast %get3A_150 : vector<1x16xf32> to vector<16xf32>
        %mul3A_152 = arith.mulf %get3A_79, %get3A_151 : vector<16xf32>
        %add3A_153 = arith.addf %mul3A_147, %mul3A_152 : vector<16xf32>
        %swap3A_154 = arith.index_cast %scan3A_71 : i32 to index
        %swap3A_155 = arith.constant 64 : index
        %swap3A_156 = tpu.vector_load %arg12[%swap3A_154, %swap3A_155] {strides = array<i32>} : memref<32x512xf32, #tpu.memory_space<vmem>>, vector<1x16xf32>,
        %swap3A_157 = vector.shape_cast %swap3A_156 : vector<1x16xf32> to vector<16xf32>
        %swap3A_158 = vector.shape_cast %add3A_153 : vector<16xf32> to vector<1x16xf32>
        tpu.vector_store %arg12[%swap3A_154, %swap3A_155], %swap3A_158 {strides = array<i32>} : memref<32x512xf32, #tpu.memory_space<vmem>>, vector<1x16xf32>,
        %get3A_159 = arith.index_cast %scan3A_71 : i32 to index
        %get3A_160 = arith.constant 80 : index
        %get3A_161 = tpu.vector_load %arg8[%get3A_159, %get3A_160] {strides = array<i32>} : memref<32x512xf32, #tpu.memory_space<vmem>>, vector<1x16xf32>,
        %get3A_162 = vector.shape_cast %get3A_161 : vector<1x16xf32> to vector<16xf32>
        %mul3A_163 = arith.mulf %get3A_75, %get3A_162 : vector<16xf32>
        %get3A_164 = arith.index_cast %scan3A_71 : i32 to index
        %get3A_165 = arith.constant 80 : index
        %get3A_166 = tpu.vector_load %arg10[%get3A_164, %get3A_165] {strides = array<i32>} : memref<32x512xf32, #tpu.memory_space<vmem>>, vector<1x16xf32>,
        %get3A_167 = vector.shape_cast %get3A_166 : vector<1x16xf32> to vector<16xf32>
        %mul3A_168 = arith.mulf %get3A_79, %get3A_167 : vector<16xf32>
        %add3A_169 = arith.addf %mul3A_163, %mul3A_168 : vector<16xf32>
        %swap3A_170 = arith.index_cast %scan3A_71 : i32 to index
        %swap3A_171 = arith.constant 80 : index
        %swap3A_172 = tpu.vector_load %arg12[%swap3A_170, %swap3A_171] {strides = array<i32>} : memref<32x512xf32, #tpu.memory_space<vmem>>, vector<1x16xf32>,
        %swap3A_173 = vector.shape_cast %swap3A_172 : vector<1x16xf32> to vector<16xf32>
        %swap3A_174 = vector.shape_cast %add3A_169 : vector<16xf32> to vector<1x16xf32>
        tpu.vector_store %arg12[%swap3A_170, %swap3A_171], %swap3A_174 {strides = array<i32>} : memref<32x512xf32, #tpu.memory_space<vmem>>, vector<1x16xf32>,
        %get3A_175 = arith.index_cast %scan3A_71 : i32 to index
        %get3A_176 = arith.constant 96 : index
        %get3A_177 = tpu.vector_load %arg8[%get3A_175, %get3A_176] {strides = array<i32>} : memref<32x512xf32, #tpu.memory_space<vmem>>, vector<1x16xf32>,
        %get3A_178 = vector.shape_cast %get3A_177 : vector<1x16xf32> to vector<16xf32>
        %mul3A_179 = arith.mulf %get3A_75, %get3A_178 : vector<16xf32>
        %get3A_180 = arith.index_cast %scan3A_71 : i32 to index
        %get3A_181 = arith.constant 96 : index
        %get3A_182 = tpu.vector_load %arg10[%get3A_180, %get3A_181] {strides = array<i32>} : memref<32x512xf32, #tpu.memory_space<vmem>>, vector<1x16xf32>,
        %get3A_183 = vector.shape_cast %get3A_182 : vector<1x16xf32> to vector<16xf32>
        %mul3A_184 = arith.mulf %get3A_79, %get3A_183 : vector<16xf32>
        %add3A_185 = arith.addf %mul3A_179, %mul3A_184 : vector<16xf32>
        %swap3A_186 = arith.index_cast %scan3A_71 : i32 to index
        %swap3A_187 = arith.constant 96 : index
        %swap3A_188 = tpu.vector_load %arg12[%swap3A_186, %swap3A_187] {strides = array<i32>} : memref<32x512xf32, #tpu.memory_space<vmem>>, vector<1x16xf32>,
        %swap3A_189 = vector.shape_cast %swap3A_188 : vector<1x16xf32> to vector<16xf32>
        %swap3A_190 = vector.shape_cast %add3A_185 : vector<16xf32> to vector<1x16xf32>
        tpu.vector_store %arg12[%swap3A_186, %swap3A_187], %swap3A_190 {strides = array<i32>} : memref<32x512xf32, #tpu.memory_space<vmem>>, vector<1x16xf32>,
        %get3A_191 = arith.index_cast %scan3A_71 : i32 to index
        %get3A_192 = arith.constant 112 : index
        %get3A_193 = tpu.vector_load %arg8[%get3A_191, %get3A_192] {strides = array<i32>} : memref<32x512xf32, #tpu.memory_space<vmem>>, vector<1x16xf32>,
        %get3A_194 = vector.shape_cast %get3A_193 : vector<1x16xf32> to vector<16xf32>
        %mul3A_195 = arith.mulf %get3A_75, %get3A_194 : vector<16xf32>
        %get3A_196 = arith.index_cast %scan3A_71 : i32 to index
        %get3A_197 = arith.constant 112 : index
        %get3A_198 = tpu.vector_load %arg10[%get3A_196, %get3A_197] {strides = array<i32>} : memref<32x512xf32, #tpu.memory_space<vmem>>, vector<1x16xf32>,
        %get3A_199 = vector.shape_cast %get3A_198 : vector<1x16xf32> to vector<16xf32>
        %mul3A_200 = arith.mulf %get3A_79, %get3A_199 : vector<16xf32>
        %add3A_201 = arith.addf %mul3A_195, %mul3A_200 : vector<16xf32>
        %swap3A_202 = arith.index_cast %scan3A_71 : i32 to index
        %swap3A_203 = arith.constant 112 : index
        %swap3A_204 = tpu.vector_load %arg12[%swap3A_202, %swap3A_203] {strides = array<i32>} : memref<32x512xf32, #tpu.memory_space<vmem>>, vector<1x16xf32>,
        %swap3A_205 = vector.shape_cast %swap3A_204 : vector<1x16xf32> to vector<16xf32>
        %swap3A_206 = vector.shape_cast %add3A_201 : vector<16xf32> to vector<1x16xf32>
        tpu.vector_store %arg12[%swap3A_202, %swap3A_203], %swap3A_206 {strides = array<i32>} : memref<32x512xf32, #tpu.memory_space<vmem>>, vector<1x16xf32>,
        %get3A_207 = arith.index_cast %scan3A_71 : i32 to index
        %get3A_208 = arith.constant 128 : index
        %get3A_209 = tpu.vector_load %arg8[%get3A_207, %get3A_208] {strides = array<i32>} : memref<32x512xf32, #tpu.memory_space<vmem>>, vector<1x16xf32>,
        %get3A_210 = vector.shape_cast %get3A_209 : vector<1x16xf32> to vector<16xf32>
        %mul3A_211 = arith.mulf %get3A_75, %get3A_210 : vector<16xf32>
        %get3A_212 = arith.index_cast %scan3A_71 : i32 to index
        %get3A_213 = arith.constant 128 : index
        %get3A_214 = tpu.vector_load %arg10[%get3A_212, %get3A_213] {strides = array<i32>} : memref<32x512xf32, #tpu.memory_space<vmem>>, vector<1x16xf32>,
        %get3A_215 = vector.shape_cast %get3A_214 : vector<1x16xf32> to vector<16xf32>
        %mul3A_216 = arith.mulf %get3A_79, %get3A_215 : vector<16xf32>
        %add3A_217 = arith.addf %mul3A_211, %mul3A_216 : vector<16xf32>
        %swap3A_218 = arith.index_cast %scan3A_71 : i32 to index
        %swap3A_219 = arith.constant 128 : index
        %swap3A_220 = tpu.vector_load %arg12[%swap3A_218, %swap3A_219] {strides = array<i32>} : memref<32x512xf32, #tpu.memory_space<vmem>>, vector<1x16xf32>,
        %swap3A_221 = vector.shape_cast %swap3A_220 : vector<1x16xf32> to vector<16xf32>
        %swap3A_222 = vector.shape_cast %add3A_217 : vector<16xf32> to vector<1x16xf32>
        tpu.vector_store %arg12[%swap3A_218, %swap3A_219], %swap3A_222 {strides = array<i32>} : memref<32x512xf32, #tpu.memory_space<vmem>>, vector<1x16xf32>,
        %get3A_223 = arith.index_cast %scan3A_71 : i32 to index
        %get3A_224 = arith.constant 144 : index
        %get3A_225 = tpu.vector_load %arg8[%get3A_223, %get3A_224] {strides = array<i32>} : memref<32x512xf32, #tpu.memory_space<vmem>>, vector<1x16xf32>,
        %get3A_226 = vector.shape_cast %get3A_225 : vector<1x16xf32> to vector<16xf32>
        %mul3A_227 = arith.mulf %get3A_75, %get3A_226 : vector<16xf32>
        %get3A_228 = arith.index_cast %scan3A_71 : i32 to index
        %get3A_229 = arith.constant 144 : index
        %get3A_230 = tpu.vector_load %arg10[%get3A_228, %get3A_229] {strides = array<i32>} : memref<32x512xf32, #tpu.memory_space<vmem>>, vector<1x16xf32>,
        %get3A_231 = vector.shape_cast %get3A_230 : vector<1x16xf32> to vector<16xf32>
        %mul3A_232 = arith.mulf %get3A_79, %get3A_231 : vector<16xf32>
        %add3A_233 = arith.addf %mul3A_227, %mul3A_232 : vector<16xf32>
        %swap3A_234 = arith.index_cast %scan3A_71 : i32 to index
        %swap3A_235 = arith.constant 144 : index
        %swap3A_236 = tpu.vector_load %arg12[%swap3A_234, %swap3A_235] {strides = array<i32>} : memref<32x512xf32, #tpu.memory_space<vmem>>, vector<1x16xf32>,
        %swap3A_237 = vector.shape_cast %swap3A_236 : vector<1x16xf32> to vector<16xf32>
        %swap3A_238 = vector.shape_cast %add3A_233 : vector<16xf32> to vector<1x16xf32>
        tpu.vector_store %arg12[%swap3A_234, %swap3A_235], %swap3A_238 {strides = array<i32>} : memref<32x512xf32, #tpu.memory_space<vmem>>, vector<1x16xf32>,
        %get3A_239 = arith.index_cast %scan3A_71 : i32 to index
        %get3A_240 = arith.constant 160 : index
        %get3A_241 = tpu.vector_load %arg8[%get3A_239, %get3A_240] {strides = array<i32>} : memref<32x512xf32, #tpu.memory_space<vmem>>, vector<1x16xf32>,
        %get3A_242 = vector.shape_cast %get3A_241 : vector<1x16xf32> to vector<16xf32>
        %mul3A_243 = arith.mulf %get3A_75, %get3A_242 : vector<16xf32>
        %get3A_244 = arith.index_cast %scan3A_71 : i32 to index
        %get3A_245 = arith.constant 160 : index
        %get3A_246 = tpu.vector_load %arg10[%get3A_244, %get3A_245] {strides = array<i32>} : memref<32x512xf32, #tpu.memory_space<vmem>>, vector<1x16xf32>,
        %get3A_247 = vector.shape_cast %get3A_246 : vector<1x16xf32> to vector<16xf32>
        %mul3A_248 = arith.mulf %get3A_79, %get3A_247 : vector<16xf32>
        %add3A_249 = arith.addf %mul3A_243, %mul3A_248 : vector<16xf32>
        %swap3A_250 = arith.index_cast %scan3A_71 : i32 to index
        %swap3A_251 = arith.constant 160 : index
        %swap3A_252 = tpu.vector_load %arg12[%swap3A_250, %swap3A_251] {strides = array<i32>} : memref<32x512xf32, #tpu.memory_space<vmem>>, vector<1x16xf32>,
        %swap3A_253 = vector.shape_cast %swap3A_252 : vector<1x16xf32> to vector<16xf32>
        %swap3A_254 = vector.shape_cast %add3A_249 : vector<16xf32> to vector<1x16xf32>
        tpu.vector_store %arg12[%swap3A_250, %swap3A_251], %swap3A_254 {strides = array<i32>} : memref<32x512xf32, #tpu.memory_space<vmem>>, vector<1x16xf32>,
        %get3A_255 = arith.index_cast %scan3A_71 : i32 to index
        %get3A_256 = arith.constant 176 : index
        %get3A_257 = tpu.vector_load %arg8[%get3A_255, %get3A_256] {strides = array<i32>} : memref<32x512xf32, #tpu.memory_space<vmem>>, vector<1x16xf32>,
        %get3A_258 = vector.shape_cast %get3A_257 : vector<1x16xf32> to vector<16xf32>
        %mul3A_259 = arith.mulf %get3A_75, %get3A_258 : vector<16xf32>
        %get3A_260 = arith.index_cast %scan3A_71 : i32 to index
        %get3A_261 = arith.constant 176 : index
        %get3A_262 = tpu.vector_load %arg10[%get3A_260, %get3A_261] {strides = array<i32>} : memref<32x512xf32, #tpu.memory_space<vmem>>, vector<1x16xf32>,
        %get3A_263 = vector.shape_cast %get3A_262 : vector<1x16xf32> to vector<16xf32>
        %mul3A_264 = arith.mulf %get3A_79, %get3A_263 : vector<16xf32>
        %add3A_265 = arith.addf %mul3A_259, %mul3A_264 : vector<16xf32>
        %swap3A_266 = arith.index_cast %scan3A_71 : i32 to index
        %swap3A_267 = arith.constant 176 : index
        %swap3A_268 = tpu.vector_load %arg12[%swap3A_266, %swap3A_267] {strides = array<i32>} : memref<32x512xf32, #tpu.memory_space<vmem>>, vector<1x16xf32>,
        %swap3A_269 = vector.shape_cast %swap3A_268 : vector<1x16xf32> to vector<16xf32>
        %swap3A_270 = vector.shape_cast %add3A_265 : vector<16xf32> to vector<1x16xf32>
        tpu.vector_store %arg12[%swap3A_266, %swap3A_267], %swap3A_270 {strides = array<i32>} : memref<32x512xf32, #tpu.memory_space<vmem>>, vector<1x16xf32>,
        %get3A_271 = arith.index_cast %scan3A_71 : i32 to index
        %get3A_272 = arith.constant 192 : index
        %get3A_273 = tpu.vector_load %arg8[%get3A_271, %get3A_272] {strides = array<i32>} : memref<32x512xf32, #tpu.memory_space<vmem>>, vector<1x16xf32>,
        %get3A_274 = vector.shape_cast %get3A_273 : vector<1x16xf32> to vector<16xf32>
        %mul3A_275 = arith.mulf %get3A_75, %get3A_274 : vector<16xf32>
        %get3A_276 = arith.index_cast %scan3A_71 : i32 to index
        %get3A_277 = arith.constant 192 : index
        %get3A_278 = tpu.vector_load %arg10[%get3A_276, %get3A_277] {strides = array<i32>} : memref<32x512xf32, #tpu.memory_space<vmem>>, vector<1x16xf32>,
        %get3A_279 = vector.shape_cast %get3A_278 : vector<1x16xf32> to vector<16xf32>
        %mul3A_280 = arith.mulf %get3A_79, %get3A_279 : vector<16xf32>
        %add3A_281 = arith.addf %mul3A_275, %mul3A_280 : vector<16xf32>
        %swap3A_282 = arith.index_cast %scan3A_71 : i32 to index
        %swap3A_283 = arith.constant 192 : index
        %swap3A_284 = tpu.vector_load %arg12[%swap3A_282, %swap3A_283] {strides = array<i32>} : memref<32x512xf32, #tpu.memory_space<vmem>>, vector<1x16xf32>,
        %swap3A_285 = vector.shape_cast %swap3A_284 : vector<1x16xf32> to vector<16xf32>
        %swap3A_286 = vector.shape_cast %add3A_281 : vector<16xf32> to vector<1x16xf32>
        tpu.vector_store %arg12[%swap3A_282, %swap3A_283], %swap3A_286 {strides = array<i32>} : memref<32x512xf32, #tpu.memory_space<vmem>>, vector<1x16xf32>,
        %get3A_287 = arith.index_cast %scan3A_71 : i32 to index
        %get3A_288 = arith.constant 208 : index
        %get3A_289 = tpu.vector_load %arg8[%get3A_287, %get3A_288] {strides = array<i32>} : memref<32x512xf32, #tpu.memory_space<vmem>>, vector<1x16xf32>,
        %get3A_290 = vector.shape_cast %get3A_289 : vector<1x16xf32> to vector<16xf32>
        %mul3A_291 = arith.mulf %get3A_75, %get3A_290 : vector<16xf32>
        %get3A_292 = arith.index_cast %scan3A_71 : i32 to index
        %get3A_293 = arith.constant 208 : index
        %get3A_294 = tpu.vector_load %arg10[%get3A_292, %get3A_293] {strides = array<i32>} : memref<32x512xf32, #tpu.memory_space<vmem>>, vector<1x16xf32>,
        %get3A_295 = vector.shape_cast %get3A_294 : vector<1x16xf32> to vector<16xf32>
        %mul3A_296 = arith.mulf %get3A_79, %get3A_295 : vector<16xf32>
        %add3A_297 = arith.addf %mul3A_291, %mul3A_296 : vector<16xf32>
        %swap3A_298 = arith.index_cast %scan3A_71 : i32 to index
        %swap3A_299 = arith.constant 208 : index
        %swap3A_300 = tpu.vector_load %arg12[%swap3A_298, %swap3A_299] {strides = array<i32>} : memref<32x512xf32, #tpu.memory_space<vmem>>, vector<1x16xf32>,
        %swap3A_301 = vector.shape_cast %swap3A_300 : vector<1x16xf32> to vector<16xf32>
        %swap3A_302 = vector.shape_cast %add3A_297 : vector<16xf32> to vector<1x16xf32>
        tpu.vector_store %arg12[%swap3A_298, %swap3A_299], %swap3A_302 {strides = array<i32>} : memref<32x512xf32, #tpu.memory_space<vmem>>, vector<1x16xf32>,
        %get3A_303 = arith.index_cast %scan3A_71 : i32 to index
        %get3A_304 = arith.constant 224 : index
        %get3A_305 = tpu.vector_load %arg8[%get3A_303, %get3A_304] {strides = array<i32>} : memref<32x512xf32, #tpu.memory_space<vmem>>, vector<1x16xf32>,
        %get3A_306 = vector.shape_cast %get3A_305 : vector<1x16xf32> to vector<16xf32>
        %mul3A_307 = arith.mulf %get3A_75, %get3A_306 : vector<16xf32>
        %get3A_308 = arith.index_cast %scan3A_71 : i32 to index
        %get3A_309 = arith.constant 224 : index
        %get3A_310 = tpu.vector_load %arg10[%get3A_308, %get3A_309] {strides = array<i32>} : memref<32x512xf32, #tpu.memory_space<vmem>>, vector<1x16xf32>,
        %get3A_311 = vector.shape_cast %get3A_310 : vector<1x16xf32> to vector<16xf32>
        %mul3A_312 = arith.mulf %get3A_79, %get3A_311 : vector<16xf32>
        %add3A_313 = arith.addf %mul3A_307, %mul3A_312 : vector<16xf32>
        %swap3A_314 = arith.index_cast %scan3A_71 : i32 to index
        %swap3A_315 = arith.constant 224 : index
        %swap3A_316 = tpu.vector_load %arg12[%swap3A_314, %swap3A_315] {strides = array<i32>} : memref<32x512xf32, #tpu.memory_space<vmem>>, vector<1x16xf32>,
        %swap3A_317 = vector.shape_cast %swap3A_316 : vector<1x16xf32> to vector<16xf32>
        %swap3A_318 = vector.shape_cast %add3A_313 : vector<16xf32> to vector<1x16xf32>
        tpu.vector_store %arg12[%swap3A_314, %swap3A_315], %swap3A_318 {strides = array<i32>} : memref<32x512xf32, #tpu.memory_space<vmem>>, vector<1x16xf32>,
        %get3A_319 = arith.index_cast %scan3A_71 : i32 to index
        %get3A_320 = arith.constant 240 : index
        %get3A_321 = tpu.vector_load %arg8[%get3A_319, %get3A_320] {strides = array<i32>} : memref<32x512xf32, #tpu.memory_space<vmem>>, vector<1x16xf32>,
        %get3A_322 = vector.shape_cast %get3A_321 : vector<1x16xf32> to vector<16xf32>
        %mul3A_323 = arith.mulf %get3A_75, %get3A_322 : vector<16xf32>
        %get3A_324 = arith.index_cast %scan3A_71 : i32 to index
        %get3A_325 = arith.constant 240 : index
        %get3A_326 = tpu.vector_load %arg10[%get3A_324, %get3A_325] {strides = array<i32>} : memref<32x512xf32, #tpu.memory_space<vmem>>, vector<1x16xf32>,
        %get3A_327 = vector.shape_cast %get3A_326 : vector<1x16xf32> to vector<16xf32>
        %mul3A_328 = arith.mulf %get3A_79, %get3A_327 : vector<16xf32>
        %add3A_329 = arith.addf %mul3A_323, %mul3A_328 : vector<16xf32>
        %swap3A_330 = arith.index_cast %scan3A_71 : i32 to index
        %swap3A_331 = arith.constant 240 : index
        %swap3A_332 = tpu.vector_load %arg12[%swap3A_330, %swap3A_331] {strides = array<i32>} : memref<32x512xf32, #tpu.memory_space<vmem>>, vector<1x16xf32>,
        %swap3A_333 = vector.shape_cast %swap3A_332 : vector<1x16xf32> to vector<16xf32>
        %swap3A_334 = vector.shape_cast %add3A_329 : vector<16xf32> to vector<1x16xf32>
        tpu.vector_store %arg12[%swap3A_330, %swap3A_331], %swap3A_334 {strides = array<i32>} : memref<32x512xf32, #tpu.memory_space<vmem>>, vector<1x16xf32>,
        %get3A_335 = arith.index_cast %scan3A_71 : i32 to index
        %get3A_336 = arith.constant 256 : index
        %get3A_337 = tpu.vector_load %arg8[%get3A_335, %get3A_336] {strides = array<i32>} : memref<32x512xf32, #tpu.memory_space<vmem>>, vector<1x16xf32>,
        %get3A_338 = vector.shape_cast %get3A_337 : vector<1x16xf32> to vector<16xf32>
        %mul3A_339 = arith.mulf %get3A_75, %get3A_338 : vector<16xf32>
        %get3A_340 = arith.index_cast %scan3A_71 : i32 to index
        %get3A_341 = arith.constant 256 : index
        %get3A_342 = tpu.vector_load %arg10[%get3A_340, %get3A_341] {strides = array<i32>} : memref<32x512xf32, #tpu.memory_space<vmem>>, vector<1x16xf32>,
        %get3A_343 = vector.shape_cast %get3A_342 : vector<1x16xf32> to vector<16xf32>
        %mul3A_344 = arith.mulf %get3A_79, %get3A_343 : vector<16xf32>
        %add3A_345 = arith.addf %mul3A_339, %mul3A_344 : vector<16xf32>
        %swap3A_346 = arith.index_cast %scan3A_71 : i32 to index
        %swap3A_347 = arith.constant 256 : index
        %swap3A_348 = tpu.vector_load %arg12[%swap3A_346, %swap3A_347] {strides = array<i32>} : memref<32x512xf32, #tpu.memory_space<vmem>>, vector<1x16xf32>,
        %swap3A_349 = vector.shape_cast %swap3A_348 : vector<1x16xf32> to vector<16xf32>
        %swap3A_350 = vector.shape_cast %add3A_345 : vector<16xf32> to vector<1x16xf32>
        tpu.vector_store %arg12[%swap3A_346, %swap3A_347], %swap3A_350 {strides = array<i32>} : memref<32x512xf32, #tpu.memory_space<vmem>>, vector<1x16xf32>,
        %get3A_351 = arith.index_cast %scan3A_71 : i32 to index
        %get3A_352 = arith.constant 272 : index
        %get3A_353 = tpu.vector_load %arg8[%get3A_351, %get3A_352] {strides = array<i32>} : memref<32x512xf32, #tpu.memory_space<vmem>>, vector<1x16xf32>,
        %get3A_354 = vector.shape_cast %get3A_353 : vector<1x16xf32> to vector<16xf32>
        %mul3A_355 = arith.mulf %get3A_75, %get3A_354 : vector<16xf32>
        %get3A_356 = arith.index_cast %scan3A_71 : i32 to index
        %get3A_357 = arith.constant 272 : index
        %get3A_358 = tpu.vector_load %arg10[%get3A_356, %get3A_357] {strides = array<i32>} : memref<32x512xf32, #tpu.memory_space<vmem>>, vector<1x16xf32>,
        %get3A_359 = vector.shape_cast %get3A_358 : vector<1x16xf32> to vector<16xf32>
        %mul3A_360 = arith.mulf %get3A_79, %get3A_359 : vector<16xf32>
        %add3A_361 = arith.addf %mul3A_355, %mul3A_360 : vector<16xf32>
        %swap3A_362 = arith.index_cast %scan3A_71 : i32 to index
        %swap3A_363 = arith.constant 272 : index
        %swap3A_364 = tpu.vector_load %arg12[%swap3A_362, %swap3A_363] {strides = array<i32>} : memref<32x512xf32, #tpu.memory_space<vmem>>, vector<1x16xf32>,
        %swap3A_365 = vector.shape_cast %swap3A_364 : vector<1x16xf32> to vector<16xf32>
        %swap3A_366 = vector.shape_cast %add3A_361 : vector<16xf32> to vector<1x16xf32>
        tpu.vector_store %arg12[%swap3A_362, %swap3A_363], %swap3A_366 {strides = array<i32>} : memref<32x512xf32, #tpu.memory_space<vmem>>, vector<1x16xf32>,
        %get3A_367 = arith.index_cast %scan3A_71 : i32 to index
        %get3A_368 = arith.constant 288 : index
        %get3A_369 = tpu.vector_load %arg8[%get3A_367, %get3A_368] {strides = array<i32>} : memref<32x512xf32, #tpu.memory_space<vmem>>, vector<1x16xf32>,
        %get3A_370 = vector.shape_cast %get3A_369 : vector<1x16xf32> to vector<16xf32>
        %mul3A_371 = arith.mulf %get3A_75, %get3A_370 : vector<16xf32>
        %get3A_372 = arith.index_cast %scan3A_71 : i32 to index
        %get3A_373 = arith.constant 288 : index
        %get3A_374 = tpu.vector_load %arg10[%get3A_372, %get3A_373] {strides = array<i32>} : memref<32x512xf32, #tpu.memory_space<vmem>>, vector<1x16xf32>,
        %get3A_375 = vector.shape_cast %get3A_374 : vector<1x16xf32> to vector<16xf32>
        %mul3A_376 = arith.mulf %get3A_79, %get3A_375 : vector<16xf32>
        %add3A_377 = arith.addf %mul3A_371, %mul3A_376 : vector<16xf32>
        %swap3A_378 = arith.index_cast %scan3A_71 : i32 to index
        %swap3A_379 = arith.constant 288 : index
        %swap3A_380 = tpu.vector_load %arg12[%swap3A_378, %swap3A_379] {strides = array<i32>} : memref<32x512xf32, #tpu.memory_space<vmem>>, vector<1x16xf32>,
        %swap3A_381 = vector.shape_cast %swap3A_380 : vector<1x16xf32> to vector<16xf32>
        %swap3A_382 = vector.shape_cast %add3A_377 : vector<16xf32> to vector<1x16xf32>
        tpu.vector_store %arg12[%swap3A_378, %swap3A_379], %swap3A_382 {strides = array<i32>} : memref<32x512xf32, #tpu.memory_space<vmem>>, vector<1x16xf32>,
        %get3A_383 = arith.index_cast %scan3A_71 : i32 to index
        %get3A_384 = arith.constant 304 : index
        %get3A_385 = tpu.vector_load %arg8[%get3A_383, %get3A_384] {strides = array<i32>} : memref<32x512xf32, #tpu.memory_space<vmem>>, vector<1x16xf32>,
        %get3A_386 = vector.shape_cast %get3A_385 : vector<1x16xf32> to vector<16xf32>
        %mul3A_387 = arith.mulf %get3A_75, %get3A_386 : vector<16xf32>
        %get3A_388 = arith.index_cast %scan3A_71 : i32 to index
        %get3A_389 = arith.constant 304 : index
        %get3A_390 = tpu.vector_load %arg10[%get3A_388, %get3A_389] {strides = array<i32>} : memref<32x512xf32, #tpu.memory_space<vmem>>, vector<1x16xf32>,
        %get3A_391 = vector.shape_cast %get3A_390 : vector<1x16xf32> to vector<16xf32>
        %mul3A_392 = arith.mulf %get3A_79, %get3A_391 : vector<16xf32>
        %add3A_393 = arith.addf %mul3A_387, %mul3A_392 : vector<16xf32>
        %swap3A_394 = arith.index_cast %scan3A_71 : i32 to index
        %swap3A_395 = arith.constant 304 : index
        %swap3A_396 = tpu.vector_load %arg12[%swap3A_394, %swap3A_395] {strides = array<i32>} : memref<32x512xf32, #tpu.memory_space<vmem>>, vector<1x16xf32>,
        %swap3A_397 = vector.shape_cast %swap3A_396 : vector<1x16xf32> to vector<16xf32>
        %swap3A_398 = vector.shape_cast %add3A_393 : vector<16xf32> to vector<1x16xf32>
        tpu.vector_store %arg12[%swap3A_394, %swap3A_395], %swap3A_398 {strides = array<i32>} : memref<32x512xf32, #tpu.memory_space<vmem>>, vector<1x16xf32>,
        %get3A_399 = arith.index_cast %scan3A_71 : i32 to index
        %get3A_400 = arith.constant 320 : index
        %get3A_401 = tpu.vector_load %arg8[%get3A_399, %get3A_400] {strides = array<i32>} : memref<32x512xf32, #tpu.memory_space<vmem>>, vector<1x16xf32>,
        %get3A_402 = vector.shape_cast %get3A_401 : vector<1x16xf32> to vector<16xf32>
        %mul3A_403 = arith.mulf %get3A_75, %get3A_402 : vector<16xf32>
        %get3A_404 = arith.index_cast %scan3A_71 : i32 to index
        %get3A_405 = arith.constant 320 : index
        %get3A_406 = tpu.vector_load %arg10[%get3A_404, %get3A_405] {strides = array<i32>} : memref<32x512xf32, #tpu.memory_space<vmem>>, vector<1x16xf32>,
        %get3A_407 = vector.shape_cast %get3A_406 : vector<1x16xf32> to vector<16xf32>
        %mul3A_408 = arith.mulf %get3A_79, %get3A_407 : vector<16xf32>
        %add3A_409 = arith.addf %mul3A_403, %mul3A_408 : vector<16xf32>
        %swap3A_410 = arith.index_cast %scan3A_71 : i32 to index
        %swap3A_411 = arith.constant 320 : index
        %swap3A_412 = tpu.vector_load %arg12[%swap3A_410, %swap3A_411] {strides = array<i32>} : memref<32x512xf32, #tpu.memory_space<vmem>>, vector<1x16xf32>,
        %swap3A_413 = vector.shape_cast %swap3A_412 : vector<1x16xf32> to vector<16xf32>
        %swap3A_414 = vector.shape_cast %add3A_409 : vector<16xf32> to vector<1x16xf32>
        tpu.vector_store %arg12[%swap3A_410, %swap3A_411], %swap3A_414 {strides = array<i32>} : memref<32x512xf32, #tpu.memory_space<vmem>>, vector<1x16xf32>,
        %get3A_415 = arith.index_cast %scan3A_71 : i32 to index
        %get3A_416 = arith.constant 336 : index
        %get3A_417 = tpu.vector_load %arg8[%get3A_415, %get3A_416] {strides = array<i32>} : memref<32x512xf32, #tpu.memory_space<vmem>>, vector<1x16xf32>,
        %get3A_418 = vector.shape_cast %get3A_417 : vector<1x16xf32> to vector<16xf32>
        %mul3A_419 = arith.mulf %get3A_75, %get3A_418 : vector<16xf32>
        %get3A_420 = arith.index_cast %scan3A_71 : i32 to index
        %get3A_421 = arith.constant 336 : index
        %get3A_422 = tpu.vector_load %arg10[%get3A_420, %get3A_421] {strides = array<i32>} : memref<32x512xf32, #tpu.memory_space<vmem>>, vector<1x16xf32>,
        %get3A_423 = vector.shape_cast %get3A_422 : vector<1x16xf32> to vector<16xf32>
        %mul3A_424 = arith.mulf %get3A_79, %get3A_423 : vector<16xf32>
        %add3A_425 = arith.addf %mul3A_419, %mul3A_424 : vector<16xf32>
        %swap3A_426 = arith.index_cast %scan3A_71 : i32 to index
        %swap3A_427 = arith.constant 336 : index
        %swap3A_428 = tpu.vector_load %arg12[%swap3A_426, %swap3A_427] {strides = array<i32>} : memref<32x512xf32, #tpu.memory_space<vmem>>, vector<1x16xf32>,
        %swap3A_429 = vector.shape_cast %swap3A_428 : vector<1x16xf32> to vector<16xf32>
        %swap3A_430 = vector.shape_cast %add3A_425 : vector<16xf32> to vector<1x16xf32>
        tpu.vector_store %arg12[%swap3A_426, %swap3A_427], %swap3A_430 {strides = array<i32>} : memref<32x512xf32, #tpu.memory_space<vmem>>, vector<1x16xf32>,
        %get3A_431 = arith.index_cast %scan3A_71 : i32 to index
        %get3A_432 = arith.constant 352 : index
        %get3A_433 = tpu.vector_load %arg8[%get3A_431, %get3A_432] {strides = array<i32>} : memref<32x512xf32, #tpu.memory_space<vmem>>, vector<1x16xf32>,
        %get3A_434 = vector.shape_cast %get3A_433 : vector<1x16xf32> to vector<16xf32>
        %mul3A_435 = arith.mulf %get3A_75, %get3A_434 : vector<16xf32>
        %get3A_436 = arith.index_cast %scan3A_71 : i32 to index
        %get3A_437 = arith.constant 352 : index
        %get3A_438 = tpu.vector_load %arg10[%get3A_436, %get3A_437] {strides = array<i32>} : memref<32x512xf32, #tpu.memory_space<vmem>>, vector<1x16xf32>,
        %get3A_439 = vector.shape_cast %get3A_438 : vector<1x16xf32> to vector<16xf32>
        %mul3A_440 = arith.mulf %get3A_79, %get3A_439 : vector<16xf32>
        %add3A_441 = arith.addf %mul3A_435, %mul3A_440 : vector<16xf32>
        %swap3A_442 = arith.index_cast %scan3A_71 : i32 to index
        %swap3A_443 = arith.constant 352 : index
        %swap3A_444 = tpu.vector_load %arg12[%swap3A_442, %swap3A_443] {strides = array<i32>} : memref<32x512xf32, #tpu.memory_space<vmem>>, vector<1x16xf32>,
        %swap3A_445 = vector.shape_cast %swap3A_444 : vector<1x16xf32> to vector<16xf32>
        %swap3A_446 = vector.shape_cast %add3A_441 : vector<16xf32> to vector<1x16xf32>
        tpu.vector_store %arg12[%swap3A_442, %swap3A_443], %swap3A_446 {strides = array<i32>} : memref<32x512xf32, #tpu.memory_space<vmem>>, vector<1x16xf32>,
        %get3A_447 = arith.index_cast %scan3A_71 : i32 to index
        %get3A_448 = arith.constant 368 : index
        %get3A_449 = tpu.vector_load %arg8[%get3A_447, %get3A_448] {strides = array<i32>} : memref<32x512xf32, #tpu.memory_space<vmem>>, vector<1x16xf32>,
        %get3A_450 = vector.shape_cast %get3A_449 : vector<1x16xf32> to vector<16xf32>
        %mul3A_451 = arith.mulf %get3A_75, %get3A_450 : vector<16xf32>
        %get3A_452 = arith.index_cast %scan3A_71 : i32 to index
        %get3A_453 = arith.constant 368 : index
        %get3A_454 = tpu.vector_load %arg10[%get3A_452, %get3A_453] {strides = array<i32>} : memref<32x512xf32, #tpu.memory_space<vmem>>, vector<1x16xf32>,
        %get3A_455 = vector.shape_cast %get3A_454 : vector<1x16xf32> to vector<16xf32>
        %mul3A_456 = arith.mulf %get3A_79, %get3A_455 : vector<16xf32>
        %add3A_457 = arith.addf %mul3A_451, %mul3A_456 : vector<16xf32>
        %swap3A_458 = arith.index_cast %scan3A_71 : i32 to index
        %swap3A_459 = arith.constant 368 : index
        %swap3A_460 = tpu.vector_load %arg12[%swap3A_458, %swap3A_459] {strides = array<i32>} : memref<32x512xf32, #tpu.memory_space<vmem>>, vector<1x16xf32>,
        %swap3A_461 = vector.shape_cast %swap3A_460 : vector<1x16xf32> to vector<16xf32>
        %swap3A_462 = vector.shape_cast %add3A_457 : vector<16xf32> to vector<1x16xf32>
        tpu.vector_store %arg12[%swap3A_458, %swap3A_459], %swap3A_462 {strides = array<i32>} : memref<32x512xf32, #tpu.memory_space<vmem>>, vector<1x16xf32>,
        %get3A_463 = arith.index_cast %scan3A_71 : i32 to index
        %get3A_464 = arith.constant 384 : index
        %get3A_465 = tpu.vector_load %arg8[%get3A_463, %get3A_464] {strides = array<i32>} : memref<32x512xf32, #tpu.memory_space<vmem>>, vector<1x16xf32>,
        %get3A_466 = vector.shape_cast %get3A_465 : vector<1x16xf32> to vector<16xf32>
        %mul3A_467 = arith.mulf %get3A_75, %get3A_466 : vector<16xf32>
        %get3A_468 = arith.index_cast %scan3A_71 : i32 to index
        %get3A_469 = arith.constant 384 : index
        %get3A_470 = tpu.vector_load %arg10[%get3A_468, %get3A_469] {strides = array<i32>} : memref<32x512xf32, #tpu.memory_space<vmem>>, vector<1x16xf32>,
        %get3A_471 = vector.shape_cast %get3A_470 : vector<1x16xf32> to vector<16xf32>
        %mul3A_472 = arith.mulf %get3A_79, %get3A_471 : vector<16xf32>
        %add3A_473 = arith.addf %mul3A_467, %mul3A_472 : vector<16xf32>
        %swap3A_474 = arith.index_cast %scan3A_71 : i32 to index
        %swap3A_475 = arith.constant 384 : index
        %swap3A_476 = tpu.vector_load %arg12[%swap3A_474, %swap3A_475] {strides = array<i32>} : memref<32x512xf32, #tpu.memory_space<vmem>>, vector<1x16xf32>,
        %swap3A_477 = vector.shape_cast %swap3A_476 : vector<1x16xf32> to vector<16xf32>
        %swap3A_478 = vector.shape_cast %add3A_473 : vector<16xf32> to vector<1x16xf32>
        tpu.vector_store %arg12[%swap3A_474, %swap3A_475], %swap3A_478 {strides = array<i32>} : memref<32x512xf32, #tpu.memory_space<vmem>>, vector<1x16xf32>,
        %get3A_479 = arith.index_cast %scan3A_71 : i32 to index
        %get3A_480 = arith.constant 400 : index
        %get3A_481 = tpu.vector_load %arg8[%get3A_479, %get3A_480] {strides = array<i32>} : memref<32x512xf32, #tpu.memory_space<vmem>>, vector<1x16xf32>,
        %get3A_482 = vector.shape_cast %get3A_481 : vector<1x16xf32> to vector<16xf32>
        %mul3A_483 = arith.mulf %get3A_75, %get3A_482 : vector<16xf32>
        %get3A_484 = arith.index_cast %scan3A_71 : i32 to index
        %get3A_485 = arith.constant 400 : index
        %get3A_486 = tpu.vector_load %arg10[%get3A_484, %get3A_485] {strides = array<i32>} : memref<32x512xf32, #tpu.memory_space<vmem>>, vector<1x16xf32>,
        %get3A_487 = vector.shape_cast %get3A_486 : vector<1x16xf32> to vector<16xf32>
        %mul3A_488 = arith.mulf %get3A_79, %get3A_487 : vector<16xf32>
        %add3A_489 = arith.addf %mul3A_483, %mul3A_488 : vector<16xf32>
        %swap3A_490 = arith.index_cast %scan3A_71 : i32 to index
        %swap3A_491 = arith.constant 400 : index
        %swap3A_492 = tpu.vector_load %arg12[%swap3A_490, %swap3A_491] {strides = array<i32>} : memref<32x512xf32, #tpu.memory_space<vmem>>, vector<1x16xf32>,
        %swap3A_493 = vector.shape_cast %swap3A_492 : vector<1x16xf32> to vector<16xf32>
        %swap3A_494 = vector.shape_cast %add3A_489 : vector<16xf32> to vector<1x16xf32>
        tpu.vector_store %arg12[%swap3A_490, %swap3A_491], %swap3A_494 {strides = array<i32>} : memref<32x512xf32, #tpu.memory_space<vmem>>, vector<1x16xf32>,
        %get3A_495 = arith.index_cast %scan3A_71 : i32 to index
        %get3A_496 = arith.constant 416 : index
        %get3A_497 = tpu.vector_load %arg8[%get3A_495, %get3A_496] {strides = array<i32>} : memref<32x512xf32, #tpu.memory_space<vmem>>, vector<1x16xf32>,
        %get3A_498 = vector.shape_cast %get3A_497 : vector<1x16xf32> to vector<16xf32>
        %mul3A_499 = arith.mulf %get3A_75, %get3A_498 : vector<16xf32>
        %get3A_500 = arith.index_cast %scan3A_71 : i32 to index
        %get3A_501 = arith.constant 416 : index
        %get3A_502 = tpu.vector_load %arg10[%get3A_500, %get3A_501] {strides = array<i32>} : memref<32x512xf32, #tpu.memory_space<vmem>>, vector<1x16xf32>,
        %get3A_503 = vector.shape_cast %get3A_502 : vector<1x16xf32> to vector<16xf32>
        %mul3A_504 = arith.mulf %get3A_79, %get3A_503 : vector<16xf32>
        %add3A_505 = arith.addf %mul3A_499, %mul3A_504 : vector<16xf32>
        %swap3A_506 = arith.index_cast %scan3A_71 : i32 to index
        %swap3A_507 = arith.constant 416 : index
        %swap3A_508 = tpu.vector_load %arg12[%swap3A_506, %swap3A_507] {strides = array<i32>} : memref<32x512xf32, #tpu.memory_space<vmem>>, vector<1x16xf32>,
        %swap3A_509 = vector.shape_cast %swap3A_508 : vector<1x16xf32> to vector<16xf32>
        %swap3A_510 = vector.shape_cast %add3A_505 : vector<16xf32> to vector<1x16xf32>
        tpu.vector_store %arg12[%swap3A_506, %swap3A_507], %swap3A_510 {strides = array<i32>} : memref<32x512xf32, #tpu.memory_space<vmem>>, vector<1x16xf32>,
        %get3A_511 = arith.index_cast %scan3A_71 : i32 to index
        %get3A_512 = arith.constant 432 : index
        %get3A_513 = tpu.vector_load %arg8[%get3A_511, %get3A_512] {strides = array<i32>} : memref<32x512xf32, #tpu.memory_space<vmem>>, vector<1x16xf32>,
        %get3A_514 = vector.shape_cast %get3A_513 : vector<1x16xf32> to vector<16xf32>
        %mul3A_515 = arith.mulf %get3A_75, %get3A_514 : vector<16xf32>
        %get3A_516 = arith.index_cast %scan3A_71 : i32 to index
        %get3A_517 = arith.constant 432 : index
        %get3A_518 = tpu.vector_load %arg10[%get3A_516, %get3A_517] {strides = array<i32>} : memref<32x512xf32, #tpu.memory_space<vmem>>, vector<1x16xf32>,
        %get3A_519 = vector.shape_cast %get3A_518 : vector<1x16xf32> to vector<16xf32>
        %mul3A_520 = arith.mulf %get3A_79, %get3A_519 : vector<16xf32>
        %add3A_521 = arith.addf %mul3A_515, %mul3A_520 : vector<16xf32>
        %swap3A_522 = arith.index_cast %scan3A_71 : i32 to index
        %swap3A_523 = arith.constant 432 : index
        %swap3A_524 = tpu.vector_load %arg12[%swap3A_522, %swap3A_523] {strides = array<i32>} : memref<32x512xf32, #tpu.memory_space<vmem>>, vector<1x16xf32>,
        %swap3A_525 = vector.shape_cast %swap3A_524 : vector<1x16xf32> to vector<16xf32>
        %swap3A_526 = vector.shape_cast %add3A_521 : vector<16xf32> to vector<1x16xf32>
        tpu.vector_store %arg12[%swap3A_522, %swap3A_523], %swap3A_526 {strides = array<i32>} : memref<32x512xf32, #tpu.memory_space<vmem>>, vector<1x16xf32>,
        %get3A_527 = arith.index_cast %scan3A_71 : i32 to index
        %get3A_528 = arith.constant 448 : index
        %get3A_529 = tpu.vector_load %arg8[%get3A_527, %get3A_528] {strides = array<i32>} : memref<32x512xf32, #tpu.memory_space<vmem>>, vector<1x16xf32>,
        %get3A_530 = vector.shape_cast %get3A_529 : vector<1x16xf32> to vector<16xf32>
        %mul3A_531 = arith.mulf %get3A_75, %get3A_530 : vector<16xf32>
        %get3A_532 = arith.index_cast %scan3A_71 : i32 to index
        %get3A_533 = arith.constant 448 : index
        %get3A_534 = tpu.vector_load %arg10[%get3A_532, %get3A_533] {strides = array<i32>} : memref<32x512xf32, #tpu.memory_space<vmem>>, vector<1x16xf32>,
        %get3A_535 = vector.shape_cast %get3A_534 : vector<1x16xf32> to vector<16xf32>
        %mul3A_536 = arith.mulf %get3A_79, %get3A_535 : vector<16xf32>
        %add3A_537 = arith.addf %mul3A_531, %mul3A_536 : vector<16xf32>
        %swap3A_538 = arith.index_cast %scan3A_71 : i32 to index
        %swap3A_539 = arith.constant 448 : index
        %swap3A_540 = tpu.vector_load %arg12[%swap3A_538, %swap3A_539] {strides = array<i32>} : memref<32x512xf32, #tpu.memory_space<vmem>>, vector<1x16xf32>,
        %swap3A_541 = vector.shape_cast %swap3A_540 : vector<1x16xf32> to vector<16xf32>
        %swap3A_542 = vector.shape_cast %add3A_537 : vector<16xf32> to vector<1x16xf32>
        tpu.vector_store %arg12[%swap3A_538, %swap3A_539], %swap3A_542 {strides = array<i32>} : memref<32x512xf32, #tpu.memory_space<vmem>>, vector<1x16xf32>,
        %get3A_543 = arith.index_cast %scan3A_71 : i32 to index
        %get3A_544 = arith.constant 464 : index
        %get3A_545 = tpu.vector_load %arg8[%get3A_543, %get3A_544] {strides = array<i32>} : memref<32x512xf32, #tpu.memory_space<vmem>>, vector<1x16xf32>,
        %get3A_546 = vector.shape_cast %get3A_545 : vector<1x16xf32> to vector<16xf32>
        %mul3A_547 = arith.mulf %get3A_75, %get3A_546 : vector<16xf32>
        %get3A_548 = arith.index_cast %scan3A_71 : i32 to index
        %get3A_549 = arith.constant 464 : index
        %get3A_550 = tpu.vector_load %arg10[%get3A_548, %get3A_549] {strides = array<i32>} : memref<32x512xf32, #tpu.memory_space<vmem>>, vector<1x16xf32>,
        %get3A_551 = vector.shape_cast %get3A_550 : vector<1x16xf32> to vector<16xf32>
        %mul3A_552 = arith.mulf %get3A_79, %get3A_551 : vector<16xf32>
        %add3A_553 = arith.addf %mul3A_547, %mul3A_552 : vector<16xf32>
        %swap3A_554 = arith.index_cast %scan3A_71 : i32 to index
        %swap3A_555 = arith.constant 464 : index
        %swap3A_556 = tpu.vector_load %arg12[%swap3A_554, %swap3A_555] {strides = array<i32>} : memref<32x512xf32, #tpu.memory_space<vmem>>, vector<1x16xf32>,
        %swap3A_557 = vector.shape_cast %swap3A_556 : vector<1x16xf32> to vector<16xf32>
        %swap3A_558 = vector.shape_cast %add3A_553 : vector<16xf32> to vector<1x16xf32>
        tpu.vector_store %arg12[%swap3A_554, %swap3A_555], %swap3A_558 {strides = array<i32>} : memref<32x512xf32, #tpu.memory_space<vmem>>, vector<1x16xf32>,
        %get3A_559 = arith.index_cast %scan3A_71 : i32 to index
        %get3A_560 = arith.constant 480 : index
        %get3A_561 = tpu.vector_load %arg8[%get3A_559, %get3A_560] {strides = array<i32>} : memref<32x512xf32, #tpu.memory_space<vmem>>, vector<1x16xf32>,
        %get3A_562 = vector.shape_cast %get3A_561 : vector<1x16xf32> to vector<16xf32>
        %mul3A_563 = arith.mulf %get3A_75, %get3A_562 : vector<16xf32>
        %get3A_564 = arith.index_cast %scan3A_71 : i32 to index
        %get3A_565 = arith.constant 480 : index
        %get3A_566 = tpu.vector_load %arg10[%get3A_564, %get3A_565] {strides = array<i32>} : memref<32x512xf32, #tpu.memory_space<vmem>>, vector<1x16xf32>,
        %get3A_567 = vector.shape_cast %get3A_566 : vector<1x16xf32> to vector<16xf32>
        %mul3A_568 = arith.mulf %get3A_79, %get3A_567 : vector<16xf32>
        %add3A_569 = arith.addf %mul3A_563, %mul3A_568 : vector<16xf32>
        %swap3A_570 = arith.index_cast %scan3A_71 : i32 to index
        %swap3A_571 = arith.constant 480 : index
        %swap3A_572 = tpu.vector_load %arg12[%swap3A_570, %swap3A_571] {strides = array<i32>} : memref<32x512xf32, #tpu.memory_space<vmem>>, vector<1x16xf32>,
        %swap3A_573 = vector.shape_cast %swap3A_572 : vector<1x16xf32> to vector<16xf32>
        %swap3A_574 = vector.shape_cast %add3A_569 : vector<16xf32> to vector<1x16xf32>
        tpu.vector_store %arg12[%swap3A_570, %swap3A_571], %swap3A_574 {strides = array<i32>} : memref<32x512xf32, #tpu.memory_space<vmem>>, vector<1x16xf32>,
        %get3A_575 = arith.index_cast %scan3A_71 : i32 to index
        %get3A_576 = arith.constant 496 : index
        %get3A_577 = tpu.vector_load %arg8[%get3A_575, %get3A_576] {strides = array<i32>} : memref<32x512xf32, #tpu.memory_space<vmem>>, vector<1x16xf32>,
        %get3A_578 = vector.shape_cast %get3A_577 : vector<1x16xf32> to vector<16xf32>
        %mul3A_579 = arith.mulf %get3A_75, %get3A_578 : vector<16xf32>
        %get3A_580 = arith.index_cast %scan3A_71 : i32 to index
        %get3A_581 = arith.constant 496 : index
        %get3A_582 = tpu.vector_load %arg10[%get3A_580, %get3A_581] {strides = array<i32>} : memref<32x512xf32, #tpu.memory_space<vmem>>, vector<1x16xf32>,
        %get3A_583 = vector.shape_cast %get3A_582 : vector<1x16xf32> to vector<16xf32>
        %mul3A_584 = arith.mulf %get3A_79, %get3A_583 : vector<16xf32>
        %add3A_585 = arith.addf %mul3A_579, %mul3A_584 : vector<16xf32>
        %swap3A_586 = arith.index_cast %scan3A_71 : i32 to index
        %swap3A_587 = arith.constant 496 : index
        %swap3A_588 = tpu.vector_load %arg12[%swap3A_586, %swap3A_587] {strides = array<i32>} : memref<32x512xf32, #tpu.memory_space<vmem>>, vector<1x16xf32>,
        %swap3A_589 = vector.shape_cast %swap3A_588 : vector<1x16xf32> to vector<16xf32>
        %swap3A_590 = vector.shape_cast %add3A_585 : vector<16xf32> to vector<1x16xf32>
        tpu.vector_store %arg12[%swap3A_586, %swap3A_587], %swap3A_590 {strides = array<i32>} : memref<32x512xf32, #tpu.memory_space<vmem>>, vector<1x16xf32>,
        %scan3A_591 = arith.constant 0 : i32
        scf.yield %scan3A_591 : i32
      }
      %scan3A_47 = arith.constant 32 : i32
      "tpu.region"() ({
        %run_scoped3A = tpu.sem_alloc : memref<!tpu.dma_semaphore, #tpu.memory_space<semaphore_mem>>
        %dma_start3A_71 = arith.constant 0 : i32
        %dma_start3A_72 = tpu.memref_slice %arg7[%add3A_35, %dma_start3A_71] : memref<32768x512xf32, #tpu.memory_space<hbm>> -> memref<32x512xf32, #tpu.memory_space<hbm>>
        %dma_start3A_73 = arith.constant 0 : i32
        %dma_start3A_74 = tpu.memref_slice %arg7[%add3A_35, %dma_start3A_73] : memref<32768x512xf32, #tpu.memory_space<hbm>> -> memref<32x512xf32, #tpu.memory_space<hbm>>
        tpu.enqueue_dma source(%arg12 : memref<32x512xf32, #tpu.memory_space<vmem>>) target(%dma_start3A_74 : memref<32x512xf32, #tpu.memory_space<hbm>>) target_semaphore(%run_scoped3A : memref<!tpu.dma_semaphore, #tpu.memory_space<semaphore_mem>>)
        %dma_wait3A_75 = arith.constant 0 : i32
        %dma_wait3A_76 = tpu.memref_slice %arg7[%add3A_35, %dma_wait3A_75] : memref<32768x512xf32, #tpu.memory_space<hbm>> -> memref<32x512xf32, #tpu.memory_space<hbm>>
        %dma_wait3A_77 = arith.constant 0 : i32
        %dma_wait3A_78 = tpu.memref_slice %arg7[%add3A_35, %dma_wait3A_77] : memref<32768x512xf32, #tpu.memory_space<hbm>> -> memref<32x512xf32, #tpu.memory_space<hbm>>
        tpu.wait_dma2 semaphore(%run_scoped3A : memref<!tpu.dma_semaphore, #tpu.memory_space<semaphore_mem>>) src(%arg12 : memref<32x512xf32, #tpu.memory_space<vmem>>) dst(%dma_wait3A_78 : memref<32x512xf32, #tpu.memory_space<hbm>>)
        tpu.yield
      }) : () -> ()
      %lt3A = arith.constant 15 : i32
      %lt3A_48 = arith.cmpi slt, %scan3A_16, %lt3A : i32
      %convert_element_type3A = arith.extui %lt3A_48 : i1 to i32
      %cond3A = arith.constant 0 : i32
      %cond3A_49 = arith.cmpi ne, %convert_element_type3A, %cond3A : i32
      scf.if %cond3A_49 {
        %mul3A_71 = arith.constant 2 : i32
        %mul3A_72 = arith.muli %mul3A_71, %scan3A_16 : i32
        %add3A_73 = arith.constant 2 : i32
        %add3A_74 = arith.addi %mul3A_72, %add3A_73 : i32
        %mul3A_75 = arith.constant 32 : i32
        %mul3A_76 = arith.muli %add3A_74, %mul3A_75 : i32
        %add3A_77 = arith.addi %mul3A_2, %mul3A_76 : i32
        "tpu.region"() ({
          %run_scoped3A = tpu.sem_alloc : memref<!tpu.dma_semaphore, #tpu.memory_space<semaphore_mem>>
          %dma_start3A_84 = tpu.memref_slice %arg3[%add3A_77] : memref<32768xi32, #tpu.memory_space<hbm>> -> memref<32xi32, #tpu.memory_space<hbm>>
          %dma_start3A_85 = tpu.memref_slice %arg3[%add3A_77] : memref<32768xi32, #tpu.memory_space<hbm>> -> memref<32xi32, #tpu.memory_space<hbm>>
          tpu.enqueue_dma source(%dma_start3A_85 : memref<32xi32, #tpu.memory_space<hbm>>) target(%arg13 : memref<32xi32, #tpu.memory_space<vmem>>) target_semaphore(%run_scoped3A : memref<!tpu.dma_semaphore, #tpu.memory_space<semaphore_mem>>)
          %dma_wait3A_86 = tpu.memref_slice %arg3[%add3A_77] : memref<32768xi32, #tpu.memory_space<hbm>> -> memref<32xi32, #tpu.memory_space<hbm>>
          %dma_wait3A_87 = tpu.memref_slice %arg3[%add3A_77] : memref<32768xi32, #tpu.memory_space<hbm>> -> memref<32xi32, #tpu.memory_space<hbm>>
          tpu.wait_dma2 semaphore(%run_scoped3A : memref<!tpu.dma_semaphore, #tpu.memory_space<semaphore_mem>>) src(%dma_wait3A_87 : memref<32xi32, #tpu.memory_space<hbm>>) dst(%arg13 : memref<32xi32, #tpu.memory_space<vmem>>)
          tpu.yield
        }) : () -> ()
        "tpu.region"() ({
          %run_scoped3A = tpu.sem_alloc : memref<!tpu.dma_semaphore, #tpu.memory_space<semaphore_mem>>
          %dma_start3A_84 = tpu.memref_slice %arg4[%add3A_77] : memref<32768xi32, #tpu.memory_space<hbm>> -> memref<32xi32, #tpu.memory_space<hbm>>
          %dma_start3A_85 = tpu.memref_slice %arg4[%add3A_77] : memref<32768xi32, #tpu.memory_space<hbm>> -> memref<32xi32, #tpu.memory_space<hbm>>
          tpu.enqueue_dma source(%dma_start3A_85 : memref<32xi32, #tpu.memory_space<hbm>>) target(%arg15 : memref<32xi32, #tpu.memory_space<vmem>>) target_semaphore(%run_scoped3A : memref<!tpu.dma_semaphore, #tpu.memory_space<semaphore_mem>>)
          %dma_wait3A_86 = tpu.memref_slice %arg4[%add3A_77] : memref<32768xi32, #tpu.memory_space<hbm>> -> memref<32xi32, #tpu.memory_space<hbm>>
          %dma_wait3A_87 = tpu.memref_slice %arg4[%add3A_77] : memref<32768xi32, #tpu.memory_space<hbm>> -> memref<32xi32, #tpu.memory_space<hbm>>
          tpu.wait_dma2 semaphore(%run_scoped3A : memref<!tpu.dma_semaphore, #tpu.memory_space<semaphore_mem>>) src(%dma_wait3A_87 : memref<32xi32, #tpu.memory_space<hbm>>) dst(%arg15 : memref<32xi32, #tpu.memory_space<vmem>>)
          tpu.yield
        }) : () -> ()
        "tpu.region"() ({
          %run_scoped3A = tpu.sem_alloc : memref<!tpu.dma_semaphore, #tpu.memory_space<semaphore_mem>>
          %dma_start3A_84 = arith.constant 0 : i32
          %dma_start3A_85 = tpu.memref_slice %arg5[%add3A_77, %dma_start3A_84] : memref<32768x16xf32, #tpu.memory_space<hbm>> -> memref<32x16xf32, #tpu.memory_space<hbm>>
          %dma_start3A_86 = arith.constant 0 : i32
          %dma_start3A_87 = tpu.memref_slice %arg5[%add3A_77, %dma_start3A_86] : memref<32768x16xf32, #tpu.memory_space<hbm>> -> memref<32x16xf32, #tpu.memory_space<hbm>>
          tpu.enqueue_dma source(%dma_start3A_87 : memref<32x16xf32, #tpu.memory_space<hbm>>) target(%arg17 : memref<32x16xf32, #tpu.memory_space<vmem>>) target_semaphore(%run_scoped3A : memref<!tpu.dma_semaphore, #tpu.memory_space<semaphore_mem>>)
          %dma_wait3A_88 = arith.constant 0 : i32
          %dma_wait3A_89 = tpu.memref_slice %arg5[%add3A_77, %dma_wait3A_88] : memref<32768x16xf32, #tpu.memory_space<hbm>> -> memref<32x16xf32, #tpu.memory_space<hbm>>
          %dma_wait3A_90 = arith.constant 0 : i32
          %dma_wait3A_91 = tpu.memref_slice %arg5[%add3A_77, %dma_wait3A_90] : memref<32768x16xf32, #tpu.memory_space<hbm>> -> memref<32x16xf32, #tpu.memory_space<hbm>>
          tpu.wait_dma2 semaphore(%run_scoped3A : memref<!tpu.dma_semaphore, #tpu.memory_space<semaphore_mem>>) src(%dma_wait3A_91 : memref<32x16xf32, #tpu.memory_space<hbm>>) dst(%arg17 : memref<32x16xf32, #tpu.memory_space<vmem>>)
          tpu.yield
        }) : () -> ()
        "tpu.region"() ({
          %run_scoped3A = tpu.sem_alloc : memref<!tpu.dma_semaphore, #tpu.memory_space<semaphore_mem>>
          %dma_start3A_84 = arith.constant 0 : i32
          %dma_start3A_85 = tpu.memref_slice %arg6[%add3A_77, %dma_start3A_84] : memref<32768x16xf32, #tpu.memory_space<hbm>> -> memref<32x16xf32, #tpu.memory_space<hbm>>
          %dma_start3A_86 = arith.constant 0 : i32
          %dma_start3A_87 = tpu.memref_slice %arg6[%add3A_77, %dma_start3A_86] : memref<32768x16xf32, #tpu.memory_space<hbm>> -> memref<32x16xf32, #tpu.memory_space<hbm>>
          tpu.enqueue_dma source(%dma_start3A_87 : memref<32x16xf32, #tpu.memory_space<hbm>>) target(%arg19 : memref<32x16xf32, #tpu.memory_space<vmem>>) target_semaphore(%run_scoped3A : memref<!tpu.dma_semaphore, #tpu.memory_space<semaphore_mem>>)
          %dma_wait3A_88 = arith.constant 0 : i32
          %dma_wait3A_89 = tpu.memref_slice %arg6[%add3A_77, %dma_wait3A_88] : memref<32768x16xf32, #tpu.memory_space<hbm>> -> memref<32x16xf32, #tpu.memory_space<hbm>>
          %dma_wait3A_90 = arith.constant 0 : i32
          %dma_wait3A_91 = tpu.memref_slice %arg6[%add3A_77, %dma_wait3A_90] : memref<32768x16xf32, #tpu.memory_space<hbm>> -> memref<32x16xf32, #tpu.memory_space<hbm>>
          tpu.wait_dma2 semaphore(%run_scoped3A : memref<!tpu.dma_semaphore, #tpu.memory_space<semaphore_mem>>) src(%dma_wait3A_91 : memref<32x16xf32, #tpu.memory_space<hbm>>) dst(%arg19 : memref<32x16xf32, #tpu.memory_space<vmem>>)
          tpu.yield
        }) : () -> ()
        %dma_start3A_78 = arith.constant 0 : i32
        %dma_start3A_79 = arith.constant 0 : i32
        %dma_start3A_80 = tpu.memref_slice %arg2[%dma_start3A_78, %dma_start3A_79] : memref<67584x512xf32, #tpu.memory_space<hbm>> -> memref<67584x512xf32, #tpu.memory_space<hbm>>
        tpu.enqueue_indirect_dma source(%dma_start3A_80 : memref<67584x512xf32, #tpu.memory_space<hbm>>) target(%arg8 : memref<32x512xf32, #tpu.memory_space<vmem>>) offsets(%arg13 : memref<32xi32, #tpu.memory_space<vmem>>) semaphore(%arg21 : memref<!tpu.dma_semaphore, #tpu.memory_space<semaphore_mem>>)
        %dma_start3A_81 = arith.constant 0 : i32
        %dma_start3A_82 = arith.constant 0 : i32
        %dma_start3A_83 = tpu.memref_slice %arg2[%dma_start3A_81, %dma_start3A_82] : memref<67584x512xf32, #tpu.memory_space<hbm>> -> memref<67584x512xf32, #tpu.memory_space<hbm>>
        tpu.enqueue_indirect_dma source(%dma_start3A_83 : memref<67584x512xf32, #tpu.memory_space<hbm>>) target(%arg10 : memref<32x512xf32, #tpu.memory_space<vmem>>) offsets(%arg15 : memref<32xi32, #tpu.memory_space<vmem>>) semaphore(%arg21 : memref<!tpu.dma_semaphore, #tpu.memory_space<semaphore_mem>>)
      } else {
      }
      %mul3A_50 = arith.constant 2 : i32
      %mul3A_51 = arith.muli %mul3A_50, %scan3A_16 : i32
      %add3A_52 = arith.constant 1 : i32
      %add3A_53 = arith.addi %mul3A_51, %add3A_52 : i32
      %mul3A_54 = arith.constant 32 : i32
      %mul3A_55 = arith.muli %add3A_53, %mul3A_54 : i32
      %add3A_56 = arith.addi %mul3A_2, %mul3A_55 : i32
      %dma_wait3A_57 = arith.constant 0 : i32
      %dma_wait3A_58 = arith.constant 0 : i32
      %dma_wait3A_59 = tpu.memref_slice %arg2[%dma_wait3A_57, %dma_wait3A_58] : memref<67584x512xf32, #tpu.memory_space<hbm>> -> memref<67584x512xf32, #tpu.memory_space<hbm>>
      tpu.wait_indirect_dma semaphore(%arg22 : memref<!tpu.dma_semaphore, #tpu.memory_space<semaphore_mem>>) src(%dma_wait3A_59 : memref<67584x512xf32, #tpu.memory_space<hbm>>) dst(%arg9 : memref<32x512xf32, #tpu.memory_space<vmem>>)
      %dma_wait3A_60 = arith.constant 0 : i32
      %dma_wait3A_61 = arith.constant 0 : i32
      %dma_wait3A_62 = tpu.memref_slice %arg2[%dma_wait3A_60, %dma_wait3A_61] : memref<67584x512xf32, #tpu.memory_space<hbm>> -> memref<67584x512xf32, #tpu.memory_space<hbm>>
      tpu.wait_indirect_dma semaphore(%arg22 : memref<!tpu.dma_semaphore, #tpu.memory_space<semaphore_mem>>) src(%dma_wait3A_62 : memref<67584x512xf32, #tpu.memory_space<hbm>>) dst(%arg11 : memref<32x512xf32, #tpu.memory_space<vmem>>)
      %scan3A_63 = arith.constant 0 : i32
      %scan3A_64 = arith.constant 0 : i32
      %scan3A_65 = arith.constant 32 : i32
      %scan3A_66 = arith.addi %scan3A_64, %scan3A_65 : i32
      %scan3A_67 = arith.constant 1 : i32
      %scan3A_68 = scf.for %scan3A_71 = %scan3A_64 to %scan3A_66 step %scan3A_67 iter_args(%scan3A_72 = %scan3A_63) -> (i32)  : i32 {
        %get3A = arith.index_cast %scan3A_71 : i32 to index
        %get3A_73 = arith.constant 0 : index
        %get3A_74 = tpu.vector_load %arg18[%get3A, %get3A_73] {strides = array<i32>} : memref<32x16xf32, #tpu.memory_space<vmem>>, vector<1x16xf32>,
        %get3A_75 = vector.shape_cast %get3A_74 : vector<1x16xf32> to vector<16xf32>
        %get3A_76 = arith.index_cast %scan3A_71 : i32 to index
        %get3A_77 = arith.constant 0 : index
        %get3A_78 = tpu.vector_load %arg20[%get3A_76, %get3A_77] {strides = array<i32>} : memref<32x16xf32, #tpu.memory_space<vmem>>, vector<1x16xf32>,
        %get3A_79 = vector.shape_cast %get3A_78 : vector<1x16xf32> to vector<16xf32>
        %get3A_80 = arith.index_cast %scan3A_71 : i32 to index
        %get3A_81 = arith.constant 0 : index
        %get3A_82 = tpu.vector_load %arg9[%get3A_80, %get3A_81] {strides = array<i32>} : memref<32x512xf32, #tpu.memory_space<vmem>>, vector<1x16xf32>,
        %get3A_83 = vector.shape_cast %get3A_82 : vector<1x16xf32> to vector<16xf32>
        %mul3A_84 = arith.mulf %get3A_75, %get3A_83 : vector<16xf32>
        %get3A_85 = arith.index_cast %scan3A_71 : i32 to index
        %get3A_86 = arith.constant 0 : index
        %get3A_87 = tpu.vector_load %arg11[%get3A_85, %get3A_86] {strides = array<i32>} : memref<32x512xf32, #tpu.memory_space<vmem>>, vector<1x16xf32>,
        %get3A_88 = vector.shape_cast %get3A_87 : vector<1x16xf32> to vector<16xf32>
        %mul3A_89 = arith.mulf %get3A_79, %get3A_88 : vector<16xf32>
        %add3A_90 = arith.addf %mul3A_84, %mul3A_89 : vector<16xf32>
        %swap3A = arith.index_cast %scan3A_71 : i32 to index
        %swap3A_91 = arith.constant 0 : index
        %swap3A_92 = tpu.vector_load %arg12[%swap3A, %swap3A_91] {strides = array<i32>} : memref<32x512xf32, #tpu.memory_space<vmem>>, vector<1x16xf32>,
        %swap3A_93 = vector.shape_cast %swap3A_92 : vector<1x16xf32> to vector<16xf32>
        %swap3A_94 = vector.shape_cast %add3A_90 : vector<16xf32> to vector<1x16xf32>
        tpu.vector_store %arg12[%swap3A, %swap3A_91], %swap3A_94 {strides = array<i32>} : memref<32x512xf32, #tpu.memory_space<vmem>>, vector<1x16xf32>,
        %get3A_95 = arith.index_cast %scan3A_71 : i32 to index
        %get3A_96 = arith.constant 16 : index
        %get3A_97 = tpu.vector_load %arg9[%get3A_95, %get3A_96] {strides = array<i32>} : memref<32x512xf32, #tpu.memory_space<vmem>>, vector<1x16xf32>,
        %get3A_98 = vector.shape_cast %get3A_97 : vector<1x16xf32> to vector<16xf32>
        %mul3A_99 = arith.mulf %get3A_75, %get3A_98 : vector<16xf32>
        %get3A_100 = arith.index_cast %scan3A_71 : i32 to index
        %get3A_101 = arith.constant 16 : index
        %get3A_102 = tpu.vector_load %arg11[%get3A_100, %get3A_101] {strides = array<i32>} : memref<32x512xf32, #tpu.memory_space<vmem>>, vector<1x16xf32>,
        %get3A_103 = vector.shape_cast %get3A_102 : vector<1x16xf32> to vector<16xf32>
        %mul3A_104 = arith.mulf %get3A_79, %get3A_103 : vector<16xf32>
        %add3A_105 = arith.addf %mul3A_99, %mul3A_104 : vector<16xf32>
        %swap3A_106 = arith.index_cast %scan3A_71 : i32 to index
        %swap3A_107 = arith.constant 16 : index
        %swap3A_108 = tpu.vector_load %arg12[%swap3A_106, %swap3A_107] {strides = array<i32>} : memref<32x512xf32, #tpu.memory_space<vmem>>, vector<1x16xf32>,
        %swap3A_109 = vector.shape_cast %swap3A_108 : vector<1x16xf32> to vector<16xf32>
        %swap3A_110 = vector.shape_cast %add3A_105 : vector<16xf32> to vector<1x16xf32>
        tpu.vector_store %arg12[%swap3A_106, %swap3A_107], %swap3A_110 {strides = array<i32>} : memref<32x512xf32, #tpu.memory_space<vmem>>, vector<1x16xf32>,
        %get3A_111 = arith.index_cast %scan3A_71 : i32 to index
        %get3A_112 = arith.constant 32 : index
        %get3A_113 = tpu.vector_load %arg9[%get3A_111, %get3A_112] {strides = array<i32>} : memref<32x512xf32, #tpu.memory_space<vmem>>, vector<1x16xf32>,
        %get3A_114 = vector.shape_cast %get3A_113 : vector<1x16xf32> to vector<16xf32>
        %mul3A_115 = arith.mulf %get3A_75, %get3A_114 : vector<16xf32>
        %get3A_116 = arith.index_cast %scan3A_71 : i32 to index
        %get3A_117 = arith.constant 32 : index
        %get3A_118 = tpu.vector_load %arg11[%get3A_116, %get3A_117] {strides = array<i32>} : memref<32x512xf32, #tpu.memory_space<vmem>>, vector<1x16xf32>,
        %get3A_119 = vector.shape_cast %get3A_118 : vector<1x16xf32> to vector<16xf32>
        %mul3A_120 = arith.mulf %get3A_79, %get3A_119 : vector<16xf32>
        %add3A_121 = arith.addf %mul3A_115, %mul3A_120 : vector<16xf32>
        %swap3A_122 = arith.index_cast %scan3A_71 : i32 to index
        %swap3A_123 = arith.constant 32 : index
        %swap3A_124 = tpu.vector_load %arg12[%swap3A_122, %swap3A_123] {strides = array<i32>} : memref<32x512xf32, #tpu.memory_space<vmem>>, vector<1x16xf32>,
        %swap3A_125 = vector.shape_cast %swap3A_124 : vector<1x16xf32> to vector<16xf32>
        %swap3A_126 = vector.shape_cast %add3A_121 : vector<16xf32> to vector<1x16xf32>
        tpu.vector_store %arg12[%swap3A_122, %swap3A_123], %swap3A_126 {strides = array<i32>} : memref<32x512xf32, #tpu.memory_space<vmem>>, vector<1x16xf32>,
        %get3A_127 = arith.index_cast %scan3A_71 : i32 to index
        %get3A_128 = arith.constant 48 : index
        %get3A_129 = tpu.vector_load %arg9[%get3A_127, %get3A_128] {strides = array<i32>} : memref<32x512xf32, #tpu.memory_space<vmem>>, vector<1x16xf32>,
        %get3A_130 = vector.shape_cast %get3A_129 : vector<1x16xf32> to vector<16xf32>
        %mul3A_131 = arith.mulf %get3A_75, %get3A_130 : vector<16xf32>
        %get3A_132 = arith.index_cast %scan3A_71 : i32 to index
        %get3A_133 = arith.constant 48 : index
        %get3A_134 = tpu.vector_load %arg11[%get3A_132, %get3A_133] {strides = array<i32>} : memref<32x512xf32, #tpu.memory_space<vmem>>, vector<1x16xf32>,
        %get3A_135 = vector.shape_cast %get3A_134 : vector<1x16xf32> to vector<16xf32>
        %mul3A_136 = arith.mulf %get3A_79, %get3A_135 : vector<16xf32>
        %add3A_137 = arith.addf %mul3A_131, %mul3A_136 : vector<16xf32>
        %swap3A_138 = arith.index_cast %scan3A_71 : i32 to index
        %swap3A_139 = arith.constant 48 : index
        %swap3A_140 = tpu.vector_load %arg12[%swap3A_138, %swap3A_139] {strides = array<i32>} : memref<32x512xf32, #tpu.memory_space<vmem>>, vector<1x16xf32>,
        %swap3A_141 = vector.shape_cast %swap3A_140 : vector<1x16xf32> to vector<16xf32>
        %swap3A_142 = vector.shape_cast %add3A_137 : vector<16xf32> to vector<1x16xf32>
        tpu.vector_store %arg12[%swap3A_138, %swap3A_139], %swap3A_142 {strides = array<i32>} : memref<32x512xf32, #tpu.memory_space<vmem>>, vector<1x16xf32>,
        %get3A_143 = arith.index_cast %scan3A_71 : i32 to index
        %get3A_144 = arith.constant 64 : index
        %get3A_145 = tpu.vector_load %arg9[%get3A_143, %get3A_144] {strides = array<i32>} : memref<32x512xf32, #tpu.memory_space<vmem>>, vector<1x16xf32>,
        %get3A_146 = vector.shape_cast %get3A_145 : vector<1x16xf32> to vector<16xf32>
        %mul3A_147 = arith.mulf %get3A_75, %get3A_146 : vector<16xf32>
        %get3A_148 = arith.index_cast %scan3A_71 : i32 to index
        %get3A_149 = arith.constant 64 : index
        %get3A_150 = tpu.vector_load %arg11[%get3A_148, %get3A_149] {strides = array<i32>} : memref<32x512xf32, #tpu.memory_space<vmem>>, vector<1x16xf32>,
        %get3A_151 = vector.shape_cast %get3A_150 : vector<1x16xf32> to vector<16xf32>
        %mul3A_152 = arith.mulf %get3A_79, %get3A_151 : vector<16xf32>
        %add3A_153 = arith.addf %mul3A_147, %mul3A_152 : vector<16xf32>
        %swap3A_154 = arith.index_cast %scan3A_71 : i32 to index
        %swap3A_155 = arith.constant 64 : index
        %swap3A_156 = tpu.vector_load %arg12[%swap3A_154, %swap3A_155] {strides = array<i32>} : memref<32x512xf32, #tpu.memory_space<vmem>>, vector<1x16xf32>,
        %swap3A_157 = vector.shape_cast %swap3A_156 : vector<1x16xf32> to vector<16xf32>
        %swap3A_158 = vector.shape_cast %add3A_153 : vector<16xf32> to vector<1x16xf32>
        tpu.vector_store %arg12[%swap3A_154, %swap3A_155], %swap3A_158 {strides = array<i32>} : memref<32x512xf32, #tpu.memory_space<vmem>>, vector<1x16xf32>,
        %get3A_159 = arith.index_cast %scan3A_71 : i32 to index
        %get3A_160 = arith.constant 80 : index
        %get3A_161 = tpu.vector_load %arg9[%get3A_159, %get3A_160] {strides = array<i32>} : memref<32x512xf32, #tpu.memory_space<vmem>>, vector<1x16xf32>,
        %get3A_162 = vector.shape_cast %get3A_161 : vector<1x16xf32> to vector<16xf32>
        %mul3A_163 = arith.mulf %get3A_75, %get3A_162 : vector<16xf32>
        %get3A_164 = arith.index_cast %scan3A_71 : i32 to index
        %get3A_165 = arith.constant 80 : index
        %get3A_166 = tpu.vector_load %arg11[%get3A_164, %get3A_165] {strides = array<i32>} : memref<32x512xf32, #tpu.memory_space<vmem>>, vector<1x16xf32>,
        %get3A_167 = vector.shape_cast %get3A_166 : vector<1x16xf32> to vector<16xf32>
        %mul3A_168 = arith.mulf %get3A_79, %get3A_167 : vector<16xf32>
        %add3A_169 = arith.addf %mul3A_163, %mul3A_168 : vector<16xf32>
        %swap3A_170 = arith.index_cast %scan3A_71 : i32 to index
        %swap3A_171 = arith.constant 80 : index
        %swap3A_172 = tpu.vector_load %arg12[%swap3A_170, %swap3A_171] {strides = array<i32>} : memref<32x512xf32, #tpu.memory_space<vmem>>, vector<1x16xf32>,
        %swap3A_173 = vector.shape_cast %swap3A_172 : vector<1x16xf32> to vector<16xf32>
        %swap3A_174 = vector.shape_cast %add3A_169 : vector<16xf32> to vector<1x16xf32>
        tpu.vector_store %arg12[%swap3A_170, %swap3A_171], %swap3A_174 {strides = array<i32>} : memref<32x512xf32, #tpu.memory_space<vmem>>, vector<1x16xf32>,
        %get3A_175 = arith.index_cast %scan3A_71 : i32 to index
        %get3A_176 = arith.constant 96 : index
        %get3A_177 = tpu.vector_load %arg9[%get3A_175, %get3A_176] {strides = array<i32>} : memref<32x512xf32, #tpu.memory_space<vmem>>, vector<1x16xf32>,
        %get3A_178 = vector.shape_cast %get3A_177 : vector<1x16xf32> to vector<16xf32>
        %mul3A_179 = arith.mulf %get3A_75, %get3A_178 : vector<16xf32>
        %get3A_180 = arith.index_cast %scan3A_71 : i32 to index
        %get3A_181 = arith.constant 96 : index
        %get3A_182 = tpu.vector_load %arg11[%get3A_180, %get3A_181] {strides = array<i32>} : memref<32x512xf32, #tpu.memory_space<vmem>>, vector<1x16xf32>,
        %get3A_183 = vector.shape_cast %get3A_182 : vector<1x16xf32> to vector<16xf32>
        %mul3A_184 = arith.mulf %get3A_79, %get3A_183 : vector<16xf32>
        %add3A_185 = arith.addf %mul3A_179, %mul3A_184 : vector<16xf32>
        %swap3A_186 = arith.index_cast %scan3A_71 : i32 to index
        %swap3A_187 = arith.constant 96 : index
        %swap3A_188 = tpu.vector_load %arg12[%swap3A_186, %swap3A_187] {strides = array<i32>} : memref<32x512xf32, #tpu.memory_space<vmem>>, vector<1x16xf32>,
        %swap3A_189 = vector.shape_cast %swap3A_188 : vector<1x16xf32> to vector<16xf32>
        %swap3A_190 = vector.shape_cast %add3A_185 : vector<16xf32> to vector<1x16xf32>
        tpu.vector_store %arg12[%swap3A_186, %swap3A_187], %swap3A_190 {strides = array<i32>} : memref<32x512xf32, #tpu.memory_space<vmem>>, vector<1x16xf32>,
        %get3A_191 = arith.index_cast %scan3A_71 : i32 to index
        %get3A_192 = arith.constant 112 : index
        %get3A_193 = tpu.vector_load %arg9[%get3A_191, %get3A_192] {strides = array<i32>} : memref<32x512xf32, #tpu.memory_space<vmem>>, vector<1x16xf32>,
        %get3A_194 = vector.shape_cast %get3A_193 : vector<1x16xf32> to vector<16xf32>
        %mul3A_195 = arith.mulf %get3A_75, %get3A_194 : vector<16xf32>
        %get3A_196 = arith.index_cast %scan3A_71 : i32 to index
        %get3A_197 = arith.constant 112 : index
        %get3A_198 = tpu.vector_load %arg11[%get3A_196, %get3A_197] {strides = array<i32>} : memref<32x512xf32, #tpu.memory_space<vmem>>, vector<1x16xf32>,
        %get3A_199 = vector.shape_cast %get3A_198 : vector<1x16xf32> to vector<16xf32>
        %mul3A_200 = arith.mulf %get3A_79, %get3A_199 : vector<16xf32>
        %add3A_201 = arith.addf %mul3A_195, %mul3A_200 : vector<16xf32>
        %swap3A_202 = arith.index_cast %scan3A_71 : i32 to index
        %swap3A_203 = arith.constant 112 : index
        %swap3A_204 = tpu.vector_load %arg12[%swap3A_202, %swap3A_203] {strides = array<i32>} : memref<32x512xf32, #tpu.memory_space<vmem>>, vector<1x16xf32>,
        %swap3A_205 = vector.shape_cast %swap3A_204 : vector<1x16xf32> to vector<16xf32>
        %swap3A_206 = vector.shape_cast %add3A_201 : vector<16xf32> to vector<1x16xf32>
        tpu.vector_store %arg12[%swap3A_202, %swap3A_203], %swap3A_206 {strides = array<i32>} : memref<32x512xf32, #tpu.memory_space<vmem>>, vector<1x16xf32>,
        %get3A_207 = arith.index_cast %scan3A_71 : i32 to index
        %get3A_208 = arith.constant 128 : index
        %get3A_209 = tpu.vector_load %arg9[%get3A_207, %get3A_208] {strides = array<i32>} : memref<32x512xf32, #tpu.memory_space<vmem>>, vector<1x16xf32>,
        %get3A_210 = vector.shape_cast %get3A_209 : vector<1x16xf32> to vector<16xf32>
        %mul3A_211 = arith.mulf %get3A_75, %get3A_210 : vector<16xf32>
        %get3A_212 = arith.index_cast %scan3A_71 : i32 to index
        %get3A_213 = arith.constant 128 : index
        %get3A_214 = tpu.vector_load %arg11[%get3A_212, %get3A_213] {strides = array<i32>} : memref<32x512xf32, #tpu.memory_space<vmem>>, vector<1x16xf32>,
        %get3A_215 = vector.shape_cast %get3A_214 : vector<1x16xf32> to vector<16xf32>
        %mul3A_216 = arith.mulf %get3A_79, %get3A_215 : vector<16xf32>
        %add3A_217 = arith.addf %mul3A_211, %mul3A_216 : vector<16xf32>
        %swap3A_218 = arith.index_cast %scan3A_71 : i32 to index
        %swap3A_219 = arith.constant 128 : index
        %swap3A_220 = tpu.vector_load %arg12[%swap3A_218, %swap3A_219] {strides = array<i32>} : memref<32x512xf32, #tpu.memory_space<vmem>>, vector<1x16xf32>,
        %swap3A_221 = vector.shape_cast %swap3A_220 : vector<1x16xf32> to vector<16xf32>
        %swap3A_222 = vector.shape_cast %add3A_217 : vector<16xf32> to vector<1x16xf32>
        tpu.vector_store %arg12[%swap3A_218, %swap3A_219], %swap3A_222 {strides = array<i32>} : memref<32x512xf32, #tpu.memory_space<vmem>>, vector<1x16xf32>,
        %get3A_223 = arith.index_cast %scan3A_71 : i32 to index
        %get3A_224 = arith.constant 144 : index
        %get3A_225 = tpu.vector_load %arg9[%get3A_223, %get3A_224] {strides = array<i32>} : memref<32x512xf32, #tpu.memory_space<vmem>>, vector<1x16xf32>,
        %get3A_226 = vector.shape_cast %get3A_225 : vector<1x16xf32> to vector<16xf32>
        %mul3A_227 = arith.mulf %get3A_75, %get3A_226 : vector<16xf32>
        %get3A_228 = arith.index_cast %scan3A_71 : i32 to index
        %get3A_229 = arith.constant 144 : index
        %get3A_230 = tpu.vector_load %arg11[%get3A_228, %get3A_229] {strides = array<i32>} : memref<32x512xf32, #tpu.memory_space<vmem>>, vector<1x16xf32>,
        %get3A_231 = vector.shape_cast %get3A_230 : vector<1x16xf32> to vector<16xf32>
        %mul3A_232 = arith.mulf %get3A_79, %get3A_231 : vector<16xf32>
        %add3A_233 = arith.addf %mul3A_227, %mul3A_232 : vector<16xf32>
        %swap3A_234 = arith.index_cast %scan3A_71 : i32 to index
        %swap3A_235 = arith.constant 144 : index
        %swap3A_236 = tpu.vector_load %arg12[%swap3A_234, %swap3A_235] {strides = array<i32>} : memref<32x512xf32, #tpu.memory_space<vmem>>, vector<1x16xf32>,
        %swap3A_237 = vector.shape_cast %swap3A_236 : vector<1x16xf32> to vector<16xf32>
        %swap3A_238 = vector.shape_cast %add3A_233 : vector<16xf32> to vector<1x16xf32>
        tpu.vector_store %arg12[%swap3A_234, %swap3A_235], %swap3A_238 {strides = array<i32>} : memref<32x512xf32, #tpu.memory_space<vmem>>, vector<1x16xf32>,
        %get3A_239 = arith.index_cast %scan3A_71 : i32 to index
        %get3A_240 = arith.constant 160 : index
        %get3A_241 = tpu.vector_load %arg9[%get3A_239, %get3A_240] {strides = array<i32>} : memref<32x512xf32, #tpu.memory_space<vmem>>, vector<1x16xf32>,
        %get3A_242 = vector.shape_cast %get3A_241 : vector<1x16xf32> to vector<16xf32>
        %mul3A_243 = arith.mulf %get3A_75, %get3A_242 : vector<16xf32>
        %get3A_244 = arith.index_cast %scan3A_71 : i32 to index
        %get3A_245 = arith.constant 160 : index
        %get3A_246 = tpu.vector_load %arg11[%get3A_244, %get3A_245] {strides = array<i32>} : memref<32x512xf32, #tpu.memory_space<vmem>>, vector<1x16xf32>,
        %get3A_247 = vector.shape_cast %get3A_246 : vector<1x16xf32> to vector<16xf32>
        %mul3A_248 = arith.mulf %get3A_79, %get3A_247 : vector<16xf32>
        %add3A_249 = arith.addf %mul3A_243, %mul3A_248 : vector<16xf32>
        %swap3A_250 = arith.index_cast %scan3A_71 : i32 to index
        %swap3A_251 = arith.constant 160 : index
        %swap3A_252 = tpu.vector_load %arg12[%swap3A_250, %swap3A_251] {strides = array<i32>} : memref<32x512xf32, #tpu.memory_space<vmem>>, vector<1x16xf32>,
        %swap3A_253 = vector.shape_cast %swap3A_252 : vector<1x16xf32> to vector<16xf32>
        %swap3A_254 = vector.shape_cast %add3A_249 : vector<16xf32> to vector<1x16xf32>
        tpu.vector_store %arg12[%swap3A_250, %swap3A_251], %swap3A_254 {strides = array<i32>} : memref<32x512xf32, #tpu.memory_space<vmem>>, vector<1x16xf32>,
        %get3A_255 = arith.index_cast %scan3A_71 : i32 to index
        %get3A_256 = arith.constant 176 : index
        %get3A_257 = tpu.vector_load %arg9[%get3A_255, %get3A_256] {strides = array<i32>} : memref<32x512xf32, #tpu.memory_space<vmem>>, vector<1x16xf32>,
        %get3A_258 = vector.shape_cast %get3A_257 : vector<1x16xf32> to vector<16xf32>
        %mul3A_259 = arith.mulf %get3A_75, %get3A_258 : vector<16xf32>
        %get3A_260 = arith.index_cast %scan3A_71 : i32 to index
        %get3A_261 = arith.constant 176 : index
        %get3A_262 = tpu.vector_load %arg11[%get3A_260, %get3A_261] {strides = array<i32>} : memref<32x512xf32, #tpu.memory_space<vmem>>, vector<1x16xf32>,
        %get3A_263 = vector.shape_cast %get3A_262 : vector<1x16xf32> to vector<16xf32>
        %mul3A_264 = arith.mulf %get3A_79, %get3A_263 : vector<16xf32>
        %add3A_265 = arith.addf %mul3A_259, %mul3A_264 : vector<16xf32>
        %swap3A_266 = arith.index_cast %scan3A_71 : i32 to index
        %swap3A_267 = arith.constant 176 : index
        %swap3A_268 = tpu.vector_load %arg12[%swap3A_266, %swap3A_267] {strides = array<i32>} : memref<32x512xf32, #tpu.memory_space<vmem>>, vector<1x16xf32>,
        %swap3A_269 = vector.shape_cast %swap3A_268 : vector<1x16xf32> to vector<16xf32>
        %swap3A_270 = vector.shape_cast %add3A_265 : vector<16xf32> to vector<1x16xf32>
        tpu.vector_store %arg12[%swap3A_266, %swap3A_267], %swap3A_270 {strides = array<i32>} : memref<32x512xf32, #tpu.memory_space<vmem>>, vector<1x16xf32>,
        %get3A_271 = arith.index_cast %scan3A_71 : i32 to index
        %get3A_272 = arith.constant 192 : index
        %get3A_273 = tpu.vector_load %arg9[%get3A_271, %get3A_272] {strides = array<i32>} : memref<32x512xf32, #tpu.memory_space<vmem>>, vector<1x16xf32>,
        %get3A_274 = vector.shape_cast %get3A_273 : vector<1x16xf32> to vector<16xf32>
        %mul3A_275 = arith.mulf %get3A_75, %get3A_274 : vector<16xf32>
        %get3A_276 = arith.index_cast %scan3A_71 : i32 to index
        %get3A_277 = arith.constant 192 : index
        %get3A_278 = tpu.vector_load %arg11[%get3A_276, %get3A_277] {strides = array<i32>} : memref<32x512xf32, #tpu.memory_space<vmem>>, vector<1x16xf32>,
        %get3A_279 = vector.shape_cast %get3A_278 : vector<1x16xf32> to vector<16xf32>
        %mul3A_280 = arith.mulf %get3A_79, %get3A_279 : vector<16xf32>
        %add3A_281 = arith.addf %mul3A_275, %mul3A_280 : vector<16xf32>
        %swap3A_282 = arith.index_cast %scan3A_71 : i32 to index
        %swap3A_283 = arith.constant 192 : index
        %swap3A_284 = tpu.vector_load %arg12[%swap3A_282, %swap3A_283] {strides = array<i32>} : memref<32x512xf32, #tpu.memory_space<vmem>>, vector<1x16xf32>,
        %swap3A_285 = vector.shape_cast %swap3A_284 : vector<1x16xf32> to vector<16xf32>
        %swap3A_286 = vector.shape_cast %add3A_281 : vector<16xf32> to vector<1x16xf32>
        tpu.vector_store %arg12[%swap3A_282, %swap3A_283], %swap3A_286 {strides = array<i32>} : memref<32x512xf32, #tpu.memory_space<vmem>>, vector<1x16xf32>,
        %get3A_287 = arith.index_cast %scan3A_71 : i32 to index
        %get3A_288 = arith.constant 208 : index
        %get3A_289 = tpu.vector_load %arg9[%get3A_287, %get3A_288] {strides = array<i32>} : memref<32x512xf32, #tpu.memory_space<vmem>>, vector<1x16xf32>,
        %get3A_290 = vector.shape_cast %get3A_289 : vector<1x16xf32> to vector<16xf32>
        %mul3A_291 = arith.mulf %get3A_75, %get3A_290 : vector<16xf32>
        %get3A_292 = arith.index_cast %scan3A_71 : i32 to index
        %get3A_293 = arith.constant 208 : index
        %get3A_294 = tpu.vector_load %arg11[%get3A_292, %get3A_293] {strides = array<i32>} : memref<32x512xf32, #tpu.memory_space<vmem>>, vector<1x16xf32>,
        %get3A_295 = vector.shape_cast %get3A_294 : vector<1x16xf32> to vector<16xf32>
        %mul3A_296 = arith.mulf %get3A_79, %get3A_295 : vector<16xf32>
        %add3A_297 = arith.addf %mul3A_291, %mul3A_296 : vector<16xf32>
        %swap3A_298 = arith.index_cast %scan3A_71 : i32 to index
        %swap3A_299 = arith.constant 208 : index
        %swap3A_300 = tpu.vector_load %arg12[%swap3A_298, %swap3A_299] {strides = array<i32>} : memref<32x512xf32, #tpu.memory_space<vmem>>, vector<1x16xf32>,
        %swap3A_301 = vector.shape_cast %swap3A_300 : vector<1x16xf32> to vector<16xf32>
        %swap3A_302 = vector.shape_cast %add3A_297 : vector<16xf32> to vector<1x16xf32>
        tpu.vector_store %arg12[%swap3A_298, %swap3A_299], %swap3A_302 {strides = array<i32>} : memref<32x512xf32, #tpu.memory_space<vmem>>, vector<1x16xf32>,
        %get3A_303 = arith.index_cast %scan3A_71 : i32 to index
        %get3A_304 = arith.constant 224 : index
        %get3A_305 = tpu.vector_load %arg9[%get3A_303, %get3A_304] {strides = array<i32>} : memref<32x512xf32, #tpu.memory_space<vmem>>, vector<1x16xf32>,
        %get3A_306 = vector.shape_cast %get3A_305 : vector<1x16xf32> to vector<16xf32>
        %mul3A_307 = arith.mulf %get3A_75, %get3A_306 : vector<16xf32>
        %get3A_308 = arith.index_cast %scan3A_71 : i32 to index
        %get3A_309 = arith.constant 224 : index
        %get3A_310 = tpu.vector_load %arg11[%get3A_308, %get3A_309] {strides = array<i32>} : memref<32x512xf32, #tpu.memory_space<vmem>>, vector<1x16xf32>,
        %get3A_311 = vector.shape_cast %get3A_310 : vector<1x16xf32> to vector<16xf32>
        %mul3A_312 = arith.mulf %get3A_79, %get3A_311 : vector<16xf32>
        %add3A_313 = arith.addf %mul3A_307, %mul3A_312 : vector<16xf32>
        %swap3A_314 = arith.index_cast %scan3A_71 : i32 to index
        %swap3A_315 = arith.constant 224 : index
        %swap3A_316 = tpu.vector_load %arg12[%swap3A_314, %swap3A_315] {strides = array<i32>} : memref<32x512xf32, #tpu.memory_space<vmem>>, vector<1x16xf32>,
        %swap3A_317 = vector.shape_cast %swap3A_316 : vector<1x16xf32> to vector<16xf32>
        %swap3A_318 = vector.shape_cast %add3A_313 : vector<16xf32> to vector<1x16xf32>
        tpu.vector_store %arg12[%swap3A_314, %swap3A_315], %swap3A_318 {strides = array<i32>} : memref<32x512xf32, #tpu.memory_space<vmem>>, vector<1x16xf32>,
        %get3A_319 = arith.index_cast %scan3A_71 : i32 to index
        %get3A_320 = arith.constant 240 : index
        %get3A_321 = tpu.vector_load %arg9[%get3A_319, %get3A_320] {strides = array<i32>} : memref<32x512xf32, #tpu.memory_space<vmem>>, vector<1x16xf32>,
        %get3A_322 = vector.shape_cast %get3A_321 : vector<1x16xf32> to vector<16xf32>
        %mul3A_323 = arith.mulf %get3A_75, %get3A_322 : vector<16xf32>
        %get3A_324 = arith.index_cast %scan3A_71 : i32 to index
        %get3A_325 = arith.constant 240 : index
        %get3A_326 = tpu.vector_load %arg11[%get3A_324, %get3A_325] {strides = array<i32>} : memref<32x512xf32, #tpu.memory_space<vmem>>, vector<1x16xf32>,
        %get3A_327 = vector.shape_cast %get3A_326 : vector<1x16xf32> to vector<16xf32>
        %mul3A_328 = arith.mulf %get3A_79, %get3A_327 : vector<16xf32>
        %add3A_329 = arith.addf %mul3A_323, %mul3A_328 : vector<16xf32>
        %swap3A_330 = arith.index_cast %scan3A_71 : i32 to index
        %swap3A_331 = arith.constant 240 : index
        %swap3A_332 = tpu.vector_load %arg12[%swap3A_330, %swap3A_331] {strides = array<i32>} : memref<32x512xf32, #tpu.memory_space<vmem>>, vector<1x16xf32>,
        %swap3A_333 = vector.shape_cast %swap3A_332 : vector<1x16xf32> to vector<16xf32>
        %swap3A_334 = vector.shape_cast %add3A_329 : vector<16xf32> to vector<1x16xf32>
        tpu.vector_store %arg12[%swap3A_330, %swap3A_331], %swap3A_334 {strides = array<i32>} : memref<32x512xf32, #tpu.memory_space<vmem>>, vector<1x16xf32>,
        %get3A_335 = arith.index_cast %scan3A_71 : i32 to index
        %get3A_336 = arith.constant 256 : index
        %get3A_337 = tpu.vector_load %arg9[%get3A_335, %get3A_336] {strides = array<i32>} : memref<32x512xf32, #tpu.memory_space<vmem>>, vector<1x16xf32>,
        %get3A_338 = vector.shape_cast %get3A_337 : vector<1x16xf32> to vector<16xf32>
        %mul3A_339 = arith.mulf %get3A_75, %get3A_338 : vector<16xf32>
        %get3A_340 = arith.index_cast %scan3A_71 : i32 to index
        %get3A_341 = arith.constant 256 : index
        %get3A_342 = tpu.vector_load %arg11[%get3A_340, %get3A_341] {strides = array<i32>} : memref<32x512xf32, #tpu.memory_space<vmem>>, vector<1x16xf32>,
        %get3A_343 = vector.shape_cast %get3A_342 : vector<1x16xf32> to vector<16xf32>
        %mul3A_344 = arith.mulf %get3A_79, %get3A_343 : vector<16xf32>
        %add3A_345 = arith.addf %mul3A_339, %mul3A_344 : vector<16xf32>
        %swap3A_346 = arith.index_cast %scan3A_71 : i32 to index
        %swap3A_347 = arith.constant 256 : index
        %swap3A_348 = tpu.vector_load %arg12[%swap3A_346, %swap3A_347] {strides = array<i32>} : memref<32x512xf32, #tpu.memory_space<vmem>>, vector<1x16xf32>,
        %swap3A_349 = vector.shape_cast %swap3A_348 : vector<1x16xf32> to vector<16xf32>
        %swap3A_350 = vector.shape_cast %add3A_345 : vector<16xf32> to vector<1x16xf32>
        tpu.vector_store %arg12[%swap3A_346, %swap3A_347], %swap3A_350 {strides = array<i32>} : memref<32x512xf32, #tpu.memory_space<vmem>>, vector<1x16xf32>,
        %get3A_351 = arith.index_cast %scan3A_71 : i32 to index
        %get3A_352 = arith.constant 272 : index
        %get3A_353 = tpu.vector_load %arg9[%get3A_351, %get3A_352] {strides = array<i32>} : memref<32x512xf32, #tpu.memory_space<vmem>>, vector<1x16xf32>,
        %get3A_354 = vector.shape_cast %get3A_353 : vector<1x16xf32> to vector<16xf32>
        %mul3A_355 = arith.mulf %get3A_75, %get3A_354 : vector<16xf32>
        %get3A_356 = arith.index_cast %scan3A_71 : i32 to index
        %get3A_357 = arith.constant 272 : index
        %get3A_358 = tpu.vector_load %arg11[%get3A_356, %get3A_357] {strides = array<i32>} : memref<32x512xf32, #tpu.memory_space<vmem>>, vector<1x16xf32>,
        %get3A_359 = vector.shape_cast %get3A_358 : vector<1x16xf32> to vector<16xf32>
        %mul3A_360 = arith.mulf %get3A_79, %get3A_359 : vector<16xf32>
        %add3A_361 = arith.addf %mul3A_355, %mul3A_360 : vector<16xf32>
        %swap3A_362 = arith.index_cast %scan3A_71 : i32 to index
        %swap3A_363 = arith.constant 272 : index
        %swap3A_364 = tpu.vector_load %arg12[%swap3A_362, %swap3A_363] {strides = array<i32>} : memref<32x512xf32, #tpu.memory_space<vmem>>, vector<1x16xf32>,
        %swap3A_365 = vector.shape_cast %swap3A_364 : vector<1x16xf32> to vector<16xf32>
        %swap3A_366 = vector.shape_cast %add3A_361 : vector<16xf32> to vector<1x16xf32>
        tpu.vector_store %arg12[%swap3A_362, %swap3A_363], %swap3A_366 {strides = array<i32>} : memref<32x512xf32, #tpu.memory_space<vmem>>, vector<1x16xf32>,
        %get3A_367 = arith.index_cast %scan3A_71 : i32 to index
        %get3A_368 = arith.constant 288 : index
        %get3A_369 = tpu.vector_load %arg9[%get3A_367, %get3A_368] {strides = array<i32>} : memref<32x512xf32, #tpu.memory_space<vmem>>, vector<1x16xf32>,
        %get3A_370 = vector.shape_cast %get3A_369 : vector<1x16xf32> to vector<16xf32>
        %mul3A_371 = arith.mulf %get3A_75, %get3A_370 : vector<16xf32>
        %get3A_372 = arith.index_cast %scan3A_71 : i32 to index
        %get3A_373 = arith.constant 288 : index
        %get3A_374 = tpu.vector_load %arg11[%get3A_372, %get3A_373] {strides = array<i32>} : memref<32x512xf32, #tpu.memory_space<vmem>>, vector<1x16xf32>,
        %get3A_375 = vector.shape_cast %get3A_374 : vector<1x16xf32> to vector<16xf32>
        %mul3A_376 = arith.mulf %get3A_79, %get3A_375 : vector<16xf32>
        %add3A_377 = arith.addf %mul3A_371, %mul3A_376 : vector<16xf32>
        %swap3A_378 = arith.index_cast %scan3A_71 : i32 to index
        %swap3A_379 = arith.constant 288 : index
        %swap3A_380 = tpu.vector_load %arg12[%swap3A_378, %swap3A_379] {strides = array<i32>} : memref<32x512xf32, #tpu.memory_space<vmem>>, vector<1x16xf32>,
        %swap3A_381 = vector.shape_cast %swap3A_380 : vector<1x16xf32> to vector<16xf32>
        %swap3A_382 = vector.shape_cast %add3A_377 : vector<16xf32> to vector<1x16xf32>
        tpu.vector_store %arg12[%swap3A_378, %swap3A_379], %swap3A_382 {strides = array<i32>} : memref<32x512xf32, #tpu.memory_space<vmem>>, vector<1x16xf32>,
        %get3A_383 = arith.index_cast %scan3A_71 : i32 to index
        %get3A_384 = arith.constant 304 : index
        %get3A_385 = tpu.vector_load %arg9[%get3A_383, %get3A_384] {strides = array<i32>} : memref<32x512xf32, #tpu.memory_space<vmem>>, vector<1x16xf32>,
        %get3A_386 = vector.shape_cast %get3A_385 : vector<1x16xf32> to vector<16xf32>
        %mul3A_387 = arith.mulf %get3A_75, %get3A_386 : vector<16xf32>
        %get3A_388 = arith.index_cast %scan3A_71 : i32 to index
        %get3A_389 = arith.constant 304 : index
        %get3A_390 = tpu.vector_load %arg11[%get3A_388, %get3A_389] {strides = array<i32>} : memref<32x512xf32, #tpu.memory_space<vmem>>, vector<1x16xf32>,
        %get3A_391 = vector.shape_cast %get3A_390 : vector<1x16xf32> to vector<16xf32>
        %mul3A_392 = arith.mulf %get3A_79, %get3A_391 : vector<16xf32>
        %add3A_393 = arith.addf %mul3A_387, %mul3A_392 : vector<16xf32>
        %swap3A_394 = arith.index_cast %scan3A_71 : i32 to index
        %swap3A_395 = arith.constant 304 : index
        %swap3A_396 = tpu.vector_load %arg12[%swap3A_394, %swap3A_395] {strides = array<i32>} : memref<32x512xf32, #tpu.memory_space<vmem>>, vector<1x16xf32>,
        %swap3A_397 = vector.shape_cast %swap3A_396 : vector<1x16xf32> to vector<16xf32>
        %swap3A_398 = vector.shape_cast %add3A_393 : vector<16xf32> to vector<1x16xf32>
        tpu.vector_store %arg12[%swap3A_394, %swap3A_395], %swap3A_398 {strides = array<i32>} : memref<32x512xf32, #tpu.memory_space<vmem>>, vector<1x16xf32>,
        %get3A_399 = arith.index_cast %scan3A_71 : i32 to index
        %get3A_400 = arith.constant 320 : index
        %get3A_401 = tpu.vector_load %arg9[%get3A_399, %get3A_400] {strides = array<i32>} : memref<32x512xf32, #tpu.memory_space<vmem>>, vector<1x16xf32>,
        %get3A_402 = vector.shape_cast %get3A_401 : vector<1x16xf32> to vector<16xf32>
        %mul3A_403 = arith.mulf %get3A_75, %get3A_402 : vector<16xf32>
        %get3A_404 = arith.index_cast %scan3A_71 : i32 to index
        %get3A_405 = arith.constant 320 : index
        %get3A_406 = tpu.vector_load %arg11[%get3A_404, %get3A_405] {strides = array<i32>} : memref<32x512xf32, #tpu.memory_space<vmem>>, vector<1x16xf32>,
        %get3A_407 = vector.shape_cast %get3A_406 : vector<1x16xf32> to vector<16xf32>
        %mul3A_408 = arith.mulf %get3A_79, %get3A_407 : vector<16xf32>
        %add3A_409 = arith.addf %mul3A_403, %mul3A_408 : vector<16xf32>
        %swap3A_410 = arith.index_cast %scan3A_71 : i32 to index
        %swap3A_411 = arith.constant 320 : index
        %swap3A_412 = tpu.vector_load %arg12[%swap3A_410, %swap3A_411] {strides = array<i32>} : memref<32x512xf32, #tpu.memory_space<vmem>>, vector<1x16xf32>,
        %swap3A_413 = vector.shape_cast %swap3A_412 : vector<1x16xf32> to vector<16xf32>
        %swap3A_414 = vector.shape_cast %add3A_409 : vector<16xf32> to vector<1x16xf32>
        tpu.vector_store %arg12[%swap3A_410, %swap3A_411], %swap3A_414 {strides = array<i32>} : memref<32x512xf32, #tpu.memory_space<vmem>>, vector<1x16xf32>,
        %get3A_415 = arith.index_cast %scan3A_71 : i32 to index
        %get3A_416 = arith.constant 336 : index
        %get3A_417 = tpu.vector_load %arg9[%get3A_415, %get3A_416] {strides = array<i32>} : memref<32x512xf32, #tpu.memory_space<vmem>>, vector<1x16xf32>,
        %get3A_418 = vector.shape_cast %get3A_417 : vector<1x16xf32> to vector<16xf32>
        %mul3A_419 = arith.mulf %get3A_75, %get3A_418 : vector<16xf32>
        %get3A_420 = arith.index_cast %scan3A_71 : i32 to index
        %get3A_421 = arith.constant 336 : index
        %get3A_422 = tpu.vector_load %arg11[%get3A_420, %get3A_421] {strides = array<i32>} : memref<32x512xf32, #tpu.memory_space<vmem>>, vector<1x16xf32>,
        %get3A_423 = vector.shape_cast %get3A_422 : vector<1x16xf32> to vector<16xf32>
        %mul3A_424 = arith.mulf %get3A_79, %get3A_423 : vector<16xf32>
        %add3A_425 = arith.addf %mul3A_419, %mul3A_424 : vector<16xf32>
        %swap3A_426 = arith.index_cast %scan3A_71 : i32 to index
        %swap3A_427 = arith.constant 336 : index
        %swap3A_428 = tpu.vector_load %arg12[%swap3A_426, %swap3A_427] {strides = array<i32>} : memref<32x512xf32, #tpu.memory_space<vmem>>, vector<1x16xf32>,
        %swap3A_429 = vector.shape_cast %swap3A_428 : vector<1x16xf32> to vector<16xf32>
        %swap3A_430 = vector.shape_cast %add3A_425 : vector<16xf32> to vector<1x16xf32>
        tpu.vector_store %arg12[%swap3A_426, %swap3A_427], %swap3A_430 {strides = array<i32>} : memref<32x512xf32, #tpu.memory_space<vmem>>, vector<1x16xf32>,
        %get3A_431 = arith.index_cast %scan3A_71 : i32 to index
        %get3A_432 = arith.constant 352 : index
        %get3A_433 = tpu.vector_load %arg9[%get3A_431, %get3A_432] {strides = array<i32>} : memref<32x512xf32, #tpu.memory_space<vmem>>, vector<1x16xf32>,
        %get3A_434 = vector.shape_cast %get3A_433 : vector<1x16xf32> to vector<16xf32>
        %mul3A_435 = arith.mulf %get3A_75, %get3A_434 : vector<16xf32>
        %get3A_436 = arith.index_cast %scan3A_71 : i32 to index
        %get3A_437 = arith.constant 352 : index
        %get3A_438 = tpu.vector_load %arg11[%get3A_436, %get3A_437] {strides = array<i32>} : memref<32x512xf32, #tpu.memory_space<vmem>>, vector<1x16xf32>,
        %get3A_439 = vector.shape_cast %get3A_438 : vector<1x16xf32> to vector<16xf32>
        %mul3A_440 = arith.mulf %get3A_79, %get3A_439 : vector<16xf32>
        %add3A_441 = arith.addf %mul3A_435, %mul3A_440 : vector<16xf32>
        %swap3A_442 = arith.index_cast %scan3A_71 : i32 to index
        %swap3A_443 = arith.constant 352 : index
        %swap3A_444 = tpu.vector_load %arg12[%swap3A_442, %swap3A_443] {strides = array<i32>} : memref<32x512xf32, #tpu.memory_space<vmem>>, vector<1x16xf32>,
        %swap3A_445 = vector.shape_cast %swap3A_444 : vector<1x16xf32> to vector<16xf32>
        %swap3A_446 = vector.shape_cast %add3A_441 : vector<16xf32> to vector<1x16xf32>
        tpu.vector_store %arg12[%swap3A_442, %swap3A_443], %swap3A_446 {strides = array<i32>} : memref<32x512xf32, #tpu.memory_space<vmem>>, vector<1x16xf32>,
        %get3A_447 = arith.index_cast %scan3A_71 : i32 to index
        %get3A_448 = arith.constant 368 : index
        %get3A_449 = tpu.vector_load %arg9[%get3A_447, %get3A_448] {strides = array<i32>} : memref<32x512xf32, #tpu.memory_space<vmem>>, vector<1x16xf32>,
        %get3A_450 = vector.shape_cast %get3A_449 : vector<1x16xf32> to vector<16xf32>
        %mul3A_451 = arith.mulf %get3A_75, %get3A_450 : vector<16xf32>
        %get3A_452 = arith.index_cast %scan3A_71 : i32 to index
        %get3A_453 = arith.constant 368 : index
        %get3A_454 = tpu.vector_load %arg11[%get3A_452, %get3A_453] {strides = array<i32>} : memref<32x512xf32, #tpu.memory_space<vmem>>, vector<1x16xf32>,
        %get3A_455 = vector.shape_cast %get3A_454 : vector<1x16xf32> to vector<16xf32>
        %mul3A_456 = arith.mulf %get3A_79, %get3A_455 : vector<16xf32>
        %add3A_457 = arith.addf %mul3A_451, %mul3A_456 : vector<16xf32>
        %swap3A_458 = arith.index_cast %scan3A_71 : i32 to index
        %swap3A_459 = arith.constant 368 : index
        %swap3A_460 = tpu.vector_load %arg12[%swap3A_458, %swap3A_459] {strides = array<i32>} : memref<32x512xf32, #tpu.memory_space<vmem>>, vector<1x16xf32>,
        %swap3A_461 = vector.shape_cast %swap3A_460 : vector<1x16xf32> to vector<16xf32>
        %swap3A_462 = vector.shape_cast %add3A_457 : vector<16xf32> to vector<1x16xf32>
        tpu.vector_store %arg12[%swap3A_458, %swap3A_459], %swap3A_462 {strides = array<i32>} : memref<32x512xf32, #tpu.memory_space<vmem>>, vector<1x16xf32>,
        %get3A_463 = arith.index_cast %scan3A_71 : i32 to index
        %get3A_464 = arith.constant 384 : index
        %get3A_465 = tpu.vector_load %arg9[%get3A_463, %get3A_464] {strides = array<i32>} : memref<32x512xf32, #tpu.memory_space<vmem>>, vector<1x16xf32>,
        %get3A_466 = vector.shape_cast %get3A_465 : vector<1x16xf32> to vector<16xf32>
        %mul3A_467 = arith.mulf %get3A_75, %get3A_466 : vector<16xf32>
        %get3A_468 = arith.index_cast %scan3A_71 : i32 to index
        %get3A_469 = arith.constant 384 : index
        %get3A_470 = tpu.vector_load %arg11[%get3A_468, %get3A_469] {strides = array<i32>} : memref<32x512xf32, #tpu.memory_space<vmem>>, vector<1x16xf32>,
        %get3A_471 = vector.shape_cast %get3A_470 : vector<1x16xf32> to vector<16xf32>
        %mul3A_472 = arith.mulf %get3A_79, %get3A_471 : vector<16xf32>
        %add3A_473 = arith.addf %mul3A_467, %mul3A_472 : vector<16xf32>
        %swap3A_474 = arith.index_cast %scan3A_71 : i32 to index
        %swap3A_475 = arith.constant 384 : index
        %swap3A_476 = tpu.vector_load %arg12[%swap3A_474, %swap3A_475] {strides = array<i32>} : memref<32x512xf32, #tpu.memory_space<vmem>>, vector<1x16xf32>,
        %swap3A_477 = vector.shape_cast %swap3A_476 : vector<1x16xf32> to vector<16xf32>
        %swap3A_478 = vector.shape_cast %add3A_473 : vector<16xf32> to vector<1x16xf32>
        tpu.vector_store %arg12[%swap3A_474, %swap3A_475], %swap3A_478 {strides = array<i32>} : memref<32x512xf32, #tpu.memory_space<vmem>>, vector<1x16xf32>,
        %get3A_479 = arith.index_cast %scan3A_71 : i32 to index
        %get3A_480 = arith.constant 400 : index
        %get3A_481 = tpu.vector_load %arg9[%get3A_479, %get3A_480] {strides = array<i32>} : memref<32x512xf32, #tpu.memory_space<vmem>>, vector<1x16xf32>,
        %get3A_482 = vector.shape_cast %get3A_481 : vector<1x16xf32> to vector<16xf32>
        %mul3A_483 = arith.mulf %get3A_75, %get3A_482 : vector<16xf32>
        %get3A_484 = arith.index_cast %scan3A_71 : i32 to index
        %get3A_485 = arith.constant 400 : index
        %get3A_486 = tpu.vector_load %arg11[%get3A_484, %get3A_485] {strides = array<i32>} : memref<32x512xf32, #tpu.memory_space<vmem>>, vector<1x16xf32>,
        %get3A_487 = vector.shape_cast %get3A_486 : vector<1x16xf32> to vector<16xf32>
        %mul3A_488 = arith.mulf %get3A_79, %get3A_487 : vector<16xf32>
        %add3A_489 = arith.addf %mul3A_483, %mul3A_488 : vector<16xf32>
        %swap3A_490 = arith.index_cast %scan3A_71 : i32 to index
        %swap3A_491 = arith.constant 400 : index
        %swap3A_492 = tpu.vector_load %arg12[%swap3A_490, %swap3A_491] {strides = array<i32>} : memref<32x512xf32, #tpu.memory_space<vmem>>, vector<1x16xf32>,
        %swap3A_493 = vector.shape_cast %swap3A_492 : vector<1x16xf32> to vector<16xf32>
        %swap3A_494 = vector.shape_cast %add3A_489 : vector<16xf32> to vector<1x16xf32>
        tpu.vector_store %arg12[%swap3A_490, %swap3A_491], %swap3A_494 {strides = array<i32>} : memref<32x512xf32, #tpu.memory_space<vmem>>, vector<1x16xf32>,
        %get3A_495 = arith.index_cast %scan3A_71 : i32 to index
        %get3A_496 = arith.constant 416 : index
        %get3A_497 = tpu.vector_load %arg9[%get3A_495, %get3A_496] {strides = array<i32>} : memref<32x512xf32, #tpu.memory_space<vmem>>, vector<1x16xf32>,
        %get3A_498 = vector.shape_cast %get3A_497 : vector<1x16xf32> to vector<16xf32>
        %mul3A_499 = arith.mulf %get3A_75, %get3A_498 : vector<16xf32>
        %get3A_500 = arith.index_cast %scan3A_71 : i32 to index
        %get3A_501 = arith.constant 416 : index
        %get3A_502 = tpu.vector_load %arg11[%get3A_500, %get3A_501] {strides = array<i32>} : memref<32x512xf32, #tpu.memory_space<vmem>>, vector<1x16xf32>,
        %get3A_503 = vector.shape_cast %get3A_502 : vector<1x16xf32> to vector<16xf32>
        %mul3A_504 = arith.mulf %get3A_79, %get3A_503 : vector<16xf32>
        %add3A_505 = arith.addf %mul3A_499, %mul3A_504 : vector<16xf32>
        %swap3A_506 = arith.index_cast %scan3A_71 : i32 to index
        %swap3A_507 = arith.constant 416 : index
        %swap3A_508 = tpu.vector_load %arg12[%swap3A_506, %swap3A_507] {strides = array<i32>} : memref<32x512xf32, #tpu.memory_space<vmem>>, vector<1x16xf32>,
        %swap3A_509 = vector.shape_cast %swap3A_508 : vector<1x16xf32> to vector<16xf32>
        %swap3A_510 = vector.shape_cast %add3A_505 : vector<16xf32> to vector<1x16xf32>
        tpu.vector_store %arg12[%swap3A_506, %swap3A_507], %swap3A_510 {strides = array<i32>} : memref<32x512xf32, #tpu.memory_space<vmem>>, vector<1x16xf32>,
        %get3A_511 = arith.index_cast %scan3A_71 : i32 to index
        %get3A_512 = arith.constant 432 : index
        %get3A_513 = tpu.vector_load %arg9[%get3A_511, %get3A_512] {strides = array<i32>} : memref<32x512xf32, #tpu.memory_space<vmem>>, vector<1x16xf32>,
        %get3A_514 = vector.shape_cast %get3A_513 : vector<1x16xf32> to vector<16xf32>
        %mul3A_515 = arith.mulf %get3A_75, %get3A_514 : vector<16xf32>
        %get3A_516 = arith.index_cast %scan3A_71 : i32 to index
        %get3A_517 = arith.constant 432 : index
        %get3A_518 = tpu.vector_load %arg11[%get3A_516, %get3A_517] {strides = array<i32>} : memref<32x512xf32, #tpu.memory_space<vmem>>, vector<1x16xf32>,
        %get3A_519 = vector.shape_cast %get3A_518 : vector<1x16xf32> to vector<16xf32>
        %mul3A_520 = arith.mulf %get3A_79, %get3A_519 : vector<16xf32>
        %add3A_521 = arith.addf %mul3A_515, %mul3A_520 : vector<16xf32>
        %swap3A_522 = arith.index_cast %scan3A_71 : i32 to index
        %swap3A_523 = arith.constant 432 : index
        %swap3A_524 = tpu.vector_load %arg12[%swap3A_522, %swap3A_523] {strides = array<i32>} : memref<32x512xf32, #tpu.memory_space<vmem>>, vector<1x16xf32>,
        %swap3A_525 = vector.shape_cast %swap3A_524 : vector<1x16xf32> to vector<16xf32>
        %swap3A_526 = vector.shape_cast %add3A_521 : vector<16xf32> to vector<1x16xf32>
        tpu.vector_store %arg12[%swap3A_522, %swap3A_523], %swap3A_526 {strides = array<i32>} : memref<32x512xf32, #tpu.memory_space<vmem>>, vector<1x16xf32>,
        %get3A_527 = arith.index_cast %scan3A_71 : i32 to index
        %get3A_528 = arith.constant 448 : index
        %get3A_529 = tpu.vector_load %arg9[%get3A_527, %get3A_528] {strides = array<i32>} : memref<32x512xf32, #tpu.memory_space<vmem>>, vector<1x16xf32>,
        %get3A_530 = vector.shape_cast %get3A_529 : vector<1x16xf32> to vector<16xf32>
        %mul3A_531 = arith.mulf %get3A_75, %get3A_530 : vector<16xf32>
        %get3A_532 = arith.index_cast %scan3A_71 : i32 to index
        %get3A_533 = arith.constant 448 : index
        %get3A_534 = tpu.vector_load %arg11[%get3A_532, %get3A_533] {strides = array<i32>} : memref<32x512xf32, #tpu.memory_space<vmem>>, vector<1x16xf32>,
        %get3A_535 = vector.shape_cast %get3A_534 : vector<1x16xf32> to vector<16xf32>
        %mul3A_536 = arith.mulf %get3A_79, %get3A_535 : vector<16xf32>
        %add3A_537 = arith.addf %mul3A_531, %mul3A_536 : vector<16xf32>
        %swap3A_538 = arith.index_cast %scan3A_71 : i32 to index
        %swap3A_539 = arith.constant 448 : index
        %swap3A_540 = tpu.vector_load %arg12[%swap3A_538, %swap3A_539] {strides = array<i32>} : memref<32x512xf32, #tpu.memory_space<vmem>>, vector<1x16xf32>,
        %swap3A_541 = vector.shape_cast %swap3A_540 : vector<1x16xf32> to vector<16xf32>
        %swap3A_542 = vector.shape_cast %add3A_537 : vector<16xf32> to vector<1x16xf32>
        tpu.vector_store %arg12[%swap3A_538, %swap3A_539], %swap3A_542 {strides = array<i32>} : memref<32x512xf32, #tpu.memory_space<vmem>>, vector<1x16xf32>,
        %get3A_543 = arith.index_cast %scan3A_71 : i32 to index
        %get3A_544 = arith.constant 464 : index
        %get3A_545 = tpu.vector_load %arg9[%get3A_543, %get3A_544] {strides = array<i32>} : memref<32x512xf32, #tpu.memory_space<vmem>>, vector<1x16xf32>,
        %get3A_546 = vector.shape_cast %get3A_545 : vector<1x16xf32> to vector<16xf32>
        %mul3A_547 = arith.mulf %get3A_75, %get3A_546 : vector<16xf32>
        %get3A_548 = arith.index_cast %scan3A_71 : i32 to index
        %get3A_549 = arith.constant 464 : index
        %get3A_550 = tpu.vector_load %arg11[%get3A_548, %get3A_549] {strides = array<i32>} : memref<32x512xf32, #tpu.memory_space<vmem>>, vector<1x16xf32>,
        %get3A_551 = vector.shape_cast %get3A_550 : vector<1x16xf32> to vector<16xf32>
        %mul3A_552 = arith.mulf %get3A_79, %get3A_551 : vector<16xf32>
        %add3A_553 = arith.addf %mul3A_547, %mul3A_552 : vector<16xf32>
        %swap3A_554 = arith.index_cast %scan3A_71 : i32 to index
        %swap3A_555 = arith.constant 464 : index
        %swap3A_556 = tpu.vector_load %arg12[%swap3A_554, %swap3A_555] {strides = array<i32>} : memref<32x512xf32, #tpu.memory_space<vmem>>, vector<1x16xf32>,
        %swap3A_557 = vector.shape_cast %swap3A_556 : vector<1x16xf32> to vector<16xf32>
        %swap3A_558 = vector.shape_cast %add3A_553 : vector<16xf32> to vector<1x16xf32>
        tpu.vector_store %arg12[%swap3A_554, %swap3A_555], %swap3A_558 {strides = array<i32>} : memref<32x512xf32, #tpu.memory_space<vmem>>, vector<1x16xf32>,
        %get3A_559 = arith.index_cast %scan3A_71 : i32 to index
        %get3A_560 = arith.constant 480 : index
        %get3A_561 = tpu.vector_load %arg9[%get3A_559, %get3A_560] {strides = array<i32>} : memref<32x512xf32, #tpu.memory_space<vmem>>, vector<1x16xf32>,
        %get3A_562 = vector.shape_cast %get3A_561 : vector<1x16xf32> to vector<16xf32>
        %mul3A_563 = arith.mulf %get3A_75, %get3A_562 : vector<16xf32>
        %get3A_564 = arith.index_cast %scan3A_71 : i32 to index
        %get3A_565 = arith.constant 480 : index
        %get3A_566 = tpu.vector_load %arg11[%get3A_564, %get3A_565] {strides = array<i32>} : memref<32x512xf32, #tpu.memory_space<vmem>>, vector<1x16xf32>,
        %get3A_567 = vector.shape_cast %get3A_566 : vector<1x16xf32> to vector<16xf32>
        %mul3A_568 = arith.mulf %get3A_79, %get3A_567 : vector<16xf32>
        %add3A_569 = arith.addf %mul3A_563, %mul3A_568 : vector<16xf32>
        %swap3A_570 = arith.index_cast %scan3A_71 : i32 to index
        %swap3A_571 = arith.constant 480 : index
        %swap3A_572 = tpu.vector_load %arg12[%swap3A_570, %swap3A_571] {strides = array<i32>} : memref<32x512xf32, #tpu.memory_space<vmem>>, vector<1x16xf32>,
        %swap3A_573 = vector.shape_cast %swap3A_572 : vector<1x16xf32> to vector<16xf32>
        %swap3A_574 = vector.shape_cast %add3A_569 : vector<16xf32> to vector<1x16xf32>
        tpu.vector_store %arg12[%swap3A_570, %swap3A_571], %swap3A_574 {strides = array<i32>} : memref<32x512xf32, #tpu.memory_space<vmem>>, vector<1x16xf32>,
        %get3A_575 = arith.index_cast %scan3A_71 : i32 to index
        %get3A_576 = arith.constant 496 : index
        %get3A_577 = tpu.vector_load %arg9[%get3A_575, %get3A_576] {strides = array<i32>} : memref<32x512xf32, #tpu.memory_space<vmem>>, vector<1x16xf32>,
        %get3A_578 = vector.shape_cast %get3A_577 : vector<1x16xf32> to vector<16xf32>
        %mul3A_579 = arith.mulf %get3A_75, %get3A_578 : vector<16xf32>
        %get3A_580 = arith.index_cast %scan3A_71 : i32 to index
        %get3A_581 = arith.constant 496 : index
        %get3A_582 = tpu.vector_load %arg11[%get3A_580, %get3A_581] {strides = array<i32>} : memref<32x512xf32, #tpu.memory_space<vmem>>, vector<1x16xf32>,
        %get3A_583 = vector.shape_cast %get3A_582 : vector<1x16xf32> to vector<16xf32>
        %mul3A_584 = arith.mulf %get3A_79, %get3A_583 : vector<16xf32>
        %add3A_585 = arith.addf %mul3A_579, %mul3A_584 : vector<16xf32>
        %swap3A_586 = arith.index_cast %scan3A_71 : i32 to index
        %swap3A_587 = arith.constant 496 : index
        %swap3A_588 = tpu.vector_load %arg12[%swap3A_586, %swap3A_587] {strides = array<i32>} : memref<32x512xf32, #tpu.memory_space<vmem>>, vector<1x16xf32>,
        %swap3A_589 = vector.shape_cast %swap3A_588 : vector<1x16xf32> to vector<16xf32>
        %swap3A_590 = vector.shape_cast %add3A_585 : vector<16xf32> to vector<1x16xf32>
        tpu.vector_store %arg12[%swap3A_586, %swap3A_587], %swap3A_590 {strides = array<i32>} : memref<32x512xf32, #tpu.memory_space<vmem>>, vector<1x16xf32>,
        %scan3A_591 = arith.constant 0 : i32
        scf.yield %scan3A_591 : i32
      }
      %scan3A_69 = arith.constant 32 : i32
      "tpu.region"() ({
        %run_scoped3A = tpu.sem_alloc : memref<!tpu.dma_semaphore, #tpu.memory_space<semaphore_mem>>
        %dma_start3A_71 = arith.constant 0 : i32
        %dma_start3A_72 = tpu.memref_slice %arg7[%add3A_56, %dma_start3A_71] : memref<32768x512xf32, #tpu.memory_space<hbm>> -> memref<32x512xf32, #tpu.memory_space<hbm>>
        %dma_start3A_73 = arith.constant 0 : i32
        %dma_start3A_74 = tpu.memref_slice %arg7[%add3A_56, %dma_start3A_73] : memref<32768x512xf32, #tpu.memory_space<hbm>> -> memref<32x512xf32, #tpu.memory_space<hbm>>
        tpu.enqueue_dma source(%arg12 : memref<32x512xf32, #tpu.memory_space<vmem>>) target(%dma_start3A_74 : memref<32x512xf32, #tpu.memory_space<hbm>>) target_semaphore(%run_scoped3A : memref<!tpu.dma_semaphore, #tpu.memory_space<semaphore_mem>>)
        %dma_wait3A_75 = arith.constant 0 : i32
        %dma_wait3A_76 = tpu.memref_slice %arg7[%add3A_56, %dma_wait3A_75] : memref<32768x512xf32, #tpu.memory_space<hbm>> -> memref<32x512xf32, #tpu.memory_space<hbm>>
        %dma_wait3A_77 = arith.constant 0 : i32
        %dma_wait3A_78 = tpu.memref_slice %arg7[%add3A_56, %dma_wait3A_77] : memref<32768x512xf32, #tpu.memory_space<hbm>> -> memref<32x512xf32, #tpu.memory_space<hbm>>
        tpu.wait_dma2 semaphore(%run_scoped3A : memref<!tpu.dma_semaphore, #tpu.memory_space<semaphore_mem>>) src(%arg12 : memref<32x512xf32, #tpu.memory_space<vmem>>) dst(%dma_wait3A_78 : memref<32x512xf32, #tpu.memory_space<hbm>>)
        tpu.yield
      }) : () -> ()
      %scan3A_70 = arith.constant 0 : i32
      scf.yield %scan3A_70 : i32
    }
    %scan3A_15 = arith.constant 16 : i32
    return
  }
}

module attributes {stable_mosaic.version = 14 : i64} {
  func.func @_gating_body(%arg0: i32, %arg1: memref<512x512xf32, #tpu.memory_space<vmem>>, %arg2: memref<512x4xf32, #tpu.memory_space<vmem>>, %arg3: memref<512x16xf32, #tpu.memory_space<vmem>>, %arg4: memref<512x16xf32, #tpu.memory_space<vmem>>, %arg5: memref<512x1xi32, #tpu.memory_space<vmem>>, %arg6: memref<512x1xi32, #tpu.memory_space<vmem>>, %arg7: memref<512x1xi32, #tpu.memory_space<vmem>>, %arg8: memref<512x1xi32, #tpu.memory_space<vmem>>, %arg9: memref<1x16xi32, #tpu.memory_space<smem>>, %arg10: memref<1x132xi32, #tpu.memory_space<smem>>, %arg11: memref<1x1xf32, #tpu.memory_space<smem>>, %arg12: memref<4xi32, #tpu.memory_space<smem>>) attributes {dimension_semantics = [#tpu.dimension_semantics<arbitrary>], iteration_bounds = array<i64: 64>, scalar_prefetch = 0 : i64, scratch_operands = 1 : i64, tpu.core_type = #tpu.core_type<tc>, window_params = [{transform_indices = @transform_0, window_bounds = array<i64: 512, 512>}, {pipeline_mode = #tpu.pipeline_mode<synchronous>, transform_indices = @transform_1, window_bounds = array<i64: 512, 4>}, {transform_indices = @transform_2, window_bounds = array<i64: 512, 16>}, {transform_indices = @transform_3, window_bounds = array<i64: 512, 16>}, {transform_indices = @transform_4, window_bounds = array<i64: 512, 1>}, {transform_indices = @transform_5, window_bounds = array<i64: 512, 1>}, {transform_indices = @transform_6, window_bounds = array<i64: 512, 1>}, {transform_indices = @transform_7, window_bounds = array<i64: 512, 1>}, {transform_indices = @transform_8, window_bounds = array<i64: 1, 16>}, {transform_indices = @transform_9, window_bounds = array<i64: 1, 132>}, {transform_indices = @transform_10, window_bounds = array<i64: 1, 1>}]} {
    %eq3A = arith.constant 0 : i32
    %eq3A_0 = arith.cmpi eq, %arg0, %eq3A : i32
    %convert_element_type3A = arith.extui %eq3A_0 : i1 to i32
    %cond3A = arith.constant 0 : i32
    %cond3A_1 = arith.cmpi ne, %convert_element_type3A, %cond3A : i32
    scf.if %cond3A_1 {
      %swap3A_207 = arith.constant 0.000000e+00 : f32
      %swap3A_208 = arith.constant 0 : index
      %swap3A_209 = arith.constant 0 : index
      %swap3A_210 = memref.load %arg11[%swap3A_208, %swap3A_209] : memref<1x1xf32, #tpu.memory_space<smem>>
      memref.store %swap3A_207, %arg11[%swap3A_208, %swap3A_209] : memref<1x1xf32, #tpu.memory_space<smem>>
      %swap3A_211 = arith.constant 0 : i32
      %swap3A_212 = arith.constant 0 : index
      %swap3A_213 = memref.load %arg12[%swap3A_212] : memref<4xi32, #tpu.memory_space<smem>>
      memref.store %swap3A_211, %arg12[%swap3A_212] : memref<4xi32, #tpu.memory_space<smem>>
      %swap3A_214 = arith.constant 0 : i32
      %swap3A_215 = arith.constant 1 : index
      %swap3A_216 = memref.load %arg12[%swap3A_215] : memref<4xi32, #tpu.memory_space<smem>>
      memref.store %swap3A_214, %arg12[%swap3A_215] : memref<4xi32, #tpu.memory_space<smem>>
      %swap3A_217 = arith.constant 0 : i32
      %swap3A_218 = arith.constant 2 : index
      %swap3A_219 = memref.load %arg12[%swap3A_218] : memref<4xi32, #tpu.memory_space<smem>>
      memref.store %swap3A_217, %arg12[%swap3A_218] : memref<4xi32, #tpu.memory_space<smem>>
      %swap3A_220 = arith.constant 0 : i32
      %swap3A_221 = arith.constant 3 : index
      %swap3A_222 = memref.load %arg12[%swap3A_221] : memref<4xi32, #tpu.memory_space<smem>>
      memref.store %swap3A_220, %arg12[%swap3A_221] : memref<4xi32, #tpu.memory_space<smem>>
    } else {
    }
    %get3A = arith.constant 0 : index
    %get3A_2 = arith.constant 0 : index
    %get3A_3 = vector.load %arg1[%get3A, %get3A_2] : memref<512x512xf32, #tpu.memory_space<vmem>>, vector<512x512xf32>
    %get3A_4 = arith.constant 0 : index
    %get3A_5 = arith.constant 0 : index
    %get3A_6 = vector.load %arg2[%get3A_4, %get3A_5] : memref<512x4xf32, #tpu.memory_space<vmem>>, vector<512x4xf32>
    %dot_general3A = arith.constant dense<0.000000e+00> : vector<512x4xf32>
    %dot_general3A_7 = tpu.matmul %get3A_3, %get3A_6, %dot_general3A {dimension_numbers = #tpu.dot_dimension_numbers<[1], [0], [0], [1], [0, 0, 1, 1], [], []>, transpose_lhs_hint = false} : vector<512x512xf32>, vector<512x4xf32>, vector<512x4xf32> -> vector<512x4xf32>
    %get3A_8 = arith.constant 0 : index
    %get3A_9 = arith.constant 0 : index
    %get3A_10 = memref.load %arg11[%get3A_8, %get3A_9] : memref<1x1xf32, #tpu.memory_space<smem>>
    %reduce_sum3A = vector.shape_cast %dot_general3A_7 : vector<512x4xf32> to vector<1x512x4xf32>
    %reduce_sum3A_11 = arith.constant dense<0.000000e+00> : vector<1xf32>
    %reduce_sum3A_12 = vector.multi_reduction <add>, %reduce_sum3A, %reduce_sum3A_11 [1, 2] : vector<1x512x4xf32> to vector<1xf32>
    %reduce_sum3A_13 = vector.shape_cast %reduce_sum3A_12 : vector<1xf32> to vector<1x1x1xf32>
    %reduce_sum3A_14 = vector.extract %reduce_sum3A_13[0, 0, 0] : f32 from vector<1x1x1xf32>
    %add3A = arith.addf %get3A_10, %reduce_sum3A_14 : f32
    %swap3A = arith.constant 0 : index
    %swap3A_15 = arith.constant 0 : index
    %swap3A_16 = memref.load %arg11[%swap3A, %swap3A_15] : memref<1x1xf32, #tpu.memory_space<smem>>
    memref.store %add3A, %arg11[%swap3A, %swap3A_15] : memref<1x1xf32, #tpu.memory_space<smem>>
    %iota3A = tpu.iota {dimensions = array<i32: 1>} : vector<512x4xi32>
    %reduce_max3A = arith.constant dense<0xFF800000> : vector<512xf32>
    %reduce_max3A_17 = vector.multi_reduction <maximumf>, %dot_general3A_7, %reduce_max3A [1] : vector<512x4xf32> to vector<512xf32>
    %broadcast_in_dim3A = vector.shape_cast %reduce_max3A_17 : vector<512xf32> to vector<512x1xf32>
    %eq3A_18 = vector.broadcast %broadcast_in_dim3A : vector<512x1xf32> to vector<512x4xf32>
    %eq3A_19 = arith.cmpf oeq, %dot_general3A_7, %eq3A_18 : vector<512x4xf32>
    %jit3A = arith.constant 4 : i32
    %broadcast_in_dim3A_20 = vector.broadcast %jit3A : i32 to vector<512x4xi32>
    %select_n3A = arith.select %eq3A_19, %iota3A, %broadcast_in_dim3A_20 : vector<512x4xi1>, vector<512x4xi32>
    %reduce_min3A = arith.constant dense<2147483647> : vector<512xi32>
    %reduce_min3A_21 = vector.multi_reduction <minsi>, %select_n3A, %reduce_min3A [1] : vector<512x4xi32> to vector<512xi32>
    %broadcast_in_dim3A_22 = vector.shape_cast %reduce_min3A_21 : vector<512xi32> to vector<512x1xi32>
    %eq3A_23 = vector.broadcast %broadcast_in_dim3A_22 : vector<512x1xi32> to vector<512x4xi32>
    %eq3A_24 = arith.cmpi eq, %iota3A, %eq3A_23 : vector<512x4xi32>
    %jit3A_25 = arith.constant 0xFF800000 : f32
    %broadcast_in_dim3A_26 = vector.broadcast %jit3A_25 : f32 to vector<512x4xf32>
    %select_n3A_27 = arith.select %eq3A_24, %broadcast_in_dim3A_26, %dot_general3A_7 : vector<512x4xi1>, vector<512x4xf32>
    %reduce_max3A_28 = arith.constant dense<0xFF800000> : vector<512xf32>
    %reduce_max3A_29 = vector.multi_reduction <maximumf>, %select_n3A_27, %reduce_max3A_28 [1] : vector<512x4xf32> to vector<512xf32>
    %broadcast_in_dim3A_30 = vector.shape_cast %reduce_max3A_29 : vector<512xf32> to vector<512x1xf32>
    %eq3A_31 = vector.broadcast %broadcast_in_dim3A_30 : vector<512x1xf32> to vector<512x4xf32>
    %eq3A_32 = arith.cmpf oeq, %select_n3A_27, %eq3A_31 : vector<512x4xf32>
    %jit3A_33 = arith.constant 4 : i32
    %broadcast_in_dim3A_34 = vector.broadcast %jit3A_33 : i32 to vector<512x4xi32>
    %select_n3A_35 = arith.select %eq3A_32, %iota3A, %broadcast_in_dim3A_34 : vector<512x4xi1>, vector<512x4xi32>
    %reduce_min3A_36 = arith.constant dense<2147483647> : vector<512xi32>
    %reduce_min3A_37 = vector.multi_reduction <minsi>, %select_n3A_35, %reduce_min3A_36 [1] : vector<512x4xi32> to vector<512xi32>
    %broadcast_in_dim3A_38 = vector.shape_cast %reduce_min3A_37 : vector<512xi32> to vector<512x1xi32>
    %eq3A_39 = vector.broadcast %broadcast_in_dim3A_38 : vector<512x1xi32> to vector<512x4xi32>
    %eq3A_40 = arith.cmpi eq, %iota3A, %eq3A_39 : vector<512x4xi32>
    %sub3A = arith.subf %broadcast_in_dim3A_30, %broadcast_in_dim3A : vector<512x1xf32>
    %exp3A = math.exp %sub3A : vector<512x1xf32>
    %add3A_41 = arith.constant 1.000000e+00 : f32
    %add3A_42 = vector.broadcast %add3A_41 : f32 to vector<512x1xf32>
    %add3A_43 = arith.addf %add3A_42, %exp3A : vector<512x1xf32>
    %div3A = arith.constant 1.000000e+00 : f32
    %div3A_44 = vector.broadcast %div3A : f32 to vector<512x1xf32>
    %div3A_45 = arith.divf %div3A_44, %add3A_43 : vector<512x1xf32>
    %broadcast_in_dim3A_46 = vector.shape_cast %div3A_45 : vector<512x1xf32> to vector<512x1xf32>
    %broadcast_in_dim3A_47 = vector.broadcast %broadcast_in_dim3A_46 : vector<512x1xf32> to vector<512x16xf32>
    %swap3A_48 = arith.constant 0 : index
    %swap3A_49 = arith.constant 0 : index
    %swap3A_50 = vector.load %arg3[%swap3A_48, %swap3A_49] : memref<512x16xf32, #tpu.memory_space<vmem>>, vector<512x16xf32>
    tpu.vector_store %arg3[%swap3A_48, %swap3A_49], %broadcast_in_dim3A_47 {strides = array<i32>} : memref<512x16xf32, #tpu.memory_space<vmem>>, vector<512x16xf32>,
    %add3A_51 = arith.constant 1.000000e+00 : f32
    %add3A_52 = vector.broadcast %add3A_51 : f32 to vector<512x1xf32>
    %add3A_53 = arith.addf %add3A_52, %exp3A : vector<512x1xf32>
    %div3A_54 = arith.divf %exp3A, %add3A_53 : vector<512x1xf32>
    %broadcast_in_dim3A_55 = vector.shape_cast %div3A_54 : vector<512x1xf32> to vector<512x1xf32>
    %broadcast_in_dim3A_56 = vector.broadcast %broadcast_in_dim3A_55 : vector<512x1xf32> to vector<512x16xf32>
    %swap3A_57 = arith.constant 0 : index
    %swap3A_58 = arith.constant 0 : index
    %swap3A_59 = vector.load %arg4[%swap3A_57, %swap3A_58] : memref<512x16xf32, #tpu.memory_space<vmem>>, vector<512x16xf32>
    tpu.vector_store %arg4[%swap3A_57, %swap3A_58], %broadcast_in_dim3A_56 {strides = array<i32>} : memref<512x16xf32, #tpu.memory_space<vmem>>, vector<512x16xf32>,
    %swap3A_60 = arith.constant 0 : index
    %swap3A_61 = arith.constant 0 : index
    %swap3A_62 = vector.load %arg5[%swap3A_60, %swap3A_61] : memref<512x1xi32, #tpu.memory_space<vmem>>, vector<512x1xi32>
    tpu.vector_store %arg5[%swap3A_60, %swap3A_61], %broadcast_in_dim3A_22 {strides = array<i32>} : memref<512x1xi32, #tpu.memory_space<vmem>>, vector<512x1xi32>,
    %swap3A_63 = arith.constant 0 : index
    %swap3A_64 = arith.constant 0 : index
    %swap3A_65 = vector.load %arg6[%swap3A_63, %swap3A_64] : memref<512x1xi32, #tpu.memory_space<vmem>>, vector<512x1xi32>
    tpu.vector_store %arg6[%swap3A_63, %swap3A_64], %broadcast_in_dim3A_38 {strides = array<i32>} : memref<512x1xi32, #tpu.memory_space<vmem>>, vector<512x1xi32>,
    %convert_element_type3A_66 = arith.extui %eq3A_24 : vector<512x4xi1> to vector<512x4xi32>
    %convert_element_type3A_67 = arith.extui %eq3A_40 : vector<512x4xi1> to vector<512x4xi32>
    %add3A_68 = arith.addi %convert_element_type3A_66, %convert_element_type3A_67 : vector<512x4xi32>
    %broadcast_in_dim3A_69 = arith.constant 0 : i32
    %broadcast_in_dim3A_70 = vector.broadcast %broadcast_in_dim3A_69 : i32 to vector<512x4xi32>
    %slice3A = vector.extract_strided_slice %broadcast_in_dim3A_70 {offsets = [0, 0], sizes = [1, 4], strides = [1, 1]} : vector<512x4xi32> to vector<1x4xi32>
    %slice3A_71 = vector.extract_strided_slice %add3A_68 {offsets = [0, 0], sizes = [511, 4], strides = [1, 1]} : vector<512x4xi32> to vector<511x4xi32>
    %concatenate3A = tpu.concatenate %slice3A, %slice3A_71 in 0 : vector<1x4xi32>, vector<511x4xi32> -> vector<512x4xi32>
    %add3A_72 = arith.addi %add3A_68, %concatenate3A : vector<512x4xi32>
    %slice3A_73 = vector.extract_strided_slice %broadcast_in_dim3A_70 {offsets = [0, 0], sizes = [2, 4], strides = [1, 1]} : vector<512x4xi32> to vector<2x4xi32>
    %slice3A_74 = vector.extract_strided_slice %add3A_72 {offsets = [0, 0], sizes = [510, 4], strides = [1, 1]} : vector<512x4xi32> to vector<510x4xi32>
    %concatenate3A_75 = tpu.concatenate %slice3A_73, %slice3A_74 in 0 : vector<2x4xi32>, vector<510x4xi32> -> vector<512x4xi32>
    %add3A_76 = arith.addi %add3A_72, %concatenate3A_75 : vector<512x4xi32>
    %slice3A_77 = vector.extract_strided_slice %broadcast_in_dim3A_70 {offsets = [0, 0], sizes = [4, 4], strides = [1, 1]} : vector<512x4xi32> to vector<4x4xi32>
    %slice3A_78 = vector.extract_strided_slice %add3A_76 {offsets = [0, 0], sizes = [508, 4], strides = [1, 1]} : vector<512x4xi32> to vector<508x4xi32>
    %concatenate3A_79 = tpu.concatenate %slice3A_77, %slice3A_78 in 0 : vector<4x4xi32>, vector<508x4xi32> -> vector<512x4xi32>
    %add3A_80 = arith.addi %add3A_76, %concatenate3A_79 : vector<512x4xi32>
    %slice3A_81 = vector.extract_strided_slice %broadcast_in_dim3A_70 {offsets = [0, 0], sizes = [8, 4], strides = [1, 1]} : vector<512x4xi32> to vector<8x4xi32>
    %slice3A_82 = vector.extract_strided_slice %add3A_80 {offsets = [0, 0], sizes = [504, 4], strides = [1, 1]} : vector<512x4xi32> to vector<504x4xi32>
    %concatenate3A_83 = tpu.concatenate %slice3A_81, %slice3A_82 in 0 : vector<8x4xi32>, vector<504x4xi32> -> vector<512x4xi32>
    %add3A_84 = arith.addi %add3A_80, %concatenate3A_83 : vector<512x4xi32>
    %slice3A_85 = vector.extract_strided_slice %broadcast_in_dim3A_70 {offsets = [0, 0], sizes = [16, 4], strides = [1, 1]} : vector<512x4xi32> to vector<16x4xi32>
    %slice3A_86 = vector.extract_strided_slice %add3A_84 {offsets = [0, 0], sizes = [496, 4], strides = [1, 1]} : vector<512x4xi32> to vector<496x4xi32>
    %concatenate3A_87 = tpu.concatenate %slice3A_85, %slice3A_86 in 0 : vector<16x4xi32>, vector<496x4xi32> -> vector<512x4xi32>
    %add3A_88 = arith.addi %add3A_84, %concatenate3A_87 : vector<512x4xi32>
    %slice3A_89 = vector.extract_strided_slice %broadcast_in_dim3A_70 {offsets = [0, 0], sizes = [32, 4], strides = [1, 1]} : vector<512x4xi32> to vector<32x4xi32>
    %slice3A_90 = vector.extract_strided_slice %add3A_88 {offsets = [0, 0], sizes = [480, 4], strides = [1, 1]} : vector<512x4xi32> to vector<480x4xi32>
    %concatenate3A_91 = tpu.concatenate %slice3A_89, %slice3A_90 in 0 : vector<32x4xi32>, vector<480x4xi32> -> vector<512x4xi32>
    %add3A_92 = arith.addi %add3A_88, %concatenate3A_91 : vector<512x4xi32>
    %slice3A_93 = vector.extract_strided_slice %broadcast_in_dim3A_70 {offsets = [0, 0], sizes = [64, 4], strides = [1, 1]} : vector<512x4xi32> to vector<64x4xi32>
    %slice3A_94 = vector.extract_strided_slice %add3A_92 {offsets = [0, 0], sizes = [448, 4], strides = [1, 1]} : vector<512x4xi32> to vector<448x4xi32>
    %concatenate3A_95 = tpu.concatenate %slice3A_93, %slice3A_94 in 0 : vector<64x4xi32>, vector<448x4xi32> -> vector<512x4xi32>
    %add3A_96 = arith.addi %add3A_92, %concatenate3A_95 : vector<512x4xi32>
    %slice3A_97 = vector.extract_strided_slice %broadcast_in_dim3A_70 {offsets = [0, 0], sizes = [128, 4], strides = [1, 1]} : vector<512x4xi32> to vector<128x4xi32>
    %slice3A_98 = vector.extract_strided_slice %add3A_96 {offsets = [0, 0], sizes = [384, 4], strides = [1, 1]} : vector<512x4xi32> to vector<384x4xi32>
    %concatenate3A_99 = tpu.concatenate %slice3A_97, %slice3A_98 in 0 : vector<128x4xi32>, vector<384x4xi32> -> vector<512x4xi32>
    %add3A_100 = arith.addi %add3A_96, %concatenate3A_99 : vector<512x4xi32>
    %slice3A_101 = vector.extract_strided_slice %broadcast_in_dim3A_70 {offsets = [0, 0], sizes = [256, 4], strides = [1, 1]} : vector<512x4xi32> to vector<256x4xi32>
    %slice3A_102 = vector.extract_strided_slice %add3A_100 {offsets = [0, 0], sizes = [256, 4], strides = [1, 1]} : vector<512x4xi32> to vector<256x4xi32>
    %concatenate3A_103 = tpu.concatenate %slice3A_101, %slice3A_102 in 0 : vector<256x4xi32>, vector<256x4xi32> -> vector<512x4xi32>
    %add3A_104 = arith.addi %add3A_100, %concatenate3A_103 : vector<512x4xi32>
    %sub3A_105 = arith.subi %add3A_104, %add3A_68 : vector<512x4xi32>
    %broadcast_in_dim3A_106 = arith.constant 0 : i32
    %broadcast_in_dim3A_107 = vector.broadcast %broadcast_in_dim3A_106 : i32 to vector<512x4xi32>
    %get3A_108 = arith.constant 0 : index
    %get3A_109 = memref.load %arg12[%get3A_108] : memref<4xi32, #tpu.memory_space<smem>>
    %eq3A_110 = arith.constant 0 : i32
    %eq3A_111 = vector.broadcast %eq3A_110 : i32 to vector<512x4xi32>
    %eq3A_112 = arith.cmpi eq, %iota3A, %eq3A_111 : vector<512x4xi32>
    %convert_element_type3A_113 = arith.extui %eq3A_112 : vector<512x4xi1> to vector<512x4xi32>
    %mul3A = vector.broadcast %get3A_109 : i32 to vector<512x4xi32>
    %mul3A_114 = arith.muli %mul3A, %convert_element_type3A_113 : vector<512x4xi32>
    %add3A_115 = arith.addi %broadcast_in_dim3A_107, %mul3A_114 : vector<512x4xi32>
    %get3A_116 = arith.constant 1 : index
    %get3A_117 = memref.load %arg12[%get3A_116] : memref<4xi32, #tpu.memory_space<smem>>
    %eq3A_118 = arith.constant 1 : i32
    %eq3A_119 = vector.broadcast %eq3A_118 : i32 to vector<512x4xi32>
    %eq3A_120 = arith.cmpi eq, %iota3A, %eq3A_119 : vector<512x4xi32>
    %convert_element_type3A_121 = arith.extui %eq3A_120 : vector<512x4xi1> to vector<512x4xi32>
    %mul3A_122 = vector.broadcast %get3A_117 : i32 to vector<512x4xi32>
    %mul3A_123 = arith.muli %mul3A_122, %convert_element_type3A_121 : vector<512x4xi32>
    %add3A_124 = arith.addi %add3A_115, %mul3A_123 : vector<512x4xi32>
    %get3A_125 = arith.constant 2 : index
    %get3A_126 = memref.load %arg12[%get3A_125] : memref<4xi32, #tpu.memory_space<smem>>
    %eq3A_127 = arith.constant 2 : i32
    %eq3A_128 = vector.broadcast %eq3A_127 : i32 to vector<512x4xi32>
    %eq3A_129 = arith.cmpi eq, %iota3A, %eq3A_128 : vector<512x4xi32>
    %convert_element_type3A_130 = arith.extui %eq3A_129 : vector<512x4xi1> to vector<512x4xi32>
    %mul3A_131 = vector.broadcast %get3A_126 : i32 to vector<512x4xi32>
    %mul3A_132 = arith.muli %mul3A_131, %convert_element_type3A_130 : vector<512x4xi32>
    %add3A_133 = arith.addi %add3A_124, %mul3A_132 : vector<512x4xi32>
    %get3A_134 = arith.constant 3 : index
    %get3A_135 = memref.load %arg12[%get3A_134] : memref<4xi32, #tpu.memory_space<smem>>
    %eq3A_136 = arith.constant 3 : i32
    %eq3A_137 = vector.broadcast %eq3A_136 : i32 to vector<512x4xi32>
    %eq3A_138 = arith.cmpi eq, %iota3A, %eq3A_137 : vector<512x4xi32>
    %convert_element_type3A_139 = arith.extui %eq3A_138 : vector<512x4xi1> to vector<512x4xi32>
    %mul3A_140 = vector.broadcast %get3A_135 : i32 to vector<512x4xi32>
    %mul3A_141 = arith.muli %mul3A_140, %convert_element_type3A_139 : vector<512x4xi32>
    %add3A_142 = arith.addi %add3A_133, %mul3A_141 : vector<512x4xi32>
    %add3A_143 = arith.addi %sub3A_105, %add3A_142 : vector<512x4xi32>
    %mul3A_144 = arith.muli %add3A_143, %convert_element_type3A_66 : vector<512x4xi32>
    %reduce_sum3A_145 = arith.constant dense<0> : vector<512xi32>
    %reduce_sum3A_146 = vector.multi_reduction <add>, %mul3A_144, %reduce_sum3A_145 [1] : vector<512x4xi32> to vector<512xi32>
    %broadcast_in_dim3A_147 = vector.shape_cast %reduce_sum3A_146 : vector<512xi32> to vector<512x1xi32>
    %swap3A_148 = arith.constant 0 : index
    %swap3A_149 = arith.constant 0 : index
    %swap3A_150 = vector.load %arg7[%swap3A_148, %swap3A_149] : memref<512x1xi32, #tpu.memory_space<vmem>>, vector<512x1xi32>
    tpu.vector_store %arg7[%swap3A_148, %swap3A_149], %broadcast_in_dim3A_147 {strides = array<i32>} : memref<512x1xi32, #tpu.memory_space<vmem>>, vector<512x1xi32>,
    %mul3A_151 = arith.muli %add3A_143, %convert_element_type3A_67 : vector<512x4xi32>
    %reduce_sum3A_152 = arith.constant dense<0> : vector<512xi32>
    %reduce_sum3A_153 = vector.multi_reduction <add>, %mul3A_151, %reduce_sum3A_152 [1] : vector<512x4xi32> to vector<512xi32>
    %broadcast_in_dim3A_154 = vector.shape_cast %reduce_sum3A_153 : vector<512xi32> to vector<512x1xi32>
    %swap3A_155 = arith.constant 0 : index
    %swap3A_156 = arith.constant 0 : index
    %swap3A_157 = vector.load %arg8[%swap3A_155, %swap3A_156] : memref<512x1xi32, #tpu.memory_space<vmem>>, vector<512x1xi32>
    tpu.vector_store %arg8[%swap3A_155, %swap3A_156], %broadcast_in_dim3A_154 {strides = array<i32>} : memref<512x1xi32, #tpu.memory_space<vmem>>, vector<512x1xi32>,
    %get3A_158 = arith.constant 0 : index
    %get3A_159 = memref.load %arg12[%get3A_158] : memref<4xi32, #tpu.memory_space<smem>>
    %slice3A_160 = vector.extract_strided_slice %add3A_68 {offsets = [0, 0], sizes = [512, 1], strides = [1, 1]} : vector<512x4xi32> to vector<512x1xi32>
    %reduce_sum3A_161 = vector.shape_cast %slice3A_160 : vector<512x1xi32> to vector<1x512x1xi32>
    %reduce_sum3A_162 = arith.constant dense<0> : vector<1xi32>
    %reduce_sum3A_163 = vector.multi_reduction <add>, %reduce_sum3A_161, %reduce_sum3A_162 [1, 2] : vector<1x512x1xi32> to vector<1xi32>
    %reduce_sum3A_164 = vector.shape_cast %reduce_sum3A_163 : vector<1xi32> to vector<1x1x1xi32>
    %reduce_sum3A_165 = vector.extract %reduce_sum3A_164[0, 0, 0] : i32 from vector<1x1x1xi32>
    %add3A_166 = arith.addi %get3A_159, %reduce_sum3A_165 : i32
    %swap3A_167 = arith.constant 0 : index
    %swap3A_168 = memref.load %arg12[%swap3A_167] : memref<4xi32, #tpu.memory_space<smem>>
    memref.store %add3A_166, %arg12[%swap3A_167] : memref<4xi32, #tpu.memory_space<smem>>
    %get3A_169 = arith.constant 1 : index
    %get3A_170 = memref.load %arg12[%get3A_169] : memref<4xi32, #tpu.memory_space<smem>>
    %slice3A_171 = vector.extract_strided_slice %add3A_68 {offsets = [0, 1], sizes = [512, 1], strides = [1, 1]} : vector<512x4xi32> to vector<512x1xi32>
    %reduce_sum3A_172 = vector.shape_cast %slice3A_171 : vector<512x1xi32> to vector<1x512x1xi32>
    %reduce_sum3A_173 = arith.constant dense<0> : vector<1xi32>
    %reduce_sum3A_174 = vector.multi_reduction <add>, %reduce_sum3A_172, %reduce_sum3A_173 [1, 2] : vector<1x512x1xi32> to vector<1xi32>
    %reduce_sum3A_175 = vector.shape_cast %reduce_sum3A_174 : vector<1xi32> to vector<1x1x1xi32>
    %reduce_sum3A_176 = vector.extract %reduce_sum3A_175[0, 0, 0] : i32 from vector<1x1x1xi32>
    %add3A_177 = arith.addi %get3A_170, %reduce_sum3A_176 : i32
    %swap3A_178 = arith.constant 1 : index
    %swap3A_179 = memref.load %arg12[%swap3A_178] : memref<4xi32, #tpu.memory_space<smem>>
    memref.store %add3A_177, %arg12[%swap3A_178] : memref<4xi32, #tpu.memory_space<smem>>
    %get3A_180 = arith.constant 2 : index
    %get3A_181 = memref.load %arg12[%get3A_180] : memref<4xi32, #tpu.memory_space<smem>>
    %slice3A_182 = vector.extract_strided_slice %add3A_68 {offsets = [0, 2], sizes = [512, 1], strides = [1, 1]} : vector<512x4xi32> to vector<512x1xi32>
    %reduce_sum3A_183 = vector.shape_cast %slice3A_182 : vector<512x1xi32> to vector<1x512x1xi32>
    %reduce_sum3A_184 = arith.constant dense<0> : vector<1xi32>
    %reduce_sum3A_185 = vector.multi_reduction <add>, %reduce_sum3A_183, %reduce_sum3A_184 [1, 2] : vector<1x512x1xi32> to vector<1xi32>
    %reduce_sum3A_186 = vector.shape_cast %reduce_sum3A_185 : vector<1xi32> to vector<1x1x1xi32>
    %reduce_sum3A_187 = vector.extract %reduce_sum3A_186[0, 0, 0] : i32 from vector<1x1x1xi32>
    %add3A_188 = arith.addi %get3A_181, %reduce_sum3A_187 : i32
    %swap3A_189 = arith.constant 2 : index
    %swap3A_190 = memref.load %arg12[%swap3A_189] : memref<4xi32, #tpu.memory_space<smem>>
    memref.store %add3A_188, %arg12[%swap3A_189] : memref<4xi32, #tpu.memory_space<smem>>
    %get3A_191 = arith.constant 3 : index
    %get3A_192 = memref.load %arg12[%get3A_191] : memref<4xi32, #tpu.memory_space<smem>>
    %slice3A_193 = vector.extract_strided_slice %add3A_68 {offsets = [0, 3], sizes = [512, 1], strides = [1, 1]} : vector<512x4xi32> to vector<512x1xi32>
    %reduce_sum3A_194 = vector.shape_cast %slice3A_193 : vector<512x1xi32> to vector<1x512x1xi32>
    %reduce_sum3A_195 = arith.constant dense<0> : vector<1xi32>
    %reduce_sum3A_196 = vector.multi_reduction <add>, %reduce_sum3A_194, %reduce_sum3A_195 [1, 2] : vector<1x512x1xi32> to vector<1xi32>
    %reduce_sum3A_197 = vector.shape_cast %reduce_sum3A_196 : vector<1xi32> to vector<1x1x1xi32>
    %reduce_sum3A_198 = vector.extract %reduce_sum3A_197[0, 0, 0] : i32 from vector<1x1x1xi32>
    %add3A_199 = arith.addi %get3A_192, %reduce_sum3A_198 : i32
    %swap3A_200 = arith.constant 3 : index
    %swap3A_201 = memref.load %arg12[%swap3A_200] : memref<4xi32, #tpu.memory_space<smem>>
    memref.store %add3A_199, %arg12[%swap3A_200] : memref<4xi32, #tpu.memory_space<smem>>
    %eq3A_202 = arith.constant 63 : i32
    %eq3A_203 = arith.cmpi eq, %arg0, %eq3A_202 : i32
    %convert_element_type3A_204 = arith.extui %eq3A_203 : i1 to i32
    %cond3A_205 = arith.constant 0 : i32
    %cond3A_206 = arith.cmpi ne, %convert_element_type3A_204, %cond3A_205 : i32
    scf.if %cond3A_206 {
      %get3A_207 = arith.constant 0 : index
      %get3A_208 = arith.constant 0 : index
      %get3A_209 = memref.load %arg11[%get3A_207, %get3A_208] : memref<1x1xf32, #tpu.memory_space<smem>>
      %div3A_210 = arith.constant 1.310720e+05 : f32
      %div3A_211 = arith.divf %get3A_209, %div3A_210 : f32
      %add3A_212 = arith.constant 1.000000e-01 : f32
      %add3A_213 = arith.addf %div3A_211, %add3A_212 : f32
      %log3A = math.log %add3A_213 : f32
      %mul3A_214 = arith.mulf %div3A_211, %log3A : f32
      %swap3A_215 = arith.constant 0 : index
      %swap3A_216 = arith.constant 0 : index
      %swap3A_217 = memref.load %arg11[%swap3A_215, %swap3A_216] : memref<1x1xf32, #tpu.memory_space<smem>>
      memref.store %mul3A_214, %arg11[%swap3A_215, %swap3A_216] : memref<1x1xf32, #tpu.memory_space<smem>>
      %swap3A_218 = arith.constant 0 : i32
      %swap3A_219 = arith.constant 0 : index
      %swap3A_220 = arith.constant 0 : index
      %swap3A_221 = memref.load %arg9[%swap3A_219, %swap3A_220] : memref<1x16xi32, #tpu.memory_space<smem>>
      memref.store %swap3A_218, %arg9[%swap3A_219, %swap3A_220] : memref<1x16xi32, #tpu.memory_space<smem>>
      %get3A_222 = arith.constant 0 : index
      %get3A_223 = memref.load %arg12[%get3A_222] : memref<4xi32, #tpu.memory_space<smem>>
      %add3A_224 = arith.constant 511 : i32
      %add3A_225 = arith.addi %get3A_223, %add3A_224 : i32
      %jit3A_226 = arith.constant 512 : i32
      %div3A_227 = arith.divsi %add3A_225, %jit3A_226 : i32
      %sign3A = arith.constant 0 : i32
      %sign3A_228 = arith.cmpi sgt, %add3A_225, %sign3A : i32
      %sign3A_229 = arith.extui %sign3A_228 : i1 to i32
      %sign3A_230 = arith.constant 0 : i32
      %sign3A_231 = arith.cmpi slt, %add3A_225, %sign3A_230 : i32
      %sign3A_232 = arith.extui %sign3A_231 : i1 to i32
      %sign3A_233 = arith.subi %sign3A_229, %sign3A_232 : i32
      %sign3A_234 = arith.constant 0 : i32
      %sign3A_235 = arith.cmpi sgt, %jit3A_226, %sign3A_234 : i32
      %sign3A_236 = arith.extui %sign3A_235 : i1 to i32
      %sign3A_237 = arith.constant 0 : i32
      %sign3A_238 = arith.cmpi slt, %jit3A_226, %sign3A_237 : i32
      %sign3A_239 = arith.extui %sign3A_238 : i1 to i32
      %sign3A_240 = arith.subi %sign3A_236, %sign3A_239 : i32
      %ne3A = arith.cmpi ne, %sign3A_233, %sign3A_240 : i32
      %rem3A = arith.remsi %add3A_225, %jit3A_226 : i32
      %ne3A_241 = arith.constant 0 : i32
      %ne3A_242 = arith.cmpi ne, %rem3A, %ne3A_241 : i32
      %and3A = arith.andi %ne3A, %ne3A_242 : i1
      %sub3A_243 = arith.constant 1 : i32
      %sub3A_244 = arith.subi %div3A_227, %sub3A_243 : i32
      %select_n3A_245 = arith.select %and3A, %sub3A_244, %div3A_227 : i32
      %add3A_246 = arith.constant 0 : i32
      %add3A_247 = arith.addi %add3A_246, %select_n3A_245 : i32
      %mul3A_248 = arith.constant 512 : i32
      %mul3A_249 = arith.muli %add3A_247, %mul3A_248 : i32
      %swap3A_250 = arith.constant 0 : index
      %swap3A_251 = arith.constant 1 : index
      %swap3A_252 = memref.load %arg9[%swap3A_250, %swap3A_251] : memref<1x16xi32, #tpu.memory_space<smem>>
      memref.store %mul3A_249, %arg9[%swap3A_250, %swap3A_251] : memref<1x16xi32, #tpu.memory_space<smem>>
      %get3A_253 = arith.constant 1 : index
      %get3A_254 = memref.load %arg12[%get3A_253] : memref<4xi32, #tpu.memory_space<smem>>
      %add3A_255 = arith.constant 511 : i32
      %add3A_256 = arith.addi %get3A_254, %add3A_255 : i32
      %jit3A_257 = arith.constant 512 : i32
      %div3A_258 = arith.divsi %add3A_256, %jit3A_257 : i32
      %sign3A_259 = arith.constant 0 : i32
      %sign3A_260 = arith.cmpi sgt, %add3A_256, %sign3A_259 : i32
      %sign3A_261 = arith.extui %sign3A_260 : i1 to i32
      %sign3A_262 = arith.constant 0 : i32
      %sign3A_263 = arith.cmpi slt, %add3A_256, %sign3A_262 : i32
      %sign3A_264 = arith.extui %sign3A_263 : i1 to i32
      %sign3A_265 = arith.subi %sign3A_261, %sign3A_264 : i32
      %sign3A_266 = arith.constant 0 : i32
      %sign3A_267 = arith.cmpi sgt, %jit3A_257, %sign3A_266 : i32
      %sign3A_268 = arith.extui %sign3A_267 : i1 to i32
      %sign3A_269 = arith.constant 0 : i32
      %sign3A_270 = arith.cmpi slt, %jit3A_257, %sign3A_269 : i32
      %sign3A_271 = arith.extui %sign3A_270 : i1 to i32
      %sign3A_272 = arith.subi %sign3A_268, %sign3A_271 : i32
      %ne3A_273 = arith.cmpi ne, %sign3A_265, %sign3A_272 : i32
      %rem3A_274 = arith.remsi %add3A_256, %jit3A_257 : i32
      %ne3A_275 = arith.constant 0 : i32
      %ne3A_276 = arith.cmpi ne, %rem3A_274, %ne3A_275 : i32
      %and3A_277 = arith.andi %ne3A_273, %ne3A_276 : i1
      %sub3A_278 = arith.constant 1 : i32
      %sub3A_279 = arith.subi %div3A_258, %sub3A_278 : i32
      %select_n3A_280 = arith.select %and3A_277, %sub3A_279, %div3A_258 : i32
      %add3A_281 = arith.addi %add3A_247, %select_n3A_280 : i32
      %mul3A_282 = arith.constant 512 : i32
      %mul3A_283 = arith.muli %add3A_281, %mul3A_282 : i32
      %swap3A_284 = arith.constant 0 : index
      %swap3A_285 = arith.constant 2 : index
      %swap3A_286 = memref.load %arg9[%swap3A_284, %swap3A_285] : memref<1x16xi32, #tpu.memory_space<smem>>
      memref.store %mul3A_283, %arg9[%swap3A_284, %swap3A_285] : memref<1x16xi32, #tpu.memory_space<smem>>
      %get3A_287 = arith.constant 2 : index
      %get3A_288 = memref.load %arg12[%get3A_287] : memref<4xi32, #tpu.memory_space<smem>>
      %add3A_289 = arith.constant 511 : i32
      %add3A_290 = arith.addi %get3A_288, %add3A_289 : i32
      %jit3A_291 = arith.constant 512 : i32
      %div3A_292 = arith.divsi %add3A_290, %jit3A_291 : i32
      %sign3A_293 = arith.constant 0 : i32
      %sign3A_294 = arith.cmpi sgt, %add3A_290, %sign3A_293 : i32
      %sign3A_295 = arith.extui %sign3A_294 : i1 to i32
      %sign3A_296 = arith.constant 0 : i32
      %sign3A_297 = arith.cmpi slt, %add3A_290, %sign3A_296 : i32
      %sign3A_298 = arith.extui %sign3A_297 : i1 to i32
      %sign3A_299 = arith.subi %sign3A_295, %sign3A_298 : i32
      %sign3A_300 = arith.constant 0 : i32
      %sign3A_301 = arith.cmpi sgt, %jit3A_291, %sign3A_300 : i32
      %sign3A_302 = arith.extui %sign3A_301 : i1 to i32
      %sign3A_303 = arith.constant 0 : i32
      %sign3A_304 = arith.cmpi slt, %jit3A_291, %sign3A_303 : i32
      %sign3A_305 = arith.extui %sign3A_304 : i1 to i32
      %sign3A_306 = arith.subi %sign3A_302, %sign3A_305 : i32
      %ne3A_307 = arith.cmpi ne, %sign3A_299, %sign3A_306 : i32
      %rem3A_308 = arith.remsi %add3A_290, %jit3A_291 : i32
      %ne3A_309 = arith.constant 0 : i32
      %ne3A_310 = arith.cmpi ne, %rem3A_308, %ne3A_309 : i32
      %and3A_311 = arith.andi %ne3A_307, %ne3A_310 : i1
      %sub3A_312 = arith.constant 1 : i32
      %sub3A_313 = arith.subi %div3A_292, %sub3A_312 : i32
      %select_n3A_314 = arith.select %and3A_311, %sub3A_313, %div3A_292 : i32
      %add3A_315 = arith.addi %add3A_281, %select_n3A_314 : i32
      %mul3A_316 = arith.constant 512 : i32
      %mul3A_317 = arith.muli %add3A_315, %mul3A_316 : i32
      %swap3A_318 = arith.constant 0 : index
      %swap3A_319 = arith.constant 3 : index
      %swap3A_320 = memref.load %arg9[%swap3A_318, %swap3A_319] : memref<1x16xi32, #tpu.memory_space<smem>>
      memref.store %mul3A_317, %arg9[%swap3A_318, %swap3A_319] : memref<1x16xi32, #tpu.memory_space<smem>>
      %get3A_321 = arith.constant 3 : index
      %get3A_322 = memref.load %arg12[%get3A_321] : memref<4xi32, #tpu.memory_space<smem>>
      %add3A_323 = arith.constant 511 : i32
      %add3A_324 = arith.addi %get3A_322, %add3A_323 : i32
      %jit3A_325 = arith.constant 512 : i32
      %div3A_326 = arith.divsi %add3A_324, %jit3A_325 : i32
      %sign3A_327 = arith.constant 0 : i32
      %sign3A_328 = arith.cmpi sgt, %add3A_324, %sign3A_327 : i32
      %sign3A_329 = arith.extui %sign3A_328 : i1 to i32
      %sign3A_330 = arith.constant 0 : i32
      %sign3A_331 = arith.cmpi slt, %add3A_324, %sign3A_330 : i32
      %sign3A_332 = arith.extui %sign3A_331 : i1 to i32
      %sign3A_333 = arith.subi %sign3A_329, %sign3A_332 : i32
      %sign3A_334 = arith.constant 0 : i32
      %sign3A_335 = arith.cmpi sgt, %jit3A_325, %sign3A_334 : i32
      %sign3A_336 = arith.extui %sign3A_335 : i1 to i32
      %sign3A_337 = arith.constant 0 : i32
      %sign3A_338 = arith.cmpi slt, %jit3A_325, %sign3A_337 : i32
      %sign3A_339 = arith.extui %sign3A_338 : i1 to i32
      %sign3A_340 = arith.subi %sign3A_336, %sign3A_339 : i32
      %ne3A_341 = arith.cmpi ne, %sign3A_333, %sign3A_340 : i32
      %rem3A_342 = arith.remsi %add3A_324, %jit3A_325 : i32
      %ne3A_343 = arith.constant 0 : i32
      %ne3A_344 = arith.cmpi ne, %rem3A_342, %ne3A_343 : i32
      %and3A_345 = arith.andi %ne3A_341, %ne3A_344 : i1
      %sub3A_346 = arith.constant 1 : i32
      %sub3A_347 = arith.subi %div3A_326, %sub3A_346 : i32
      %select_n3A_348 = arith.select %and3A_345, %sub3A_347, %div3A_326 : i32
      %add3A_349 = arith.addi %add3A_315, %select_n3A_348 : i32
      %mul3A_350 = arith.constant 512 : i32
      %mul3A_351 = arith.muli %add3A_349, %mul3A_350 : i32
      %swap3A_352 = arith.constant 0 : index
      %swap3A_353 = arith.constant 4 : index
      %swap3A_354 = memref.load %arg9[%swap3A_352, %swap3A_353] : memref<1x16xi32, #tpu.memory_space<smem>>
      memref.store %mul3A_351, %arg9[%swap3A_352, %swap3A_353] : memref<1x16xi32, #tpu.memory_space<smem>>
      %mul3A_355 = arith.constant 512 : i32
      %mul3A_356 = arith.muli %add3A_349, %mul3A_355 : i32
      %swap3A_357 = arith.constant 0 : index
      %swap3A_358 = arith.constant 5 : index
      %swap3A_359 = memref.load %arg9[%swap3A_357, %swap3A_358] : memref<1x16xi32, #tpu.memory_space<smem>>
      memref.store %mul3A_356, %arg9[%swap3A_357, %swap3A_358] : memref<1x16xi32, #tpu.memory_space<smem>>
      %mul3A_360 = arith.constant 512 : i32
      %mul3A_361 = arith.muli %add3A_349, %mul3A_360 : i32
      %swap3A_362 = arith.constant 0 : index
      %swap3A_363 = arith.constant 6 : index
      %swap3A_364 = memref.load %arg9[%swap3A_362, %swap3A_363] : memref<1x16xi32, #tpu.memory_space<smem>>
      memref.store %mul3A_361, %arg9[%swap3A_362, %swap3A_363] : memref<1x16xi32, #tpu.memory_space<smem>>
      %mul3A_365 = arith.constant 512 : i32
      %mul3A_366 = arith.muli %add3A_349, %mul3A_365 : i32
      %swap3A_367 = arith.constant 0 : index
      %swap3A_368 = arith.constant 7 : index
      %swap3A_369 = memref.load %arg9[%swap3A_367, %swap3A_368] : memref<1x16xi32, #tpu.memory_space<smem>>
      memref.store %mul3A_366, %arg9[%swap3A_367, %swap3A_368] : memref<1x16xi32, #tpu.memory_space<smem>>
      %mul3A_370 = arith.constant 512 : i32
      %mul3A_371 = arith.muli %add3A_349, %mul3A_370 : i32
      %swap3A_372 = arith.constant 0 : index
      %swap3A_373 = arith.constant 8 : index
      %swap3A_374 = memref.load %arg9[%swap3A_372, %swap3A_373] : memref<1x16xi32, #tpu.memory_space<smem>>
      memref.store %mul3A_371, %arg9[%swap3A_372, %swap3A_373] : memref<1x16xi32, #tpu.memory_space<smem>>
      %mul3A_375 = arith.constant 512 : i32
      %mul3A_376 = arith.muli %add3A_349, %mul3A_375 : i32
      %swap3A_377 = arith.constant 0 : index
      %swap3A_378 = arith.constant 9 : index
      %swap3A_379 = memref.load %arg9[%swap3A_377, %swap3A_378] : memref<1x16xi32, #tpu.memory_space<smem>>
      memref.store %mul3A_376, %arg9[%swap3A_377, %swap3A_378] : memref<1x16xi32, #tpu.memory_space<smem>>
      %mul3A_380 = arith.constant 512 : i32
      %mul3A_381 = arith.muli %add3A_349, %mul3A_380 : i32
      %swap3A_382 = arith.constant 0 : index
      %swap3A_383 = arith.constant 10 : index
      %swap3A_384 = memref.load %arg9[%swap3A_382, %swap3A_383] : memref<1x16xi32, #tpu.memory_space<smem>>
      memref.store %mul3A_381, %arg9[%swap3A_382, %swap3A_383] : memref<1x16xi32, #tpu.memory_space<smem>>
      %mul3A_385 = arith.constant 512 : i32
      %mul3A_386 = arith.muli %add3A_349, %mul3A_385 : i32
      %swap3A_387 = arith.constant 0 : index
      %swap3A_388 = arith.constant 11 : index
      %swap3A_389 = memref.load %arg9[%swap3A_387, %swap3A_388] : memref<1x16xi32, #tpu.memory_space<smem>>
      memref.store %mul3A_386, %arg9[%swap3A_387, %swap3A_388] : memref<1x16xi32, #tpu.memory_space<smem>>
      %mul3A_390 = arith.constant 512 : i32
      %mul3A_391 = arith.muli %add3A_349, %mul3A_390 : i32
      %swap3A_392 = arith.constant 0 : index
      %swap3A_393 = arith.constant 12 : index
      %swap3A_394 = memref.load %arg9[%swap3A_392, %swap3A_393] : memref<1x16xi32, #tpu.memory_space<smem>>
      memref.store %mul3A_391, %arg9[%swap3A_392, %swap3A_393] : memref<1x16xi32, #tpu.memory_space<smem>>
      %mul3A_395 = arith.constant 512 : i32
      %mul3A_396 = arith.muli %add3A_349, %mul3A_395 : i32
      %swap3A_397 = arith.constant 0 : index
      %swap3A_398 = arith.constant 13 : index
      %swap3A_399 = memref.load %arg9[%swap3A_397, %swap3A_398] : memref<1x16xi32, #tpu.memory_space<smem>>
      memref.store %mul3A_396, %arg9[%swap3A_397, %swap3A_398] : memref<1x16xi32, #tpu.memory_space<smem>>
      %mul3A_400 = arith.constant 512 : i32
      %mul3A_401 = arith.muli %add3A_349, %mul3A_400 : i32
      %swap3A_402 = arith.constant 0 : index
      %swap3A_403 = arith.constant 14 : index
      %swap3A_404 = memref.load %arg9[%swap3A_402, %swap3A_403] : memref<1x16xi32, #tpu.memory_space<smem>>
      memref.store %mul3A_401, %arg9[%swap3A_402, %swap3A_403] : memref<1x16xi32, #tpu.memory_space<smem>>
      %mul3A_405 = arith.constant 512 : i32
      %mul3A_406 = arith.muli %add3A_349, %mul3A_405 : i32
      %swap3A_407 = arith.constant 0 : index
      %swap3A_408 = arith.constant 15 : index
      %swap3A_409 = memref.load %arg9[%swap3A_407, %swap3A_408] : memref<1x16xi32, #tpu.memory_space<smem>>
      memref.store %mul3A_406, %arg9[%swap3A_407, %swap3A_408] : memref<1x16xi32, #tpu.memory_space<smem>>
      %scan3A = arith.constant 0 : i32
      %scan3A_410 = arith.constant 132 : i32
      %scan3A_411 = arith.addi %scan3A, %scan3A_410 : i32
      %scan3A_412 = arith.constant 1 : i32
      scf.for %scan3A_414 = %scan3A to %scan3A_411 step %scan3A_412  : i32 {
        %ge3A = arith.cmpi sge, %scan3A_414, %add3A_247 : i32
        %convert_element_type3A_415 = arith.extui %ge3A : i1 to i32
        %add3A_416 = arith.constant 0 : i32
        %add3A_417 = arith.addi %add3A_416, %convert_element_type3A_415 : i32
        %ge3A_418 = arith.cmpi sge, %scan3A_414, %add3A_281 : i32
        %convert_element_type3A_419 = arith.extui %ge3A_418 : i1 to i32
        %add3A_420 = arith.addi %add3A_417, %convert_element_type3A_419 : i32
        %ge3A_421 = arith.cmpi sge, %scan3A_414, %add3A_315 : i32
        %convert_element_type3A_422 = arith.extui %ge3A_421 : i1 to i32
        %add3A_423 = arith.addi %add3A_420, %convert_element_type3A_422 : i32
        %swap3A_424 = arith.constant 0 : index
        %swap3A_425 = arith.index_cast %scan3A_414 : i32 to index
        %swap3A_426 = memref.load %arg10[%swap3A_424, %swap3A_425] : memref<1x132xi32, #tpu.memory_space<smem>>
        memref.store %add3A_423, %arg10[%swap3A_424, %swap3A_425] : memref<1x132xi32, #tpu.memory_space<smem>>
      }
      %scan3A_413 = arith.constant 132 : i32
    } else {
    }
    return
  }
  func.func @transform_0(%arg0: i32) -> (i32, i32) {
    %c0_i32 = arith.constant 0 : i32
    %c0_i32_0 = arith.constant 0 : i32
    return %arg0, %c0_i32 : i32, i32
  }
  func.func @transform_1(%arg0: i32) -> (i32, i32) {
    %c0_i32 = arith.constant 0 : i32
    %c0_i32_0 = arith.constant 0 : i32
    %c0_i32_1 = arith.constant 0 : i32
    return %c0_i32, %c0_i32_0 : i32, i32
  }
  func.func @transform_2(%arg0: i32) -> (i32, i32) {
    %c0_i32 = arith.constant 0 : i32
    %c0_i32_0 = arith.constant 0 : i32
    return %arg0, %c0_i32 : i32, i32
  }
  func.func @transform_3(%arg0: i32) -> (i32, i32) {
    %c0_i32 = arith.constant 0 : i32
    %c0_i32_0 = arith.constant 0 : i32
    return %arg0, %c0_i32 : i32, i32
  }
  func.func @transform_4(%arg0: i32) -> (i32, i32) {
    %c0_i32 = arith.constant 0 : i32
    %c0_i32_0 = arith.constant 0 : i32
    return %arg0, %c0_i32 : i32, i32
  }
  func.func @transform_5(%arg0: i32) -> (i32, i32) {
    %c0_i32 = arith.constant 0 : i32
    %c0_i32_0 = arith.constant 0 : i32
    return %arg0, %c0_i32 : i32, i32
  }
  func.func @transform_6(%arg0: i32) -> (i32, i32) {
    %c0_i32 = arith.constant 0 : i32
    %c0_i32_0 = arith.constant 0 : i32
    return %arg0, %c0_i32 : i32, i32
  }
  func.func @transform_7(%arg0: i32) -> (i32, i32) {
    %c0_i32 = arith.constant 0 : i32
    %c0_i32_0 = arith.constant 0 : i32
    return %arg0, %c0_i32 : i32, i32
  }
  func.func @transform_8(%arg0: i32) -> (i32, i32) {
    %c0_i32 = arith.constant 0 : i32
    %c0_i32_0 = arith.constant 0 : i32
    %c0_i32_1 = arith.constant 0 : i32
    return %c0_i32, %c0_i32_0 : i32, i32
  }
  func.func @transform_9(%arg0: i32) -> (i32, i32) {
    %c0_i32 = arith.constant 0 : i32
    %c0_i32_0 = arith.constant 0 : i32
    %c0_i32_1 = arith.constant 0 : i32
    return %c0_i32, %c0_i32_0 : i32, i32
  }
  func.func @transform_10(%arg0: i32) -> (i32, i32) {
    %c0_i32 = arith.constant 0 : i32
    %c0_i32_0 = arith.constant 0 : i32
    %c0_i32_1 = arith.constant 0 : i32
    return %c0_i32, %c0_i32_0 : i32, i32
  }
}

module attributes {stable_mosaic.version = 14 : i64} {
  func.func @_ffn_body(%arg0: i32, %arg1: memref<132xi32, #tpu.memory_space<smem>>, %arg2: memref<512x512xf32, #tpu.memory_space<vmem>>, %arg3: memref<1x512x2048xf32, #tpu.memory_space<vmem>>, %arg4: memref<1x1x2048xf32, #tpu.memory_space<vmem>>, %arg5: memref<1x2048x512xf32, #tpu.memory_space<vmem>>, %arg6: memref<1x1x512xf32, #tpu.memory_space<vmem>>, %arg7: memref<512x512xf32, #tpu.memory_space<vmem>>) attributes {dimension_semantics = [#tpu.dimension_semantics<arbitrary>], iteration_bounds = array<i64: 132>, scalar_prefetch = 1 : i64, scratch_operands = 0 : i64, tpu.core_type = #tpu.core_type<tc>, window_params = [{transform_indices = @transform_0, window_bounds = array<i64: 512, 512>}, {transform_indices = @transform_1, window_bounds = array<i64: 1, 512, 2048>}, {transform_indices = @transform_2, window_bounds = array<i64: 1, 1, 2048>}, {transform_indices = @transform_3, window_bounds = array<i64: 1, 2048, 512>}, {transform_indices = @transform_4, window_bounds = array<i64: 1, 1, 512>}, {transform_indices = @transform_5, window_bounds = array<i64: 512, 512>}]} {
    %get3A = arith.constant 0 : index
    %get3A_0 = arith.constant 0 : index
    %get3A_1 = vector.load %arg2[%get3A, %get3A_0] : memref<512x512xf32, #tpu.memory_space<vmem>>, vector<512x512xf32>
    %get3A_2 = arith.constant 0 : index
    %get3A_3 = arith.constant 0 : index
    %get3A_4 = arith.constant 0 : index
    %get3A_5 = vector.load %arg3[%get3A_2, %get3A_3, %get3A_4] : memref<1x512x2048xf32, #tpu.memory_space<vmem>>, vector<1x512x2048xf32>
    %get3A_6 = vector.shape_cast %get3A_5 : vector<1x512x2048xf32> to vector<512x2048xf32>
    %dot_general3A = arith.constant dense<0.000000e+00> : vector<512x2048xf32>
    %dot_general3A_7 = tpu.matmul %get3A_1, %get3A_6, %dot_general3A {dimension_numbers = #tpu.dot_dimension_numbers<[1], [0], [0], [1], [0, 0, 1, 1], [], []>, transpose_lhs_hint = false} : vector<512x512xf32>, vector<512x2048xf32>, vector<512x2048xf32> -> vector<512x2048xf32>
    %get3A_8 = arith.constant 0 : index
    %get3A_9 = arith.constant 0 : index
    %get3A_10 = arith.constant 0 : index
    %get3A_11 = vector.load %arg4[%get3A_8, %get3A_9, %get3A_10] : memref<1x1x2048xf32, #tpu.memory_space<vmem>>, vector<1x1x2048xf32>
    %get3A_12 = vector.shape_cast %get3A_11 : vector<1x1x2048xf32> to vector<1x2048xf32>
    %add3A = vector.broadcast %get3A_12 : vector<1x2048xf32> to vector<512x2048xf32>
    %add3A_13 = arith.addf %dot_general3A_7, %add3A : vector<512x2048xf32>
    %mul3A = arith.constant 5.000000e-01 : f32
    %mul3A_14 = vector.broadcast %mul3A : f32 to vector<512x2048xf32>
    %mul3A_15 = arith.mulf %mul3A_14, %add3A_13 : vector<512x2048xf32>
    %integer_pow3A = arith.mulf %add3A_13, %add3A_13 : vector<512x2048xf32>
    %integer_pow3A_16 = arith.mulf %add3A_13, %integer_pow3A : vector<512x2048xf32>
    %mul3A_17 = arith.constant 4.471500e-02 : f32
    %mul3A_18 = vector.broadcast %mul3A_17 : f32 to vector<512x2048xf32>
    %mul3A_19 = arith.mulf %mul3A_18, %integer_pow3A_16 : vector<512x2048xf32>
    %add3A_20 = arith.addf %add3A_13, %mul3A_19 : vector<512x2048xf32>
    %mul3A_21 = arith.constant 0.797884583 : f32
    %mul3A_22 = vector.broadcast %mul3A_21 : f32 to vector<512x2048xf32>
    %mul3A_23 = arith.mulf %mul3A_22, %add3A_20 : vector<512x2048xf32>
    %tanh3A = math.tanh %mul3A_23 : vector<512x2048xf32>
    %add3A_24 = arith.constant 1.000000e+00 : f32
    %add3A_25 = vector.broadcast %add3A_24 : f32 to vector<512x2048xf32>
    %add3A_26 = arith.addf %add3A_25, %tanh3A : vector<512x2048xf32>
    %mul3A_27 = arith.mulf %mul3A_15, %add3A_26 : vector<512x2048xf32>
    %get3A_28 = arith.constant 0 : index
    %get3A_29 = arith.constant 0 : index
    %get3A_30 = arith.constant 0 : index
    %get3A_31 = vector.load %arg5[%get3A_28, %get3A_29, %get3A_30] : memref<1x2048x512xf32, #tpu.memory_space<vmem>>, vector<1x2048x512xf32>
    %get3A_32 = vector.shape_cast %get3A_31 : vector<1x2048x512xf32> to vector<2048x512xf32>
    %dot_general3A_33 = arith.constant dense<0.000000e+00> : vector<512x512xf32>
    %dot_general3A_34 = tpu.matmul %mul3A_27, %get3A_32, %dot_general3A_33 {dimension_numbers = #tpu.dot_dimension_numbers<[1], [0], [0], [1], [0, 0, 1, 1], [], []>, transpose_lhs_hint = false} : vector<512x2048xf32>, vector<2048x512xf32>, vector<512x512xf32> -> vector<512x512xf32>
    %get3A_35 = arith.constant 0 : index
    %get3A_36 = arith.constant 0 : index
    %get3A_37 = arith.constant 0 : index
    %get3A_38 = vector.load %arg6[%get3A_35, %get3A_36, %get3A_37] : memref<1x1x512xf32, #tpu.memory_space<vmem>>, vector<1x1x512xf32>
    %get3A_39 = vector.shape_cast %get3A_38 : vector<1x1x512xf32> to vector<1x512xf32>
    %add3A_40 = vector.broadcast %get3A_39 : vector<1x512xf32> to vector<512x512xf32>
    %add3A_41 = arith.addf %dot_general3A_34, %add3A_40 : vector<512x512xf32>
    %swap3A = arith.constant 0 : index
    %swap3A_42 = arith.constant 0 : index
    %swap3A_43 = vector.load %arg7[%swap3A, %swap3A_42] : memref<512x512xf32, #tpu.memory_space<vmem>>, vector<512x512xf32>
    tpu.vector_store %arg7[%swap3A, %swap3A_42], %add3A_41 {strides = array<i32>} : memref<512x512xf32, #tpu.memory_space<vmem>>, vector<512x512xf32>,
    return
  }
  func.func @transform_0(%arg0: i32, %arg1: memref<132xi32, #tpu.memory_space<smem>>) -> (i32, i32) {
    %c0_i32 = arith.constant 0 : i32
    %c0_i32_0 = arith.constant 0 : i32
    return %arg0, %c0_i32 : i32, i32
  }
  func.func @transform_1(%arg0: i32, %arg1: memref<132xi32, #tpu.memory_space<smem>>) -> (i32, i32, i32) {
    %get3A = arith.index_cast %arg0 : i32 to index
    %get3A_0 = memref.load %arg1[%get3A] : memref<132xi32, #tpu.memory_space<smem>>
    %c0_i32 = arith.constant 0 : i32
    %c0_i32_1 = arith.constant 0 : i32
    %c0_i32_2 = arith.constant 0 : i32
    return %get3A_0, %c0_i32, %c0_i32_1 : i32, i32, i32
  }
  func.func @transform_2(%arg0: i32, %arg1: memref<132xi32, #tpu.memory_space<smem>>) -> (i32, i32, i32) {
    %get3A = arith.index_cast %arg0 : i32 to index
    %get3A_0 = memref.load %arg1[%get3A] : memref<132xi32, #tpu.memory_space<smem>>
    %c0_i32 = arith.constant 0 : i32
    %c0_i32_1 = arith.constant 0 : i32
    %c0_i32_2 = arith.constant 0 : i32
    return %get3A_0, %c0_i32, %c0_i32_1 : i32, i32, i32
  }
  func.func @transform_3(%arg0: i32, %arg1: memref<132xi32, #tpu.memory_space<smem>>) -> (i32, i32, i32) {
    %get3A = arith.index_cast %arg0 : i32 to index
    %get3A_0 = memref.load %arg1[%get3A] : memref<132xi32, #tpu.memory_space<smem>>
    %c0_i32 = arith.constant 0 : i32
    %c0_i32_1 = arith.constant 0 : i32
    %c0_i32_2 = arith.constant 0 : i32
    return %get3A_0, %c0_i32, %c0_i32_1 : i32, i32, i32
  }
  func.func @transform_4(%arg0: i32, %arg1: memref<132xi32, #tpu.memory_space<smem>>) -> (i32, i32, i32) {
    %get3A = arith.index_cast %arg0 : i32 to index
    %get3A_0 = memref.load %arg1[%get3A] : memref<132xi32, #tpu.memory_space<smem>>
    %c0_i32 = arith.constant 0 : i32
    %c0_i32_1 = arith.constant 0 : i32
    %c0_i32_2 = arith.constant 0 : i32
    return %get3A_0, %c0_i32, %c0_i32_1 : i32, i32, i32
  }
  func.func @transform_5(%arg0: i32, %arg1: memref<132xi32, #tpu.memory_space<smem>>) -> (i32, i32) {
    %c0_i32 = arith.constant 0 : i32
    %c0_i32_0 = arith.constant 0 : i32
    return %arg0, %c0_i32 : i32, i32
  }
}

</mosaic_0001>

<sc_bundles>
// kernel: kernel.6.cloned.1.call-start
scs
__scs_entry_jumppad:
0x0: {  	(pc) =	sbr.rel $0x88, $3  }
0x1: {  	(tag) =	ssettag $0x0;
	lr =	simm.s32 $0x1  }
0x2: {  	[smem:$0x3F9B] =	sst lr;
	_ =	strace $0xD0000000  }
0x3: {  	_ = 	snop  }
0x4: {  	_ = 	snop  }
0x5: {  	_ = 	snop  }
0x6: {  	_ = 	snop  }
0x7: {  	_ = 	snop  }
__scs_overlays_trampoline_lowered:
0x8: {  	[smem:$0x3FAA] =	sst s0  }
0x9: {  	[smem:$0x3FAB] =	sst s1  }
0xa: {  	[smem:$0x3FAC] =	sst s2  }
0xb: {  	[smem:$0x3FAD] =	sst s3  }
0xc: {  	[smem:$0x3FAE] =	sst s4  }
0xd: {  	[smem:$0x3FAF] =	sst s5  }
0xe: {  	[smem:$0x3FB0] =	sst s6  }
0xf: {  	[smem:$0x3FB1] =	sst s7  }
0x10: {  	[smem:$0x3FB2] =	sst s8  }
0x11: {  	[smem:$0x3FB3] =	sst s9;
	s0 =	simm.s32 @!p0 $0x0  }
0x12: {  	s1 =	sld [smem:$0x3F99];
	s0 =	simm.s32 @p0 $0x1  }
0x13: {  	[smem:$0x3FB4] =	sst s0;
	s0 =	simm.s32 @!p1 $0x0  }
0x14: {  	s2 =	sld [smem:$0x3F98];
	s0 =	simm.s32 @p1 $0x1  }
0x15: {  	[smem:$0x3FB5] =	sst s0;
	s0 =	simm.s32 @!p2 $0x0  }
0x16: {  	s3 =	sld [smem:$0x3FDB];
	s0 =	simm.s32 @p2 $0x1  }
0x17: {  	s4 =	simm.s32 $0x1BF5;
	[smem:$0x3FB7] =	sst s0  }
0x18: {  	s0 =	sld [smem:$0x3F9A];
	_ =	swait.ge [sflag:s4], $0x0  }
0x19: {  	s7 =	sld [smem:$0x3F9B]  }
0x1a: {  	s8 =	sadd.s32 $0xFFFFE003, lr  }
0x1b: {  	s9 =	sadd.s32 $0xFFFFFEF7, lr;
	s5 =	simm.s32 $0xFFFFFFFF;
	p2 =	slt.u32 s8, $0xFFFFF086  }
0x1c: {  	p1 =	slt.u32 s9, $0xF7A;
	s5 =	simm.s32 @!p2 $0x0  }
0x1d: {  	s5 =	simm.s32 @p1 $0x1;
	p0 =	seq.s32 s7, s2  }
0x1e: {  	s7 =	smul.u32 @!p0 $0xF7A, s2;
	p2 =	seq.s32 @!p0 s5, $0x0  }
0x1f: {  	s9 =	smul.u32 $0xF7A, s1;
	s8 =	simm.s32 @!p0 $0x1BF5;
	p2 =	por !p2, p0  }
0x20: {  	[sflag:s8] =	ssyncset.s32 @!p0 $0xFFFFF086;
	s6 =	sadd.s32 @!p0 s3, s7;
	s7 =	simm.s32 @!p0 $0x108  }
0x21: {  	s3 =	sadd.s32 s3, s9;
	s6 =	sadd.s32 @!p0 $0x88, s6;
	s7 =	simm.s32 @p2 $0x1082  }
0x22: {  	[simem:s7], [sflag:s8] =	dma.local @!p0 [hbm:s6], $0xF7A  }
0x23: {  	s9 =	sor.u32 $0xD0000000, s2;
	s6 =	simm.s32 $0x108;
	_ =	swait.ge @!p0 [sflag:s8], $0x0  }
0x24: {  	s3 =	sadd.s32 $0x88, s3;
	s6 =	simm.s32 @!p1 $0x1082;
	[sflag:s4] =	ssyncset.s32 $0xFFFFF086  }
0x25: {  	[simem:s6], [sflag:s4] =	dma.local [hbm:s3], $0xF7A  }
0x26: {  	[smem:$0x3F9B] =	sst s1;
	(tag) =	ssettag s2;
	_ =	strace s9  }
0x27: {  	s1 =	sld [smem:$0x3FAB]  }
0x28: {  	s2 =	sld [smem:$0x3FAC]  }
0x29: {  	s4 =	sld [smem:$0x3FAE]  }
0x2a: {  	p0 =	seq.s32 s5, $0x0;
	s5 =	sld [smem:$0x3FAF]  }
0x2b: {  	s6 =	sld [smem:$0x3FB0]  }
0x2c: {  	s7 =	sld [smem:$0x3FB1]  }
0x2d: {  	s3 =	simm.s32 $0x108;
	s8 =	sld [smem:$0x3FB2]  }
0x2e: {  	s3 =	simm.s32 @!p0 $0x1082;
	s9 =	sld [smem:$0x3FB3]  }
0x2f: {  	lr =	sadd.s32 s0, s3;
	s0 =	sld [smem:$0x3FAA]  }
0x30: {  	s3 =	sld [smem:$0x3FAD]  }
0x31: {  	[smem:$0x3FB6] =	sst s10  }
0x32: {  	s10 =	sld [smem:$0x3FB4];
	_ =	sdelay $0x3  }
0x33: {  	p0 =	seq.s32 s10, $0x1;
	s10 =	sld [smem:$0x3FB6];
	_ =	sdelay $0x3  }
0x34: {  	[smem:$0x3FB6] =	sst s10  }
0x35: {  	s10 =	sld [smem:$0x3FB5];
	_ =	sdelay $0x3  }
0x36: {  	p1 =	seq.s32 s10, $0x1;
	s10 =	sld [smem:$0x3FB6];
	_ =	sdelay $0x3  }
0x37: {  	[smem:$0x3FB6] =	sst s10  }
0x38: {  	s10 =	sld [smem:$0x3FB7]  }
0x39: {  	_ = 	snop;
	(pc) =	sbr.ind lr, $3  }
0x3a: {  	_ = 	snop  }
0x3b: {  	_ = 	snop  }
0x3c: {  	p2 =	seq.s32 s10, $0x1;
	s10 =	sld [smem:$0x3FB6]  }
0x3d: {  	_ =	shalt  }
0x3e: {  	_ =	shalt  }
0x3f: {  	_ =	shalt  }
0x40: {  	_ =	shalt  }
0x41: {  	_ =	shalt  }
0x42: {  	_ =	shalt  }
0x43: {  	_ =	shalt  }
0x44: {  	_ =	shalt  }
0x45: {  	_ =	shalt  }
0x46: {  	_ =	shalt  }
0x47: {  	_ =	shalt  }
0x48: {  	_ =	shalt  }
0x49: {  	_ =	shalt  }
0x4a: {  	_ =	shalt  }
0x4b: {  	_ =	shalt  }
0x4c: {  	_ =	shalt  }
0x4d: {  	_ =	shalt  }
0x4e: {  	_ =	shalt  }
0x4f: {  	_ =	shalt  }
0x50: {  	_ =	shalt  }
0x51: {  	_ =	shalt  }
0x52: {  	_ =	shalt  }
0x53: {  	_ =	shalt  }
0x54: {  	_ =	shalt  }
0x55: {  	_ =	shalt  }
0x56: {  	_ =	shalt  }
0x57: {  	_ =	shalt  }
0x58: {  	_ =	shalt  }
0x59: {  	_ =	shalt  }
0x5a: {  	_ =	shalt  }
0x5b: {  	_ =	shalt  }
0x5c: {  	_ =	shalt  }
0x5d: {  	_ =	shalt  }
0x5e: {  	_ =	shalt  }
0x5f: {  	_ =	shalt  }
0x60: {  	_ =	shalt  }
0x61: {  	_ =	shalt  }
0x62: {  	_ =	shalt  }
0x63: {  	_ =	shalt  }
0x64: {  	_ =	shalt  }
0x65: {  	_ =	shalt  }
0x66: {  	_ =	shalt  }
0x67: {  	_ =	shalt  }
0x68: {  	_ =	shalt  }
0x69: {  	_ =	shalt  }
0x6a: {  	_ =	shalt  }
0x6b: {  	_ =	shalt  }
0x6c: {  	_ =	shalt  }
0x6d: {  	_ =	shalt  }
0x6e: {  	_ =	shalt  }
0x6f: {  	_ =	shalt  }
0x70: {  	_ =	shalt  }
0x71: {  	_ =	shalt  }
0x72: {  	_ =	shalt  }
0x73: {  	_ =	shalt  }
0x74: {  	_ =	shalt  }
0x75: {  	_ =	shalt  }
0x76: {  	_ =	shalt  }
0x77: {  	_ =	shalt  }
0x78: {  	_ =	shalt  }
0x79: {  	_ =	shalt  }
0x7a: {  	_ =	shalt  }
0x7b: {  	_ =	shalt  }
0x7c: {  	_ =	shalt  }
0x7d: {  	_ =	shalt  }
0x7e: {  	_ =	shalt  }
0x7f: {  	_ =	shalt  }
0x80: {  	_ =	shalt  }
0x81: {  	_ =	shalt  }
0x82: {  	_ =	shalt  }
0x83: {  	_ =	shalt  }
0x84: {  	_ =	shalt  }
0x85: {  	_ =	shalt  }
0x86: {  	_ =	shalt  }
0x87: {  	_ =	shalt  }
.Lfunc_end0:
.L_simem_size_0:
called_computation_lowered:
.L_overlay_start_0:
0x88: {  	s2 =	sld [smem:$0x3FD9]  }
0x89: {  	s3 =	sld [smem:$0x3FFE];
	_ =	sdelay $0x1  }
0x8a: {  	s1 =	srdreg.scid  }
0x8b: {  	s0 =	sand.u32 $0x1, s1  }
0x8c: {  	s14 =	sshll.u32 s0, $0xA;
	s2 =	sadd.s32 s3, s2  }
0x8d: {  	s2 =	sadd.s32 s2, s14  }
0x8e: {  	[smem:$0x3FC2] =	sst s2  }
0x8f: {  	_ = 	snop  }
0x90: {  	s2 =	sld [smem:$0x3FD0];
	_ =	sdelay $0x2  }
0x91: {  	s4 =	simm.s32 $0xA;
	s5 =	simm.s32 $0x10;
	s15 =	sld [smem:$0x3FC9]  }
0x92: {  	[smem:s5], [sflag:s4] =	dma.local [hbm:s2], $0x1  }
0x93: {  	_ =	swait.eq [sflag:s4], $0x1  }
0x94: {  	[sflag:s4] =	ssyncset.done $0x0  }
0x95: {  	[sflag:s4] =	ssyncadd.s32 $0xFFFFFFFF  }
0x96: {  	s16 =	sld [smem:$0x10];
	(tm) =	ssettm $0x1  }
0x97: {  	s17 =	sld [smem:$0x3FFB];
	_ =	sdelay $0x3  }
0x98: {  	_ =	strace s17  }
0x99: {  	s4 =	sld [smem:$0x3FFC];
	_ =	sdelay $0x3  }
0x9a: {  	_ =	strace s4  }
0x9b: {  	s4 =	sld [smem:$0x3FFD];
	_ =	sdelay $0x3  }
0x9c: {  	_ =	strace s4  }
0x9d: {  	_ =	strace $0x8FFFFFFF  }
0x9e: {  	s18 =	sld [smem:$0x3FDB];
	_ =	sdelay $0x1  }
0x9f: {  	s19 =	simm.s32 $_scs_section_size  }
0xa0: {  	s6 =	simm.s32 $_size__tile_overlayer_lowered;
	s7 =	simm.s32 $_tile_overlayer_lowered  }
0xa1: {  	s22 =	simm.s32 $0x1BFF;
	s21 =	sshll.u32 s7, $0x1;
	s4 =	sadd.s32 s19, s18  }
0xa2: {  	s8 =	simm.s32 $0x0;
	s20 =	sshll.u32 s6, $0x1;
	s6 =	sadd.s32 s21, s4  }
0xa3: {  	[timem:s8], [sflag:s22] =	dma.local [hbm:s6], s20  }
0xa4: {  	_ =	swait.ge [sflag:s22], s20  }
0xa5: {  	s5 =	ssub.s32 $0x0, s20;
	[sflag:s22] =	ssyncset.done $0x0  }
0xa6: {  	[sflag:s22] =	ssyncadd.s32 s5;
	_ =	sdelay $0x1  }
0xa7: {  	s23 =	simm.s32 $0x1B8B  }
0xa8: {  	_ =	swait.ge [sflag:s23], $0x1  }
0xa9: {  	[sflag:s23] =	ssyncset.done $0x0  }
0xaa: {  	s25 =	simm.s32 $0x1B8E;
	s24 =	sld [smem:$0x3FFE];
	[sflag:s23] =	ssyncadd.s32 $0xFFFFFFFF  }
0xab: {  	s26 =	simm.s32 $execute0_lowered;
	[smem:$0x3FD2] =	sst s25  }
0xac: {  	s6 =	sshll.u32 s26, $0x1;
	_ =	strace $0x80000046;
	[dreg:$0x1] =	wrdreg $0xFFFFFFFF  }
0xad: {  	s28 =	simm.s32 $_size_execute0_lowered;
	s4 =	sadd.s32 s4, s6;
	[dreg:$0x0] =	wrdreg $0x0  }
0xae: {  	s6 =	sshll.u32 s28, $0x1;
	[dreg:$0x2] =	wrdreg s4  }
0xaf: {  	[dreg:$0x3] =	wrdreg s6  }
0xb0: {  	[dreg:$0x4] =	wrdreg $0xC0  }
0xb1: {  	_ =	task [dreg:s8], $0x5FFFF  }
0xb2: {  	[dreg:$0x1] =	wrdreg $0xFFFFFFFF  }
0xb3: {  	[dreg:$0x0] =	wrdreg $0x60  }
0xb4: {  	[dreg:$0x2] =	wrdreg s15  }
0xb5: {  	[dreg:$0x3] =	wrdreg s24  }
0xb6: {  	[dreg:$0x4] =	wrdreg s16  }
0xb7: {  	[dreg:$0x5] =	wrdreg $0x9  }
0xb8: {  	_ =	task.clear_ibuf [dreg:s8], $0x6FFFF;
	_ =	strace $0x90000046  }
0xb9: {  	s29 =	simm.s32 $0x9;
	_ =	strace $0x80000048  }
0xba: {  	_ =	swait.ge [sflag:s29], $0x1  }
0xbb: {  	[sflag:s29] =	ssyncadd.s32 $0xFFFFFFFF  }
0xbc: {  	_ =	strace $0x90000048  }
0xbd: {  	_ =	sfence  }
0xbe: {  	s30 =	sld [smem:$0x0];
	_ =	sdelay $0x2  }
0xbf: {  	s31 =	sshll.u32 s1, $0xD;
	s1 =	sshrl.u32 s1, $0x2  }
0xc0: {  	s3 =	sand.u32 $0x4000, s31;
	s1 =	sadd.s32 s1, s30  }
0xc1: {  	s0 =	sor.u32 s3, s0;
	s1 =	sshll.u32 s1, $0x11  }
0xc2: {  	s0 =	sor.u32 s1, s0  }
0xc3: {  	s0 =	sadd.s32 $0x8F2B, s0  }
0xc4: {  	[sflag:s0] =	ssyncadd.remote.s32 $0x1  }
0xc5: {  	_ =	sfence.sel $0xFFFF  }
0xc6: {  	[dreg:$0x0] =	wrdreg $0xFFFFFFFF;
	(pc) =	sbr.abs _section_cstart, $3  }
0xc7: {  	[dreg:$0x1] =	wrdreg $0xFFFFFFFF  }
0xc8: {  	_ =	task.clear_ibuf [dreg:s8], $0x2FFFF;
	_ =	strace $0x9FFFFFFF  }
0xc9: {  	(tm) =	ssettm $0x7FFFFFFF  }
tec
execute0_lowered:
.L_overlay_start_1:
0x0: {  	(tag) =	ssettag $0x1  }
0x1: {  	s7 =	rddreg [dreg:$0x0]  }
0x2: {  	s1 =	srdreg.scid;
	s5 =	rddreg [dreg:$0x1]  }
0x3: {  	s0 =	stileid.u32;
	s9 =	rddreg [dreg:$0x2];
	s2 =	simm.s32 $0x0  }
0x4: {  	s25 =	simm.s32 $0x8000;
	s26 =	simm.s32 $0x8080;
	s30 =	simm.s32 $0x8100  }
0x5: {  	s31 =	simm.s32 $0x8180;
	s14 =	simm.s32 $0x2800;
	s15 =	simm.s32 $0x3000  }
0x6: {  	s16 =	simm.s32 $0x3800;
	s17 =	simm.s32 $0x4000;
	s18 =	simm.s32 $0x4800  }
0x7: {  	s19 =	simm.s32 $0x5000;
	s28 =	simm.s32 $0x8280;
	s29 =	simm.s32 $0x0  }
0x8: {  	s8 =	sand.u32 $0x1, s1;
	s3 =	sshll.u32 s0, $0xB;
	[smem:$0x7FF] =	sst s2  }
0x9: {  	s23 =	sshll.u32 s0, $0x11;
	_ =	strace $0x80000047;
	[dreg:$0xa] =	wrdreg s25  }
0xa: {  	s4 =	sshll.u32 s8, $0xA;
	s6 =	ssub.s32 $0x2, s8;
	[dreg:$0xb] =	wrdreg s26  }
0xb: {  	s7 =	sadd.s32 s23, s7;
	s8 =	sshll.u32 s8, $0x10;
	[dreg:$0xc] =	wrdreg s30  }
0xc: {  	[dreg:$0xd] =	wrdreg s31;
	s23 =	simm.s32 $0x7000;
	s25 =	simm.s32 $0x1  }
0xd: {  	s26 =	simm.s32 $0x8200;
	s3 =	sor.u32 s4, s3;
	s4 =	sadd.s32 $0x283200, s5  }
0xe: {  	s13 =	sshrl.u32 s6, $0x1;
	s7 =	sadd.s32 s8, s7;
	s8 =	simm.s32 $0x8300  }
0xf: {  	s10 =	sshrl.u32 s3, $0x3;
	s3 =	sadd.s32 $0x282000, s5;
	s6 =	ssub.s32 s6, s13  }
0x10: {  	s13 =	simm.s32 $0x2000;
	s11 =	sadd.s32 s10, s5;
	s9 =	sadd.s32 s10, s9  }
0x11: {  	s5 =	sadd.s32 $0x283300, s5;
	s12 =	sadd.s32 $0x5000, s11;
	[dreg:$0x8] =	wrdreg s9  }
0x12: {  	s6 =	smax.u32 s6, $0x1;
	s20 =	sadd.s32 $0x4000, s11;
	[dreg:$0x4] =	wrdreg s12  }
0x13: {  	s10 =	simm.s32 $0x800;
	s21 =	sadd.s32 $0x3000, s11;
	[dreg:$0x5] =	wrdreg s20  }
0x14: {  	s22 =	sadd.s32 $0x2000, s11;
	s24 =	sadd.s32 $0x282200, s11;
	[dreg:$0x6] =	wrdreg s21  }
0x15: {  	v2 =	vlaneseq.u32;
	s9 =	simm.s32 $0x2;
	s11 =	simm.s32 $0x1000;
	[dreg:$0x7] =	wrdreg s22  }
0x16: {  	vm0 =	vmmov $0xffff;
	v1 =	vshrl.u32 v2, $0x3;
	[dreg:$0x9] =	wrdreg s24;
	s12 =	simm.s32 $0x1800;
	s20 =	simm.s32 $0x5800  }
0x17: {  	v0 =	vand.u32 $0x7, v2;
	v2 =	vor.u32 $0x8, v2;
	v1 =	vmul.u32 $0x8, v1;
	s21 =	simm.s32 $0x6000;
	s22 =	simm.s32 $0x6800;
	s24 =	simm.s32 $0x7800  }
.LBB2_1:
0x18: {  	[tilespmem:s8], [sflag:$0x2] =	stream.linear.gather [hbm4b:s3+s2], $0x80, $0x38;
	[tilespmem:$0x8380] =	vst v63  }
0x19: {  	_ =	swait.ge [sflag:s9], $0x80  }
0x1a: {  	[sflag:s9] =	ssyncset.done $0x0  }
0x1b: {  	s30 =	smov.u32 s7;
	s31 =	simm.s32 $0x0;
	[sflag:s9] =	ssyncadd.s32 $0xFFFFFF80  }
.LBB2_2:
0x1c: {  	s1 =	rddreg [dreg:$0x9]  }
0x1d: {  	s0 =	rddreg [dreg:$0xa];
	s1 =	sadd.s32 s31, s1  }
0x1e: {  	[tilespmem:s0], [sflag:$0x2] =	stream.linear.gather [hbm4b:s1+s2], $0x40, $0x38;
	[tilespmem:$0x8380] =	vst v63  }
0x1f: {  	_ =	swait.ge [sflag:s9], $0x40  }
0x20: {  	s0 =	rddreg [dreg:$0x8];
	[sflag:s9] =	ssyncset.done $0x0  }
0x21: {  	s1 =	rddreg [dreg:$0xb];
	[sflag:s9] =	ssyncadd.s32 $0xFFFFFFC0;
	s0 =	sadd.s32 s31, s0  }
0x22: {  	[tilespmem:s1], [sflag:$0x2] =	stream.linear.gather [hbm4b:s0+s2], $0x40, $0x38;
	[tilespmem:$0x8380] =	vst v63  }
0x23: {  	_ =	swait.ge [sflag:s9], $0x40  }
0x24: {  	s0 =	rddreg [dreg:$0x7];
	[sflag:s9] =	ssyncset.done $0x0  }
0x25: {  	s1 =	rddreg [dreg:$0xc];
	[sflag:s9] =	ssyncadd.s32 $0xFFFFFFC0;
	s0 =	sadd.s32 s31, s0  }
0x26: {  	[tilespmem:s1], [sflag:$0x2] =	stream.linear.gather [hbm4b:s0+s2], $0x40, $0x38;
	[tilespmem:$0x8380] =	vst v63  }
0x27: {  	_ =	swait.ge [sflag:s9], $0x40  }
0x28: {  	s0 =	rddreg [dreg:$0x6];
	[sflag:s9] =	ssyncset.done $0x0  }
0x29: {  	s1 =	rddreg [dreg:$0xd];
	[sflag:s9] =	ssyncadd.s32 $0xFFFFFFC0;
	s0 =	sadd.s32 s31, s0  }
0x2a: {  	[tilespmem:s1], [sflag:$0x2] =	stream.linear.gather [hbm4b:s0+s2], $0x40, $0x38;
	[tilespmem:$0x8380] =	vst v63  }
0x2b: {  	_ =	swait.ge [sflag:s9], $0x40  }
0x2c: {  	[sflag:s9] =	ssyncset.done $0x0  }
0x2d: {  	[sflag:s9] =	ssyncadd.s32 $0xFFFFFFC0  }
0x2e: {  	v3 =	vld [tilespmem:$0x8300]  }
0x2f: {  	v4 =	vld [tilespmem:$0x8000];
	_ =	sdelay $0x1  }
0x30: {  	v5 =	vld [tilespmem:$0x8080]  }
0x31: {  	v6 =	vld [tilespmem:$0x8010]  }
0x32: {  	v9 =	vld [tilespmem:$0x8090];
	v7 =	vbroadcast v3, $0x0;
	v8 =	vbroadcast v3, $0x1  }
0x33: {  	v11 =	vld [tilespmem:$0x8020];
	vm1 =	veq.s32 v4, $0x1;
	v10 =	vbroadcast v3, $0x2  }
0x34: {  	v13 =	vld [tilespmem:$0x80A0];
	v12 =	vsel vm1, v8, v7;
	vm1 =	veq.s32 v4, $0x2  }
0x35: {  	v14 =	vld [tilespmem:$0x8030];
	v3 =	vbroadcast v3, $0x3;
	v12 =	vsel vm1, v10, v12;
	vm1 =	veq.s32 v5, $0x1  }
0x36: {  	v16 =	vld [tilespmem:$0x80B0];
	vm2 =	veq.s32 v6, $0x1;
	v15 =	vsel vm1, v8, v7;
	vm1 =	veq.s32 v5, $0x2  }
0x37: {  	v17 =	vsel vm2, v8, v7;
	v15 =	vsel vm1, v10, v15;
	vm1 =	veq.s32 v9, $0x1  }
0x38: {  	vm2 =	veq.s32 v6, $0x2;
	v18 =	vsel vm1, v8, v7;
	vm1 =	veq.s32 v9, $0x2  }
0x39: {  	v17 =	vsel vm2, v10, v17;
	v18 =	vsel vm1, v10, v18;
	vm1 =	veq.s32 v11, $0x1  }
0x3a: {  	vm2 =	veq.s32 v14, $0x1;
	v19 =	vsel vm1, v8, v7;
	vm1 =	veq.s32 v13, $0x1  }
0x3b: {  	v20 =	vld [tilespmem:$0x8100];
	v22 =	vsel vm2, v8, v7;
	v21 =	vsel vm1, v8, v7;
	vm1 =	veq.s32 v16, $0x1  }
0x3c: {  	v23 =	vld [tilespmem:$0x8180];
	vm2 =	veq.s32 v11, $0x2;
	v7 =	vsel vm1, v8, v7;
	vm1 =	veq.s32 v13, $0x2  }
0x3d: {  	v39 =	vld [tilespmem:$0x8110];
	v19 =	vsel vm2, v10, v19;
	v21 =	vsel vm1, v10, v21;
	vm1 =	veq.s32 v14, $0x2  }
0x3e: {  	v40 =	vld [tilespmem:$0x8190];
	vm2 =	veq.s32 v4, $0x3;
	v22 =	vsel vm1, v10, v22;
	vm1 =	veq.s32 v16, $0x2  }
0x3f: {  	v42 =	vld [tilespmem:$0x8120];
	v41 =	vsel vm2, v3, v12;
	v7 =	vsel vm1, v10, v7;
	vm1 =	veq.s32 v5, $0x3  }
0x40: {  	v44 =	vld [tilespmem:$0x81A0];
	v10 =	vadd.s32 v20, v41;
	v43 =	vsel vm1, v3, v15;
	vm1 =	veq.s32 v6, $0x3  }
0x41: {  	v47 =	vld [tilespmem:$0x8130];
	[tilespmem:$0x8200] =	vst v10;
	v45 =	vadd.s32 v23, v43;
	v46 =	vsel vm1, v3, v17;
	vm1 =	veq.s32 v9, $0x3  }
0x42: {  	v49 =	vld [tilespmem:$0x81B0];
	[tilespmem:$0x8280] =	vst v45;
	v8 =	vadd.s32 v39, v46;
	v48 =	vsel vm1, v3, v18;
	vm1 =	veq.s32 v11, $0x3  }
0x43: {  	[tilespmem:$0x8210] =	vst v8;
	v4 =	vadd.s32 v40, v48;
	v50 =	vsel vm1, v3, v19;
	vm1 =	veq.s32 v13, $0x3  }
0x44: {  	[tilespmem:$0x8290] =	vst v4;
	v51 =	vadd.s32 v42, v50;
	v52 =	vsel vm1, v3, v21;
	vm1 =	veq.s32 v14, $0x3  }
0x45: {  	[tilespmem:$0x8220] =	vst v51;
	v53 =	vadd.s32 v44, v52;
	v54 =	vsel vm1, v3, v22;
	vm1 =	veq.s32 v16, $0x3  }
0x46: {  	[tilespmem:$0x82A0] =	vst v53;
	v55 =	vadd.s32 v47, v54;
	v3 =	vsel vm1, v3, v7  }
0x47: {  	[tilespmem:$0x8230] =	vst v55;
	v3 =	vadd.s32 v49, v3  }
0x48: {  	[tilespmem:$0x82B0] =	vst v3  }
0x49: {  	[tilespmem:s2], [sflag:$0x2] =	stream.linear.gather [hbm4b:s30+s2], $0x8000, $0x38;
	[tilespmem:$0x8380] =	vst v63  }
0x4a: {  	_ =	swait.ge [sflag:s9], $0x8000  }
0x4b: {  	[sflag:s9] =	ssyncset.done $0x0  }
0x4c: {  	[sflag:s9] =	ssyncadd.s32 $0xFFFF8000  }
0x4d: {  	v3 =	vld [tilespmem:$0x8200];
	_ =	sdelay $0x4  }
0x4e: {  	v56 =	vshll.u32 v3, $0x2  }
0x4f: {  	v3 =	vand.u32 $0x7, v3;
	v4 =	vand.u32 $0xFFFFFFE0, v56  }
0x50: {  	v3 =	vor.u32 v3, v4  }
0x51: {  	v4 =	vperm.xlane v3, v0;
	_ =	sdelay $0x1  }
0x52: {  	v4 =	vadd.s32 v1, v4;
	_ =	sdelay $0x1  }
0x53: {  	v3 =	vperm.xlane v3, v2;
	_ =	sdelay $0x1  }
0x54: {  	v3 =	vadd.s32 v1, v3  }
0x55: {  	[hbm4b:s4+s2] =	stream.indirect_vreg.scatter [tilespmem:s2], [sflag:$0x1], $0x80, v4, vm0, $0xb8;
	[tilespmem:$0x8380] =	vst v63  }
0x56: {  	_ = 	snop  }
0x57: {  	[hbm4b:s5+s2] =	stream.indirect_vreg.scatter [tilespmem:s10], [sflag:$0x1], $0x80, v4, vm0, $0xb8;
	[tilespmem:$0x8380] =	vst v63  }
0x58: {  	_ = 	snop  }
0x59: {  	[hbm4b:s4+s2] =	stream.indirect_vreg.scatter [tilespmem:s11], [sflag:$0x1], $0x80, v3, vm0, $0xb8;
	[tilespmem:$0x8380] =	vst v63  }
0x5a: {  	_ = 	snop  }
0x5b: {  	[hbm4b:s5+s2] =	stream.indirect_vreg.scatter [tilespmem:s12], [sflag:$0x1], $0x80, v3, vm0, $0xb8;
	[tilespmem:$0x8380] =	vst v63  }
0x5c: {  	v3 =	vld [tilespmem:$0x8210];
	_ =	sdelay $0x4  }
0x5d: {  	v57 =	vshll.u32 v3, $0x2  }
0x5e: {  	v3 =	vand.u32 $0x7, v3;
	v4 =	vand.u32 $0xFFFFFFE0, v57  }
0x5f: {  	v3 =	vor.u32 v3, v4  }
0x60: {  	v4 =	vperm.xlane v3, v0;
	_ =	sdelay $0x1  }
0x61: {  	v4 =	vadd.s32 v1, v4;
	_ =	sdelay $0x1  }
0x62: {  	v3 =	vperm.xlane v3, v2;
	_ =	sdelay $0x1  }
0x63: {  	v3 =	vadd.s32 v1, v3  }
0x64: {  	[hbm4b:s4+s2] =	stream.indirect_vreg.scatter [tilespmem:s13], [sflag:$0x1], $0x80, v4, vm0, $0xb8;
	[tilespmem:$0x8380] =	vst v63  }
0x65: {  	_ = 	snop  }
0x66: {  	[hbm4b:s5+s2] =	stream.indirect_vreg.scatter [tilespmem:s14], [sflag:$0x1], $0x80, v4, vm0, $0xb8;
	[tilespmem:$0x8380] =	vst v63  }
0x67: {  	_ = 	snop  }
0x68: {  	[hbm4b:s4+s2] =	stream.indirect_vreg.scatter [tilespmem:s15], [sflag:$0x1], $0x80, v3, vm0, $0xb8;
	[tilespmem:$0x8380] =	vst v63  }
0x69: {  	_ = 	snop  }
0x6a: {  	[hbm4b:s5+s2] =	stream.indirect_vreg.scatter [tilespmem:s16], [sflag:$0x1], $0x80, v3, vm0, $0xb8;
	[tilespmem:$0x8380] =	vst v63  }
0x6b: {  	v3 =	vld [tilespmem:$0x8220];
	_ =	sdelay $0x4  }
0x6c: {  	v58 =	vshll.u32 v3, $0x2  }
0x6d: {  	v3 =	vand.u32 $0x7, v3;
	v4 =	vand.u32 $0xFFFFFFE0, v58  }
0x6e: {  	v3 =	vor.u32 v3, v4  }
0x6f: {  	v4 =	vperm.xlane v3, v0;
	_ =	sdelay $0x1  }
0x70: {  	v4 =	vadd.s32 v1, v4;
	_ =	sdelay $0x1  }
0x71: {  	v3 =	vperm.xlane v3, v2;
	_ =	sdelay $0x1  }
0x72: {  	v3 =	vadd.s32 v1, v3  }
0x73: {  	[hbm4b:s4+s2] =	stream.indirect_vreg.scatter [tilespmem:s17], [sflag:$0x1], $0x80, v4, vm0, $0xb8;
	[tilespmem:$0x8380] =	vst v63  }
0x74: {  	_ = 	snop  }
0x75: {  	[hbm4b:s5+s2] =	stream.indirect_vreg.scatter [tilespmem:s18], [sflag:$0x1], $0x80, v4, vm0, $0xb8;
	[tilespmem:$0x8380] =	vst v63  }
0x76: {  	_ = 	snop  }
0x77: {  	[hbm4b:s4+s2] =	stream.indirect_vreg.scatter [tilespmem:s19], [sflag:$0x1], $0x80, v3, vm0, $0xb8;
	[tilespmem:$0x8380] =	vst v63  }
0x78: {  	_ = 	snop  }
0x79: {  	[hbm4b:s5+s2] =	stream.indirect_vreg.scatter [tilespmem:s20], [sflag:$0x1], $0x80, v3, vm0, $0xb8;
	[tilespmem:$0x8380] =	vst v63  }
0x7a: {  	v3 =	vld [tilespmem:$0x8230];
	_ =	sdelay $0x4  }
0x7b: {  	v59 =	vshll.u32 v3, $0x2  }
0x7c: {  	v3 =	vand.u32 $0x7, v3;
	v4 =	vand.u32 $0xFFFFFFE0, v59  }
0x7d: {  	v3 =	vor.u32 v3, v4  }
0x7e: {  	v4 =	vperm.xlane v3, v0;
	_ =	sdelay $0x1  }
0x7f: {  	v4 =	vadd.s32 v1, v4;
	_ =	sdelay $0x1  }
0x80: {  	v3 =	vperm.xlane v3, v2;
	_ =	sdelay $0x1  }
0x81: {  	v3 =	vadd.s32 v1, v3  }
0x82: {  	[hbm4b:s4+s2] =	stream.indirect_vreg.scatter [tilespmem:s21], [sflag:$0x1], $0x80, v4, vm0, $0xb8;
	[tilespmem:$0x8380] =	vst v63  }
0x83: {  	_ = 	snop  }
0x84: {  	[hbm4b:s5+s2] =	stream.indirect_vreg.scatter [tilespmem:s22], [sflag:$0x1], $0x80, v4, vm0, $0xb8;
	[tilespmem:$0x8380] =	vst v63  }
0x85: {  	_ = 	snop  }
0x86: {  	[hbm4b:s4+s2] =	stream.indirect_vreg.scatter [tilespmem:s23], [sflag:$0x1], $0x80, v3, vm0, $0xb8;
	[tilespmem:$0x8380] =	vst v63  }
0x87: {  	_ = 	snop  }
0x88: {  	[hbm4b:s5+s2] =	stream.indirect_vreg.scatter [tilespmem:s24], [sflag:$0x1], $0x80, v3, vm0, $0xb8;
	[tilespmem:$0x8380] =	vst v63  }
0x89: {  	_ =	swait.ge [sflag:s25], $0x8000  }
0x8a: {  	[sflag:s25] =	ssyncset.done $0x0  }
0x8b: {  	[sflag:s25] =	ssyncadd.s32 $0xFFFF8000  }
0x8c: {  	v3 =	vld [tilespmem:$0x8280];
	_ =	sdelay $0x4  }
0x8d: {  	v60 =	vshll.u32 v3, $0x2  }
0x8e: {  	v3 =	vand.u32 $0x7, v3;
	v4 =	vand.u32 $0xFFFFFFE0, v60  }
0x8f: {  	v3 =	vor.u32 v3, v4  }
0x90: {  	v4 =	vperm.xlane v3, v0;
	_ =	sdelay $0x1  }
0x91: {  	v4 =	vadd.s32 v1, v4;
	_ =	sdelay $0x1  }
0x92: {  	v3 =	vperm.xlane v3, v2;
	_ =	sdelay $0x1  }
0x93: {  	v3 =	vadd.s32 v1, v3  }
0x94: {  	[hbm4b:s4+s2] =	stream.indirect_vreg.scatter [tilespmem:s2], [sflag:$0x1], $0x80, v4, vm0, $0xb8;
	[tilespmem:$0x8380] =	vst v63  }
0x95: {  	_ = 	snop  }
0x96: {  	[hbm4b:s5+s2] =	stream.indirect_vreg.scatter [tilespmem:s10], [sflag:$0x1], $0x80, v4, vm0, $0xb8;
	[tilespmem:$0x8380] =	vst v63  }
0x97: {  	_ = 	snop  }
0x98: {  	[hbm4b:s4+s2] =	stream.indirect_vreg.scatter [tilespmem:s11], [sflag:$0x1], $0x80, v3, vm0, $0xb8;
	[tilespmem:$0x8380] =	vst v63  }
0x99: {  	_ = 	snop  }
0x9a: {  	[hbm4b:s5+s2] =	stream.indirect_vreg.scatter [tilespmem:s12], [sflag:$0x1], $0x80, v3, vm0, $0xb8;
	[tilespmem:$0x8380] =	vst v63  }
0x9b: {  	v3 =	vld [tilespmem:$0x8290];
	_ =	sdelay $0x4  }
0x9c: {  	v61 =	vshll.u32 v3, $0x2  }
0x9d: {  	v3 =	vand.u32 $0x7, v3;
	v4 =	vand.u32 $0xFFFFFFE0, v61  }
0x9e: {  	v3 =	vor.u32 v3, v4  }
0x9f: {  	v4 =	vperm.xlane v3, v0;
	_ =	sdelay $0x1  }
0xa0: {  	v4 =	vadd.s32 v1, v4;
	_ =	sdelay $0x1  }
0xa1: {  	v3 =	vperm.xlane v3, v2;
	_ =	sdelay $0x1  }
0xa2: {  	v3 =	vadd.s32 v1, v3  }
0xa3: {  	[hbm4b:s4+s2] =	stream.indirect_vreg.scatter [tilespmem:s13], [sflag:$0x1], $0x80, v4, vm0, $0xb8;
	[tilespmem:$0x8380] =	vst v63  }
0xa4: {  	_ = 	snop  }
0xa5: {  	[hbm4b:s5+s2] =	stream.indirect_vreg.scatter [tilespmem:s14], [sflag:$0x1], $0x80, v4, vm0, $0xb8;
	[tilespmem:$0x8380] =	vst v63  }
0xa6: {  	_ = 	snop  }
0xa7: {  	[hbm4b:s4+s2] =	stream.indirect_vreg.scatter [tilespmem:s15], [sflag:$0x1], $0x80, v3, vm0, $0xb8;
	[tilespmem:$0x8380] =	vst v63  }
0xa8: {  	_ = 	snop  }
0xa9: {  	[hbm4b:s5+s2] =	stream.indirect_vreg.scatter [tilespmem:s16], [sflag:$0x1], $0x80, v3, vm0, $0xb8;
	[tilespmem:$0x8380] =	vst v63  }
0xaa: {  	v3 =	vld [tilespmem:$0x82A0];
	_ =	sdelay $0x4  }
0xab: {  	v62 =	vshll.u32 v3, $0x2  }
0xac: {  	v3 =	vand.u32 $0x7, v3;
	v4 =	vand.u32 $0xFFFFFFE0, v62  }
0xad: {  	v3 =	vor.u32 v3, v4  }
0xae: {  	v4 =	vperm.xlane v3, v0;
	_ =	sdelay $0x1  }
0xaf: {  	v4 =	vadd.s32 v1, v4;
	_ =	sdelay $0x1  }
0xb0: {  	v3 =	vperm.xlane v3, v2;
	_ =	sdelay $0x1  }
0xb1: {  	v3 =	vadd.s32 v1, v3  }
0xb2: {  	[hbm4b:s4+s2] =	stream.indirect_vreg.scatter [tilespmem:s17], [sflag:$0x1], $0x80, v4, vm0, $0xb8;
	[tilespmem:$0x8380] =	vst v63  }
0xb3: {  	_ = 	snop  }
0xb4: {  	[hbm4b:s5+s2] =	stream.indirect_vreg.scatter [tilespmem:s18], [sflag:$0x1], $0x80, v4, vm0, $0xb8;
	[tilespmem:$0x8380] =	vst v63  }
0xb5: {  	_ = 	snop  }
0xb6: {  	[hbm4b:s4+s2] =	stream.indirect_vreg.scatter [tilespmem:s19], [sflag:$0x1], $0x80, v3, vm0, $0xb8;
	[tilespmem:$0x8380] =	vst v63  }
0xb7: {  	_ = 	snop  }
0xb8: {  	[hbm4b:s5+s2] =	stream.indirect_vreg.scatter [tilespmem:s20], [sflag:$0x1], $0x80, v3, vm0, $0xb8;
	[tilespmem:$0x8380] =	vst v63  }
0xb9: {  	v3 =	vld [tilespmem:$0x82B0];
	_ =	sdelay $0x4  }
0xba: {  	v63 =	vshll.u32 v3, $0x2  }
0xbb: {  	v3 =	vand.u32 $0x7, v3;
	v4 =	vand.u32 $0xFFFFFFE0, v63  }
0xbc: {  	v3 =	vor.u32 v3, v4  }
0xbd: {  	v4 =	vperm.xlane v3, v0;
	_ =	sdelay $0x1  }
0xbe: {  	v4 =	vadd.s32 v1, v4;
	_ =	sdelay $0x1  }
0xbf: {  	v3 =	vperm.xlane v3, v2;
	_ =	sdelay $0x1  }
0xc0: {  	v3 =	vadd.s32 v1, v3  }
0xc1: {  	[hbm4b:s4+s2] =	stream.indirect_vreg.scatter [tilespmem:s21], [sflag:$0x1], $0x80, v4, vm0, $0xb8;
	[tilespmem:$0x8380] =	vst v63  }
0xc2: {  	_ = 	snop  }
0xc3: {  	[hbm4b:s5+s2] =	stream.indirect_vreg.scatter [tilespmem:s22], [sflag:$0x1], $0x80, v4, vm0, $0xb8;
	[tilespmem:$0x8380] =	vst v63  }
0xc4: {  	_ = 	snop  }
0xc5: {  	[hbm4b:s4+s2] =	stream.indirect_vreg.scatter [tilespmem:s23], [sflag:$0x1], $0x80, v3, vm0, $0xb8;
	[tilespmem:$0x8380] =	vst v63  }
0xc6: {  	_ = 	snop  }
0xc7: {  	[hbm4b:s5+s2] =	stream.indirect_vreg.scatter [tilespmem:s24], [sflag:$0x1], $0x80, v3, vm0, $0xb8;
	[tilespmem:$0x8380] =	vst v63  }
0xc8: {  	_ =	swait.ge [sflag:s25], $0x8000  }
0xc9: {  	s1 =	rddreg [dreg:$0x5];
	[sflag:s25] =	ssyncset.done $0x0  }
0xca: {  	[sflag:s25] =	ssyncadd.s32 $0xFFFF8000;
	s0 =	sadd.s32 s31, s1  }
0xcb: {  	[hbm4b:s0+s2] =	stream.linear.scatter [tilespmem:s26], [sflag:$0x2], $0x40, $0x38;
	[tilespmem:$0x8380] =	vst v63  }
0xcc: {  	_ =	swait.ge [sflag:s9], $0x40  }
0xcd: {  	p0 =	sne.s32 s31, $0x78;
	s1 =	rddreg [dreg:$0x4];
	[sflag:s9] =	ssyncset.done $0x0  }
.Ltmp0:
0xce: {  	[sflag:s9] =	ssyncadd.s32 $0xFFFFFFC0;
	s0 =	sadd.s32 s31, s1;
	(pc) =	sbr.rel @p0 .LBB2_2-.Ltmp0, $4  }
0xcf: {  	[hbm4b:s0+s2] =	stream.linear.scatter [tilespmem:s28], [sflag:$0x2], $0x40, $0x38;
	[tilespmem:$0x8380] =	vst v63  }
0xd0: {  	_ =	swait.ge [sflag:s9], $0x40  }
0xd1: {  	[sflag:s9] =	ssyncset.done $0x0  }
0xd2: {  	s30 =	sadd.s32 $0x1000, s30;
	s31 =	sadd.s32 $0x8, s31;
	[sflag:s9] =	ssyncadd.s32 $0xFFFFFFC0  }
0xd3: {  	s29 =	sadd.s32 $0x1, s29  }
0xd4: {  	p0 =	sne.s32 s29, s6  }
.Ltmp1:
0xd5: {  	_ = 	snop;
	(pc) =	sbr.rel @p0 .LBB2_1-.Ltmp1, $1  }
0xd6: {  	_ =	sdelay $0x3  }
0xd7: {  	_ =	sfence.sel $0x180000  }
0xd8: {  	[bflag:$0x0] =	sbarrier.arrive $0xFFFF  }
0xd9: {  	_ =	strace $0x90000047  }
0xda: {  	s0 =	stileid.u32;
	[bflag:$0x2] =	sbarrier.arrive $0xFFFF  }
0xdb: {  	p0 =	sne.s32 s0, $0x0;
	s0 =	rddreg [dreg:$0x3]  }
0xdc: {  	s0 =	sadd.s32 @!p0 $0x100000, s0  }
0xdd: {  	[sflag:s0] =	ssyncadd.tile.s32 @!p0 $0x1;
	_ =	shalt  }
.Lfunc_end2:
_tile_overlayer_lowered:
.L_overlay_start_2:
0xde: {  	(tag) =	ssettag $0x2  }
0xdf: {  	s0 =	rddreg [dreg:$0x0];
	s2 =	stileid.u32  }
0xe0: {  	s1 =	rddreg [dreg:$0x1];
	p0 =	sne.s32 s2, $0x0  }
0xe1: {  	s3 =	rddreg [dreg:$0x2];
	[bflag:$0x3] =	sbarrier.arrive $0xFFFF;
	s2 =	simm.s32 @!p0 $0x1C02  }
0xe2: {  	[timem:s3], [sflag:s2] =	dma.local @!p0 [hbm:s0], s1  }
0xe3: {  	s0 =	simm.s32 @!p0 $0x2  }
0xe4: {  	_ =	swait.ge @!p0 [sflag:s0], s1  }
0xe5: {  	s1 =	ssub.s32 @!p0 $0x0, s1;
	[sflag:s0] =	ssyncset.done @!p0 $0x0  }
0xe6: {  	[sflag:s0] =	ssyncadd.s32 @!p0 s1  }
0xe7: {  	[bflag:$0x3] =	sbarrier.arrive $0xFFFF  }
0xe8: {  	_ =	shalt  }

// kernel: kernel.9.cloned.1.call-start
scs
__scs_entry_jumppad:
0x0: {  	(pc) =	sbr.rel $0x88, $3  }
0x1: {  	(tag) =	ssettag $0x0;
	lr =	simm.s32 $0x1  }
0x2: {  	[smem:$0x3F9B] =	sst lr;
	_ =	strace $0xD0000000  }
0x3: {  	_ = 	snop  }
0x4: {  	_ = 	snop  }
0x5: {  	_ = 	snop  }
0x6: {  	_ = 	snop  }
0x7: {  	_ = 	snop  }
__scs_overlays_trampoline_lowered:
0x8: {  	[smem:$0x3FAA] =	sst s0  }
0x9: {  	[smem:$0x3FAB] =	sst s1  }
0xa: {  	[smem:$0x3FAC] =	sst s2  }
0xb: {  	[smem:$0x3FAD] =	sst s3  }
0xc: {  	[smem:$0x3FAE] =	sst s4  }
0xd: {  	[smem:$0x3FAF] =	sst s5  }
0xe: {  	[smem:$0x3FB0] =	sst s6  }
0xf: {  	[smem:$0x3FB1] =	sst s7  }
0x10: {  	[smem:$0x3FB2] =	sst s8  }
0x11: {  	[smem:$0x3FB3] =	sst s9;
	s0 =	simm.s32 @!p0 $0x0  }
0x12: {  	s1 =	sld [smem:$0x3F99];
	s0 =	simm.s32 @p0 $0x1  }
0x13: {  	[smem:$0x3FB4] =	sst s0;
	s0 =	simm.s32 @!p1 $0x0  }
0x14: {  	s2 =	sld [smem:$0x3F98];
	s0 =	simm.s32 @p1 $0x1  }
0x15: {  	[smem:$0x3FB5] =	sst s0;
	s0 =	simm.s32 @!p2 $0x0  }
0x16: {  	s3 =	sld [smem:$0x3FDB];
	s0 =	simm.s32 @p2 $0x1  }
0x17: {  	s4 =	simm.s32 $0x1BF5;
	[smem:$0x3FB7] =	sst s0  }
0x18: {  	s0 =	sld [smem:$0x3F9A];
	_ =	swait.ge [sflag:s4], $0x0  }
0x19: {  	s7 =	sld [smem:$0x3F9B]  }
0x1a: {  	s8 =	sadd.s32 $0xFFFFE003, lr  }
0x1b: {  	s9 =	sadd.s32 $0xFFFFFEF7, lr;
	s5 =	simm.s32 $0xFFFFFFFF;
	p2 =	slt.u32 s8, $0xFFFFF086  }
0x1c: {  	p1 =	slt.u32 s9, $0xF7A;
	s5 =	simm.s32 @!p2 $0x0  }
0x1d: {  	s5 =	simm.s32 @p1 $0x1;
	p0 =	seq.s32 s7, s2  }
0x1e: {  	s7 =	smul.u32 @!p0 $0xF7A, s2;
	p2 =	seq.s32 @!p0 s5, $0x0  }
0x1f: {  	s9 =	smul.u32 $0xF7A, s1;
	s8 =	simm.s32 @!p0 $0x1BF5;
	p2 =	por !p2, p0  }
0x20: {  	[sflag:s8] =	ssyncset.s32 @!p0 $0xFFFFF086;
	s6 =	sadd.s32 @!p0 s3, s7;
	s7 =	simm.s32 @!p0 $0x108  }
0x21: {  	s3 =	sadd.s32 s3, s9;
	s6 =	sadd.s32 @!p0 $0x88, s6;
	s7 =	simm.s32 @p2 $0x1082  }
0x22: {  	[simem:s7], [sflag:s8] =	dma.local @!p0 [hbm:s6], $0xF7A  }
0x23: {  	s9 =	sor.u32 $0xD0000000, s2;
	s6 =	simm.s32 $0x108;
	_ =	swait.ge @!p0 [sflag:s8], $0x0  }
0x24: {  	s3 =	sadd.s32 $0x88, s3;
	s6 =	simm.s32 @!p1 $0x1082;
	[sflag:s4] =	ssyncset.s32 $0xFFFFF086  }
0x25: {  	[simem:s6], [sflag:s4] =	dma.local [hbm:s3], $0xF7A  }
0x26: {  	[smem:$0x3F9B] =	sst s1;
	(tag) =	ssettag s2;
	_ =	strace s9  }
0x27: {  	s1 =	sld [smem:$0x3FAB]  }
0x28: {  	s2 =	sld [smem:$0x3FAC]  }
0x29: {  	s4 =	sld [smem:$0x3FAE]  }
0x2a: {  	p0 =	seq.s32 s5, $0x0;
	s5 =	sld [smem:$0x3FAF]  }
0x2b: {  	s6 =	sld [smem:$0x3FB0]  }
0x2c: {  	s7 =	sld [smem:$0x3FB1]  }
0x2d: {  	s3 =	simm.s32 $0x108;
	s8 =	sld [smem:$0x3FB2]  }
0x2e: {  	s3 =	simm.s32 @!p0 $0x1082;
	s9 =	sld [smem:$0x3FB3]  }
0x2f: {  	lr =	sadd.s32 s0, s3;
	s0 =	sld [smem:$0x3FAA]  }
0x30: {  	s3 =	sld [smem:$0x3FAD]  }
0x31: {  	[smem:$0x3FB6] =	sst s10  }
0x32: {  	s10 =	sld [smem:$0x3FB4];
	_ =	sdelay $0x3  }
0x33: {  	p0 =	seq.s32 s10, $0x1;
	s10 =	sld [smem:$0x3FB6];
	_ =	sdelay $0x3  }
0x34: {  	[smem:$0x3FB6] =	sst s10  }
0x35: {  	s10 =	sld [smem:$0x3FB5];
	_ =	sdelay $0x3  }
0x36: {  	p1 =	seq.s32 s10, $0x1;
	s10 =	sld [smem:$0x3FB6];
	_ =	sdelay $0x3  }
0x37: {  	[smem:$0x3FB6] =	sst s10  }
0x38: {  	s10 =	sld [smem:$0x3FB7]  }
0x39: {  	_ = 	snop;
	(pc) =	sbr.ind lr, $3  }
0x3a: {  	_ = 	snop  }
0x3b: {  	_ = 	snop  }
0x3c: {  	p2 =	seq.s32 s10, $0x1;
	s10 =	sld [smem:$0x3FB6]  }
0x3d: {  	_ =	shalt  }
0x3e: {  	_ =	shalt  }
0x3f: {  	_ =	shalt  }
0x40: {  	_ =	shalt  }
0x41: {  	_ =	shalt  }
0x42: {  	_ =	shalt  }
0x43: {  	_ =	shalt  }
0x44: {  	_ =	shalt  }
0x45: {  	_ =	shalt  }
0x46: {  	_ =	shalt  }
0x47: {  	_ =	shalt  }
0x48: {  	_ =	shalt  }
0x49: {  	_ =	shalt  }
0x4a: {  	_ =	shalt  }
0x4b: {  	_ =	shalt  }
0x4c: {  	_ =	shalt  }
0x4d: {  	_ =	shalt  }
0x4e: {  	_ =	shalt  }
0x4f: {  	_ =	shalt  }
0x50: {  	_ =	shalt  }
0x51: {  	_ =	shalt  }
0x52: {  	_ =	shalt  }
0x53: {  	_ =	shalt  }
0x54: {  	_ =	shalt  }
0x55: {  	_ =	shalt  }
0x56: {  	_ =	shalt  }
0x57: {  	_ =	shalt  }
0x58: {  	_ =	shalt  }
0x59: {  	_ =	shalt  }
0x5a: {  	_ =	shalt  }
0x5b: {  	_ =	shalt  }
0x5c: {  	_ =	shalt  }
0x5d: {  	_ =	shalt  }
0x5e: {  	_ =	shalt  }
0x5f: {  	_ =	shalt  }
0x60: {  	_ =	shalt  }
0x61: {  	_ =	shalt  }
0x62: {  	_ =	shalt  }
0x63: {  	_ =	shalt  }
0x64: {  	_ =	shalt  }
0x65: {  	_ =	shalt  }
0x66: {  	_ =	shalt  }
0x67: {  	_ =	shalt  }
0x68: {  	_ =	shalt  }
0x69: {  	_ =	shalt  }
0x6a: {  	_ =	shalt  }
0x6b: {  	_ =	shalt  }
0x6c: {  	_ =	shalt  }
0x6d: {  	_ =	shalt  }
0x6e: {  	_ =	shalt  }
0x6f: {  	_ =	shalt  }
0x70: {  	_ =	shalt  }
0x71: {  	_ =	shalt  }
0x72: {  	_ =	shalt  }
0x73: {  	_ =	shalt  }
0x74: {  	_ =	shalt  }
0x75: {  	_ =	shalt  }
0x76: {  	_ =	shalt  }
0x77: {  	_ =	shalt  }
0x78: {  	_ =	shalt  }
0x79: {  	_ =	shalt  }
0x7a: {  	_ =	shalt  }
0x7b: {  	_ =	shalt  }
0x7c: {  	_ =	shalt  }
0x7d: {  	_ =	shalt  }
0x7e: {  	_ =	shalt  }
0x7f: {  	_ =	shalt  }
0x80: {  	_ =	shalt  }
0x81: {  	_ =	shalt  }
0x82: {  	_ =	shalt  }
0x83: {  	_ =	shalt  }
0x84: {  	_ =	shalt  }
0x85: {  	_ =	shalt  }
0x86: {  	_ =	shalt  }
0x87: {  	_ =	shalt  }
.Lfunc_end0:
.L_simem_size_0:
called_computation.1_lowered:
.L_overlay_start_0:
0x88: {  	s2 =	sld [smem:$0x3FD9]  }
0x89: {  	s3 =	sld [smem:$0x3FFE];
	_ =	sdelay $0x1  }
0x8a: {  	s1 =	srdreg.scid  }
0x8b: {  	s0 =	sand.u32 $0x1, s1  }
0x8c: {  	s14 =	sshll.u32 s0, $0xA;
	s2 =	sadd.s32 s3, s2  }
0x8d: {  	s2 =	sadd.s32 s2, s14  }
0x8e: {  	[smem:$0x3FC2] =	sst s2  }
0x8f: {  	_ = 	snop  }
0x90: {  	s2 =	sld [smem:$0x3FD0];
	_ =	sdelay $0x2  }
0x91: {  	s15 =	simm.s32 $0xA;
	s4 =	simm.s32 $0x10  }
0x92: {  	[smem:s4], [sflag:s15] =	dma.local [hbm:s2], $0x1  }
0x93: {  	_ =	swait.eq [sflag:s15], $0x1  }
0x94: {  	[sflag:s15] =	ssyncset.done $0x0  }
0x95: {  	[sflag:s15] =	ssyncadd.s32 $0xFFFFFFFF  }
0x96: {  	s16 =	sld [smem:$0x10];
	(tm) =	ssettm $0x1  }
0x97: {  	s17 =	sld [smem:$0x3FFB];
	_ =	sdelay $0x3  }
0x98: {  	_ =	strace s17  }
0x99: {  	s3 =	sld [smem:$0x3FFC];
	_ =	sdelay $0x3  }
0x9a: {  	_ =	strace s3  }
0x9b: {  	s3 =	sld [smem:$0x3FFD];
	_ =	sdelay $0x3  }
0x9c: {  	_ =	strace s3  }
0x9d: {  	_ =	strace $0x8FFFFFFF  }
0x9e: {  	s18 =	sld [smem:$0x3FDB];
	_ =	sdelay $0x1  }
0x9f: {  	s19 =	simm.s32 $_scs_section_size  }
0xa0: {  	s5 =	simm.s32 $_size__tile_overlayer_lowered;
	s6 =	simm.s32 $_tile_overlayer_lowered  }
0xa1: {  	s22 =	simm.s32 $0x1BFF;
	s21 =	sshll.u32 s6, $0x1;
	s3 =	sadd.s32 s19, s18  }
0xa2: {  	s7 =	simm.s32 $0x0;
	s20 =	sshll.u32 s5, $0x1;
	s5 =	sadd.s32 s21, s3  }
0xa3: {  	[timem:s7], [sflag:s22] =	dma.local [hbm:s5], s20  }
0xa4: {  	_ =	swait.ge [sflag:s22], s20  }
0xa5: {  	s4 =	ssub.s32 $0x0, s20;
	[sflag:s22] =	ssyncset.done $0x0  }
0xa6: {  	[sflag:s22] =	ssyncadd.s32 s4;
	_ =	sdelay $0x1  }
0xa7: {  	s23 =	simm.s32 $0x1B8B  }
0xa8: {  	_ =	swait.ge [sflag:s23], $0x1  }
0xa9: {  	[sflag:s23] =	ssyncset.done $0x0  }
0xaa: {  	s25 =	simm.s32 $0x1B8E;
	s24 =	sld [smem:$0x3FFE];
	[sflag:s23] =	ssyncadd.s32 $0xFFFFFFFF  }
0xab: {  	s26 =	simm.s32 $execute0_lowered;
	[smem:$0x3FD2] =	sst s25  }
0xac: {  	s5 =	sshll.u32 s26, $0x1;
	_ =	strace $0x80000049;
	[dreg:$0x1] =	wrdreg $0xFFFFFFFF  }
0xad: {  	s28 =	simm.s32 $_size_execute0_lowered;
	s3 =	sadd.s32 s3, s5;
	[dreg:$0x0] =	wrdreg $0x0  }
0xae: {  	s5 =	sshll.u32 s28, $0x1;
	[dreg:$0x2] =	wrdreg s3  }
0xaf: {  	[dreg:$0x3] =	wrdreg s5  }
0xb0: {  	[dreg:$0x4] =	wrdreg $0xC0  }
0xb1: {  	_ =	task [dreg:s7], $0x5FFFF  }
0xb2: {  	[dreg:$0x1] =	wrdreg $0xFFFFFFFF  }
0xb3: {  	[dreg:$0x0] =	wrdreg $0x60  }
0xb4: {  	[dreg:$0x2] =	wrdreg s24  }
0xb5: {  	[dreg:$0x3] =	wrdreg s16  }
0xb6: {  	[dreg:$0x4] =	wrdreg $0x9  }
0xb7: {  	_ =	task.clear_ibuf [dreg:s7], $0x5FFFF;
	_ =	strace $0x90000049  }
0xb8: {  	s29 =	simm.s32 $0x9;
	_ =	strace $0x8000004B  }
0xb9: {  	_ =	swait.ge [sflag:s29], $0x1  }
0xba: {  	[sflag:s29] =	ssyncadd.s32 $0xFFFFFFFF  }
0xbb: {  	_ =	strace $0x9000004B  }
0xbc: {  	_ =	sfence  }
0xbd: {  	s30 =	sld [smem:$0x0];
	_ =	sdelay $0x2  }
0xbe: {  	s31 =	sshll.u32 s1, $0xD;
	s1 =	sshrl.u32 s1, $0x2  }
0xbf: {  	s3 =	sand.u32 $0x4000, s31;
	s1 =	sadd.s32 s1, s30  }
0xc0: {  	s0 =	sor.u32 s3, s0;
	s1 =	sshll.u32 s1, $0x11  }
0xc1: {  	s0 =	sor.u32 s1, s0  }
0xc2: {  	s0 =	sadd.s32 $0x8F2B, s0  }
0xc3: {  	[sflag:s0] =	ssyncadd.remote.s32 $0x1  }
0xc4: {  	_ =	sfence.sel $0xFFFF  }
0xc5: {  	[dreg:$0x0] =	wrdreg $0xFFFFFFFF;
	(pc) =	sbr.abs _section_cstart, $3  }
0xc6: {  	[dreg:$0x1] =	wrdreg $0xFFFFFFFF  }
0xc7: {  	_ =	task.clear_ibuf [dreg:s7], $0x2FFFF;
	_ =	strace $0x9FFFFFFF  }
0xc8: {  	(tm) =	ssettm $0x7FFFFFFF  }
0xc9: {  	_ =	shalt  }
tec
execute0_lowered:
.L_overlay_start_1:
0x0: {  	(tag) =	ssettag $0x1  }
0x1: {  	s0 =	rddreg [dreg:$0x0]  }
0x2: {  	s11 =	rddreg [dreg:$0x1];
	s2 =	simm.s32 $0x0;
	s1 =	srdreg.scid  }
0x3: {  	s8 =	stileid.u32;
	s19 =	simm.s32 $0x3;
	s30 =	simm.s32 $0x7000  }
0x4: {  	s31 =	simm.s32 $0x7800;
	s16 =	simm.s32 $0xF000;
	s15 =	simm.s32 $0x1  }
0x5: {  	s18 =	simm.s32 $0x10000;
	s20 =	simm.s32 $0x2;
	s22 =	simm.s32 $0x0  }
0x6: {  	[smem:$0x7FF] =	sst s2;
	s3 =	sadd.s32 $0x6A3200, s0;
	s5 =	sadd.s32 $0x4000, s0  }
0x7: {  	s6 =	sadd.s32 $0x5000, s0;
	s7 =	sadd.s32 $0x202000, s0;
	s1 =	sand.u32 $0x1, s1  }
0x8: {  	s9 =	sshll.u32 s8, $0xB;
	s8 =	sadd.s32 $0x182000, s0;
	s13 =	sadd.s32 $0x6A3300, s0  }
0x9: {  	s0 =	simm.s32 $0xC000;
	s4 =	ssub.s32 $0x2, s1;
	s1 =	sshll.u32 s1, $0xA  }
0xa: {  	_ =	strace $0x8000004A;
	s10 =	sshrl.u32 s4, $0x1;
	s1 =	sor.u32 s1, s9  }
0xb: {  	s4 =	ssub.s32 s4, s10;
	s9 =	sshrl.u32 s1, $0x3;
	s23 =	sshll.u32 s1, $0x4  }
0xc: {  	s26 =	sshll.u32 s1, $0x6;
	s28 =	sor.u32 $0x40, s1;
	s17 =	sor.u32 $0x20, s1  }
0xd: {  	s10 =	simm.s32 $0xD800;
	s12 =	sadd.s32 s5, s9;
	[dreg:$0x7] =	wrdreg s28  }
0xe: {  	s1 =	simm.s32 $0xF800;
	s9 =	sadd.s32 s6, s9;
	[dreg:$0x3] =	wrdreg s12  }
0xf: {  	s24 =	sadd.s32 s7, s23;
	s25 =	sadd.s32 s8, s23;
	[dreg:$0x4] =	wrdreg s9  }
0x10: {  	v2 =	vlaneseq.u32;
	s14 =	sadd.s32 s11, s26;
	s29 =	smax.u32 s4, $0x1;
	[dreg:$0x5] =	wrdreg s24  }
0x11: {  	vm0 =	vmmov $0xffff;
	v1 =	vshrl.u32 v2, $0x3;
	s4 =	simm.s32 $0xC800;
	s11 =	simm.s32 $0xE000;
	[dreg:$0x6] =	wrdreg s25  }
0x12: {  	v0 =	vand.u32 $0x7, v2;
	v2 =	vor.u32 $0x8, v2;
	v1 =	vmul.u32 $0x8, v1;
	[dreg:$0x8] =	wrdreg s29;
	s9 =	simm.s32 $0xD000;
	s12 =	simm.s32 $0xE800  }
.LBB2_1:
0x13: {  	[dreg:$0x9] =	wrdreg s22  }
0x14: {  	s21 =	rddreg [dreg:$0x3];
	s29 =	simm.s32 $0x14000  }
0x15: {  	[tilespmem:s29], [sflag:$0x3] =	stream.linear.gather [hbm4b:s21+s2], $0x20, $0x38;
	[tilespmem:$0x18200] =	vst v63  }
0x16: {  	_ =	swait.ge [sflag:s19], $0x20  }
0x17: {  	[sflag:s19] =	ssyncset.done $0x0  }
0x18: {  	s23 =	simm.s32 $0x14100;
	s22 =	rddreg [dreg:$0x4];
	[sflag:s19] =	ssyncadd.s32 $0xFFFFFFE0  }
0x19: {  	[tilespmem:s23], [sflag:$0x3] =	stream.linear.gather [hbm4b:s22+s2], $0x20, $0x38;
	[tilespmem:$0x18200] =	vst v63  }
0x1a: {  	_ =	swait.ge [sflag:s19], $0x20  }
0x1b: {  	[sflag:s19] =	ssyncset.done $0x0  }
0x1c: {  	s25 =	simm.s32 $0x14200;
	s24 =	rddreg [dreg:$0x5];
	[sflag:s19] =	ssyncadd.s32 $0xFFFFFFE0  }
0x1d: {  	[tilespmem:s25], [sflag:$0x3] =	stream.linear.gather [hbm4b:s24+s2], $0x1000, $0x38;
	[tilespmem:$0x18200] =	vst v63  }
0x1e: {  	_ =	swait.ge [sflag:s19], $0x1000  }
0x1f: {  	[sflag:s19] =	ssyncset.done $0x0  }
0x20: {  	s28 =	simm.s32 $0x16200;
	s26 =	rddreg [dreg:$0x6];
	[sflag:s19] =	ssyncadd.s32 $0xFFFFF000  }
0x21: {  	[tilespmem:s28], [sflag:$0x3] =	stream.linear.gather [hbm4b:s26+s2], $0x1000, $0x38;
	[tilespmem:$0x18200] =	vst v63  }
0x22: {  	_ =	swait.ge [sflag:s19], $0x1000  }
0x23: {  	[sflag:s19] =	ssyncset.done $0x0  }
0x24: {  	[sflag:s19] =	ssyncadd.s32 $0xFFFFF000  }
0x25: {  	v3 =	vld [tilespmem:$0x14000];
	_ =	sdelay $0x4  }
0x26: {  	v4 =	vshll.u32 v3, $0x2  }
0x27: {  	v3 =	vand.u32 $0x7, v3;
	v4 =	vand.u32 $0xFFFFFFE0, v4  }
0x28: {  	v3 =	vor.u32 v3, v4  }
0x29: {  	v4 =	vperm.xlane v3, v0;
	_ =	sdelay $0x1  }
0x2a: {  	v4 =	vadd.s32 v1, v4;
	_ =	sdelay $0x1  }
0x2b: {  	v3 =	vperm.xlane v3, v2;
	_ =	sdelay $0x1  }
0x2c: {  	v3 =	vadd.s32 v1, v3  }
0x2d: {  	[tilespmem:s2], [sflag:$0x1] =	stream.indirect_vreg.gather [hbm4b:s3+s2], $0x80, v4, vm0, $0xb8;
	[tilespmem:$0x18200] =	vst v63  }
0x2e: {  	s29 =	simm.s32 $0x800  }
0x2f: {  	[tilespmem:s29], [sflag:$0x1] =	stream.indirect_vreg.gather [hbm4b:s13+s2], $0x80, v4, vm0, $0xb8;
	[tilespmem:$0x18200] =	vst v63  }
0x30: {  	s22 =	simm.s32 $0x1000  }
0x31: {  	[tilespmem:s22], [sflag:$0x1] =	stream.indirect_vreg.gather [hbm4b:s3+s2], $0x80, v3, vm0, $0xb8;
	[tilespmem:$0x18200] =	vst v63  }
0x32: {  	s23 =	simm.s32 $0x1800  }
0x33: {  	[tilespmem:s23], [sflag:$0x1] =	stream.indirect_vreg.gather [hbm4b:s13+s2], $0x80, v3, vm0, $0xb8;
	[tilespmem:$0x18200] =	vst v63  }
0x34: {  	v3 =	vld [tilespmem:$0x14010];
	_ =	sdelay $0x4  }
0x35: {  	v61 =	vshll.u32 v3, $0x2  }
0x36: {  	v3 =	vand.u32 $0x7, v3;
	v4 =	vand.u32 $0xFFFFFFE0, v61  }
0x37: {  	v3 =	vor.u32 v3, v4  }
0x38: {  	v4 =	vperm.xlane v3, v0;
	_ =	sdelay $0x1  }
0x39: {  	v4 =	vadd.s32 v1, v4;
	_ =	sdelay $0x1  }
0x3a: {  	v3 =	vperm.xlane v3, v2;
	_ =	sdelay $0x1  }
0x3b: {  	s24 =	simm.s32 $0x2000;
	v3 =	vadd.s32 v1, v3  }
0x3c: {  	[tilespmem:s24], [sflag:$0x1] =	stream.indirect_vreg.gather [hbm4b:s3+s2], $0x80, v4, vm0, $0xb8;
	[tilespmem:$0x18200] =	vst v63  }
0x3d: {  	s25 =	simm.s32 $0x2800  }
0x3e: {  	[tilespmem:s25], [sflag:$0x1] =	stream.indirect_vreg.gather [hbm4b:s13+s2], $0x80, v4, vm0, $0xb8;
	[tilespmem:$0x18200] =	vst v63  }
0x3f: {  	s26 =	simm.s32 $0x3000  }
0x40: {  	[tilespmem:s26], [sflag:$0x1] =	stream.indirect_vreg.gather [hbm4b:s3+s2], $0x80, v3, vm0, $0xb8;
	[tilespmem:$0x18200] =	vst v63  }
0x41: {  	s28 =	simm.s32 $0x3800  }
0x42: {  	[tilespmem:s28], [sflag:$0x1] =	stream.indirect_vreg.gather [hbm4b:s13+s2], $0x80, v3, vm0, $0xb8;
	[tilespmem:$0x18200] =	vst v63  }
0x43: {  	v3 =	vld [tilespmem:$0x14100];
	_ =	sdelay $0x4  }
0x44: {  	v62 =	vshll.u32 v3, $0x2  }
0x45: {  	v3 =	vand.u32 $0x7, v3;
	v4 =	vand.u32 $0xFFFFFFE0, v62  }
0x46: {  	v3 =	vor.u32 v3, v4  }
0x47: {  	v4 =	vperm.xlane v3, v0;
	_ =	sdelay $0x1  }
0x48: {  	v4 =	vadd.s32 v1, v4;
	_ =	sdelay $0x1  }
0x49: {  	v3 =	vperm.xlane v3, v2;
	_ =	sdelay $0x1  }
0x4a: {  	s29 =	simm.s32 $0x8000;
	v3 =	vadd.s32 v1, v3  }
0x4b: {  	[tilespmem:s29], [sflag:$0x1] =	stream.indirect_vreg.gather [hbm4b:s3+s2], $0x80, v4, vm0, $0xb8;
	[tilespmem:$0x18200] =	vst v63  }
0x4c: {  	s22 =	simm.s32 $0x8800  }
0x4d: {  	[tilespmem:s22], [sflag:$0x1] =	stream.indirect_vreg.gather [hbm4b:s13+s2], $0x80, v4, vm0, $0xb8;
	[tilespmem:$0x18200] =	vst v63  }
0x4e: {  	s23 =	simm.s32 $0x9000  }
0x4f: {  	[tilespmem:s23], [sflag:$0x1] =	stream.indirect_vreg.gather [hbm4b:s3+s2], $0x80, v3, vm0, $0xb8;
	[tilespmem:$0x18200] =	vst v63  }
0x50: {  	s24 =	simm.s32 $0x9800  }
0x51: {  	[tilespmem:s24], [sflag:$0x1] =	stream.indirect_vreg.gather [hbm4b:s13+s2], $0x80, v3, vm0, $0xb8;
	[tilespmem:$0x18200] =	vst v63  }
0x52: {  	v3 =	vld [tilespmem:$0x14110];
	_ =	sdelay $0x4  }
0x53: {  	v63 =	vshll.u32 v3, $0x2  }
0x54: {  	v3 =	vand.u32 $0x7, v3;
	v4 =	vand.u32 $0xFFFFFFE0, v63  }
0x55: {  	v3 =	vor.u32 v3, v4  }
0x56: {  	v4 =	vperm.xlane v3, v0;
	_ =	sdelay $0x1  }
0x57: {  	v4 =	vadd.s32 v1, v4;
	_ =	sdelay $0x1  }
0x58: {  	v3 =	vperm.xlane v3, v2;
	_ =	sdelay $0x1  }
0x59: {  	s25 =	simm.s32 $0xA000;
	v3 =	vadd.s32 v1, v3  }
0x5a: {  	[tilespmem:s25], [sflag:$0x1] =	stream.indirect_vreg.gather [hbm4b:s3+s2], $0x80, v4, vm0, $0xb8;
	[tilespmem:$0x18200] =	vst v63  }
0x5b: {  	s26 =	simm.s32 $0xA800  }
0x5c: {  	[tilespmem:s26], [sflag:$0x1] =	stream.indirect_vreg.gather [hbm4b:s13+s2], $0x80, v4, vm0, $0xb8;
	[tilespmem:$0x18200] =	vst v63  }
0x5d: {  	s28 =	simm.s32 $0xB000  }
0x5e: {  	[tilespmem:s28], [sflag:$0x1] =	stream.indirect_vreg.gather [hbm4b:s3+s2], $0x80, v3, vm0, $0xb8;
	[tilespmem:$0x18200] =	vst v63  }
0x5f: {  	s21 =	simm.s32 $0x0;
	s29 =	simm.s32 $0xB800  }
0x60: {  	[tilespmem:s29], [sflag:$0x1] =	stream.indirect_vreg.gather [hbm4b:s13+s2], $0x80, v3, vm0, $0xb8;
	[tilespmem:$0x18200] =	vst v63  }
.LBB2_2:
0x61: {  	s23 =	sshll.u32 s21, $0x6  }
0x62: {  	s22 =	sor.u32 s17, s23  }
0x63: {  	s24 =	sshrl.u32 s22, $0x3  }
0x64: {  	s25 =	simm.s32 $0x0;
	s28 =	simm.s32 $0x14080;
	s26 =	sadd.s32 s5, s24  }
0x65: {  	[tilespmem:s28], [sflag:$0x3] =	stream.linear.gather [hbm4b:s26+s25], $0x20, $0x38;
	[tilespmem:$0x18200] =	vst v63  }
0x66: {  	_ =	swait.ge [sflag:s19], $0x20  }
0x67: {  	[sflag:s19] =	ssyncset.done $0x0  }
0x68: {  	s29 =	simm.s32 $0x14180;
	s24 =	sadd.s32 s6, s24;
	[sflag:s19] =	ssyncadd.s32 $0xFFFFFFE0  }
0x69: {  	[tilespmem:s29], [sflag:$0x3] =	stream.linear.gather [hbm4b:s24+s25], $0x20, $0x38;
	[tilespmem:$0x18200] =	vst v63  }
0x6a: {  	_ =	swait.ge [sflag:s19], $0x20  }
0x6b: {  	s24 =	sshll.u32 s22, $0x4;
	[sflag:s19] =	ssyncset.done $0x0  }
0x6c: {  	s28 =	simm.s32 $0x15200;
	s29 =	sadd.s32 s7, s24;
	[sflag:s19] =	ssyncadd.s32 $0xFFFFFFE0  }
0x6d: {  	[tilespmem:s28], [sflag:$0x3] =	stream.linear.gather [hbm4b:s29+s25], $0x1000, $0x38;
	[tilespmem:$0x18200] =	vst v63  }
0x6e: {  	_ =	swait.ge [sflag:s19], $0x1000  }
0x6f: {  	[sflag:s19] =	ssyncset.done $0x0  }
0x70: {  	s24 =	sadd.s32 s8, s24;
	s29 =	simm.s32 $0x17200;
	[sflag:s19] =	ssyncadd.s32 $0xFFFFF000  }
0x71: {  	[tilespmem:s29], [sflag:$0x3] =	stream.linear.gather [hbm4b:s24+s25], $0x1000, $0x38;
	[tilespmem:$0x18200] =	vst v63  }
0x72: {  	_ =	swait.ge [sflag:s19], $0x1000  }
0x73: {  	[sflag:s19] =	ssyncset.done $0x0  }
0x74: {  	[sflag:s19] =	ssyncadd.s32 $0xFFFFF000  }
0x75: {  	v3 =	vld [tilespmem:$0x14080];
	_ =	sdelay $0x4  }
0x76: {  	v4 =	vshll.u32 v3, $0x2  }
0x77: {  	v3 =	vand.u32 $0x7, v3;
	v4 =	vand.u32 $0xFFFFFFE0, v4  }
0x78: {  	v3 =	vor.u32 v3, v4  }
0x79: {  	v4 =	vperm.xlane v3, v0;
	_ =	sdelay $0x1  }
0x7a: {  	v4 =	vadd.s32 v1, v4;
	_ =	sdelay $0x1  }
0x7b: {  	v3 =	vperm.xlane v3, v2;
	_ =	sdelay $0x1  }
0x7c: {  	s26 =	simm.s32 $0x4000;
	v3 =	vadd.s32 v1, v3  }
0x7d: {  	[tilespmem:s26], [sflag:$0x2] =	stream.indirect_vreg.gather [hbm4b:s3+s25], $0x80, v4, vm0, $0xb8;
	[tilespmem:$0x18200] =	vst v63  }
0x7e: {  	s29 =	simm.s32 $0x4800  }
0x7f: {  	[tilespmem:s29], [sflag:$0x2] =	stream.indirect_vreg.gather [hbm4b:s13+s25], $0x80, v4, vm0, $0xb8;
	[tilespmem:$0x18200] =	vst v63  }
0x80: {  	s26 =	simm.s32 $0x5000  }
0x81: {  	[tilespmem:s26], [sflag:$0x2] =	stream.indirect_vreg.gather [hbm4b:s3+s25], $0x80, v3, vm0, $0xb8;
	[tilespmem:$0x18200] =	vst v63  }
0x82: {  	s29 =	simm.s32 $0x5800  }
0x83: {  	[tilespmem:s29], [sflag:$0x2] =	stream.indirect_vreg.gather [hbm4b:s13+s25], $0x80, v3, vm0, $0xb8;
	[tilespmem:$0x18200] =	vst v63  }
0x84: {  	v3 =	vld [tilespmem:$0x14090];
	_ =	sdelay $0x4  }
0x85: {  	v4 =	vshll.u32 v3, $0x2  }
0x86: {  	v3 =	vand.u32 $0x7, v3;
	v4 =	vand.u32 $0xFFFFFFE0, v4  }
0x87: {  	v3 =	vor.u32 v3, v4  }
0x88: {  	v4 =	vperm.xlane v3, v0;
	_ =	sdelay $0x1  }
0x89: {  	v4 =	vadd.s32 v1, v4;
	_ =	sdelay $0x1  }
0x8a: {  	v3 =	vperm.xlane v3, v2;
	_ =	sdelay $0x1  }
0x8b: {  	s26 =	simm.s32 $0x6000;
	v3 =	vadd.s32 v1, v3  }
0x8c: {  	[tilespmem:s26], [sflag:$0x2] =	stream.indirect_vreg.gather [hbm4b:s3+s25], $0x80, v4, vm0, $0xb8;
	[tilespmem:$0x18200] =	vst v63  }
0x8d: {  	s29 =	simm.s32 $0x6800  }
0x8e: {  	[tilespmem:s29], [sflag:$0x2] =	stream.indirect_vreg.gather [hbm4b:s13+s25], $0x80, v4, vm0, $0xb8;
	[tilespmem:$0x18200] =	vst v63  }
0x8f: {  	_ = 	snop  }
0x90: {  	[tilespmem:s30], [sflag:$0x2] =	stream.indirect_vreg.gather [hbm4b:s3+s25], $0x80, v3, vm0, $0xb8;
	[tilespmem:$0x18200] =	vst v63  }
0x91: {  	_ = 	snop  }
0x92: {  	[tilespmem:s31], [sflag:$0x2] =	stream.indirect_vreg.gather [hbm4b:s13+s25], $0x80, v3, vm0, $0xb8;
	[tilespmem:$0x18200] =	vst v63  }
0x93: {  	v3 =	vld [tilespmem:$0x14180];
	_ =	sdelay $0x4  }
0x94: {  	v4 =	vshll.u32 v3, $0x2  }
0x95: {  	v3 =	vand.u32 $0x7, v3;
	v4 =	vand.u32 $0xFFFFFFE0, v4  }
0x96: {  	v3 =	vor.u32 v3, v4  }
0x97: {  	v4 =	vperm.xlane v3, v0;
	_ =	sdelay $0x1  }
0x98: {  	v4 =	vadd.s32 v1, v4;
	_ =	sdelay $0x1  }
0x99: {  	v3 =	vperm.xlane v3, v2;
	_ =	sdelay $0x1  }
0x9a: {  	v3 =	vadd.s32 v1, v3  }
0x9b: {  	[tilespmem:s0], [sflag:$0x2] =	stream.indirect_vreg.gather [hbm4b:s3+s25], $0x80, v4, vm0, $0xb8;
	[tilespmem:$0x18200] =	vst v63  }
0x9c: {  	_ = 	snop  }
0x9d: {  	[tilespmem:s4], [sflag:$0x2] =	stream.indirect_vreg.gather [hbm4b:s13+s25], $0x80, v4, vm0, $0xb8;
	[tilespmem:$0x18200] =	vst v63  }
0x9e: {  	_ = 	snop  }
0x9f: {  	[tilespmem:s9], [sflag:$0x2] =	stream.indirect_vreg.gather [hbm4b:s3+s25], $0x80, v3, vm0, $0xb8;
	[tilespmem:$0x18200] =	vst v63  }
0xa0: {  	_ = 	snop  }
0xa1: {  	[tilespmem:s10], [sflag:$0x2] =	stream.indirect_vreg.gather [hbm4b:s13+s25], $0x80, v3, vm0, $0xb8;
	[tilespmem:$0x18200] =	vst v63  }
0xa2: {  	v3 =	vld [tilespmem:$0x14190];
	_ =	sdelay $0x4  }
0xa3: {  	v4 =	vshll.u32 v3, $0x2  }
0xa4: {  	v3 =	vand.u32 $0x7, v3;
	v4 =	vand.u32 $0xFFFFFFE0, v4  }
0xa5: {  	v3 =	vor.u32 v3, v4  }
0xa6: {  	v4 =	vperm.xlane v3, v0;
	_ =	sdelay $0x1  }
0xa7: {  	v4 =	vadd.s32 v1, v4;
	_ =	sdelay $0x1  }
0xa8: {  	v3 =	vperm.xlane v3, v2;
	_ =	sdelay $0x1  }
0xa9: {  	v3 =	vadd.s32 v1, v3  }
0xaa: {  	[tilespmem:s11], [sflag:$0x2] =	stream.indirect_vreg.gather [hbm4b:s3+s25], $0x80, v4, vm0, $0xb8;
	[tilespmem:$0x18200] =	vst v63  }
0xab: {  	_ = 	snop  }
0xac: {  	[tilespmem:s12], [sflag:$0x2] =	stream.indirect_vreg.gather [hbm4b:s13+s25], $0x80, v4, vm0, $0xb8;
	[tilespmem:$0x18200] =	vst v63  }
0xad: {  	_ = 	snop  }
0xae: {  	[tilespmem:s16], [sflag:$0x2] =	stream.indirect_vreg.gather [hbm4b:s3+s25], $0x80, v3, vm0, $0xb8;
	[tilespmem:$0x18200] =	vst v63  }
0xaf: {  	_ = 	snop  }
0xb0: {  	[tilespmem:s1], [sflag:$0x2] =	stream.indirect_vreg.gather [hbm4b:s13+s25], $0x80, v3, vm0, $0xb8;
	[tilespmem:$0x18200] =	vst v63  }
0xb1: {  	_ =	swait.ge [sflag:s15], $0x4000  }
0xb2: {  	[sflag:s15] =	ssyncset.done $0x0  }
0xb3: {  	[sflag:s15] =	ssyncadd.s32 $0xFFFFC000  }
0xb4: {  	_ =	swait.ge [sflag:s15], $0x4000  }
0xb5: {  	s26 =	sand.u32 $0x3000, s25;
	s29 =	sand.u32 $0x380, s25;
	[sflag:s15] =	ssyncset.done $0x0  }
0xb6: {  	s24 =	sor.u32 s29, s26;
	[sflag:s15] =	ssyncadd.s32 $0xFFFFC000  }
0xb7: {  	v3 =	vld [tilespmem:s24+$0x0]  }
0xb8: {  	v14 =	vld [tilespmem:s24+$0x10]  }
0xb9: {  	v15 =	vld [tilespmem:s24+$0x8010]  }
0xba: {  	v19 =	vld [tilespmem:s24+$0x20]  }
0xbb: {  	v18 =	vld [tilespmem:s24+$0x8020]  }
0xbc: {  	v23 =	vld [tilespmem:s24+$0x30]  }
0xbd: {  	v22 =	vld [tilespmem:s24+$0x8030]  }
0xbe: {  	v25 =	vld [tilespmem:s24+$0x40]  }
0xbf: {  	v24 =	vld [tilespmem:s24+$0x8040]  }
0xc0: {  	v27 =	vld [tilespmem:s24+$0x50]  }
0xc1: {  	v26 =	vld [tilespmem:s24+$0x8050]  }
0xc2: {  	v29 =	vld [tilespmem:s24+$0x60]  }
0xc3: {  	v28 =	vld [tilespmem:s24+$0x8060]  }
0xc4: {  	v30 =	vld [tilespmem:s24+$0x70]  }
0xc5: {  	v31 =	vld [tilespmem:s24+$0x8070]  }
0xc6: {  	v33 =	vld [tilespmem:s24+$0x400]  }
0xc7: {  	v32 =	vld [tilespmem:s24+$0x8400]  }
0xc8: {  	v35 =	vld [tilespmem:s24+$0x410]  }
0xc9: {  	v34 =	vld [tilespmem:s24+$0x8410]  }
0xca: {  	v5 =	vld [tilespmem:s24+$0x420]  }
0xcb: {  	v4 =	vld [tilespmem:s24+$0x8420]  }
0xcc: {  	v7 =	vld [tilespmem:s24+$0x430]  }
0xcd: {  	v6 =	vld [tilespmem:s24+$0x8430]  }
0xce: {  	v9 =	vld [tilespmem:s24+$0x440]  }
0xcf: {  	v8 =	vld [tilespmem:s24+$0x8440]  }
0xd0: {  	v11 =	vld [tilespmem:s24+$0x450]  }
0xd1: {  	v10 =	vld [tilespmem:s24+$0x8450]  }
0xd2: {  	v13 =	vld [tilespmem:s24+$0x460]  }
0xd3: {  	v12 =	vld [tilespmem:s24+$0x8460]  }
0xd4: {  	v17 =	vld [tilespmem:s24+$0x470]  }
0xd5: {  	v16 =	vld [tilespmem:s24+$0x8470]  }
0xd6: {  	v36 =	vld [tilespmem:s24+$0x870]  }
0xd7: {  	s28 =	simm.s32 $0x0;
	s26 =	simm.s32 $0x80;
	v37 =	vld [tilespmem:s24+$0x8870]  }
.LBB2_3:
0xd8: {  	p0 =	sne.s32 s26, $0xF80;
	v21 =	vld [tilespmem:s28+$0x14200]  }
0xd9: {  	v20 =	vld [tilespmem:s28+$0x16200]  }
0xda: {  	v38 =	vld [tilespmem:s24+$0x800]  }
0xdb: {  	v39 =	vld [tilespmem:s24+$0x8800]  }
0xdc: {  	v40 =	vld [tilespmem:s24+$0x810]  }
0xdd: {  	v33 =	vmul.f32 v33, v21;
	v35 =	vmul.f32 v35, v21;
	v41 =	vld [tilespmem:s24+$0x820]  }
0xde: {  	v36 =	vmul.f32 v36, v21;
	v42 =	vld [tilespmem:s24+$0x830];
	v37 =	vmul.f32 v37, v20  }
0xdf: {  	v32 =	vmul.f32 v32, v20;
	v34 =	vmul.f32 v34, v20;
	v43 =	vld [tilespmem:s24+$0x840]  }
0xe0: {  	v30 =	vmul.f32 v30, v21;
	v31 =	vmul.f32 v31, v20;
	v44 =	vld [tilespmem:s24+$0x850];
	v36 =	vadd.f32 v37, v36  }
0xe1: {  	v29 =	vmul.f32 v29, v21;
	v32 =	vadd.f32 v32, v33;
	v33 =	vadd.f32 v34, v35;
	v34 =	vld [tilespmem:s24+$0x860]  }
0xe2: {  	v27 =	vmul.f32 v27, v21;
	v28 =	vmul.f32 v28, v20;
	v30 =	vadd.f32 v31, v30;
	[tilespmem:s24+$0x10870] =	vst v36;
	v31 =	vld [tilespmem:s24+$0xC00]  }
0xe3: {  	v25 =	vmul.f32 v25, v21;
	v26 =	vmul.f32 v26, v20;
	[tilespmem:s24+$0x10410] =	vst v33;
	v33 =	vld [tilespmem:s24+$0x8C00]  }
0xe4: {  	v23 =	vmul.f32 v23, v21;
	v24 =	vmul.f32 v24, v20;
	v28 =	vadd.f32 v28, v29;
	[tilespmem:s24+$0x10400] =	vst v32;
	v29 =	vld [tilespmem:s24+$0x8860]  }
0xe5: {  	v19 =	vmul.f32 v19, v21;
	v22 =	vmul.f32 v22, v20;
	v26 =	vadd.f32 v26, v27;
	[tilespmem:s24+$0x10070] =	vst v30;
	v27 =	vld [tilespmem:s24+$0x8850]  }
0xe6: {  	v14 =	vmul.f32 v14, v21;
	v18 =	vmul.f32 v18, v20;
	v24 =	vadd.f32 v24, v25;
	[tilespmem:s24+$0x10060] =	vst v28;
	v25 =	vld [tilespmem:s24+$0x8840]  }
0xe7: {  	v15 =	vmul.f32 v15, v20;
	v22 =	vadd.f32 v22, v23;
	[tilespmem:s24+$0x10050] =	vst v26;
	v23 =	vld [tilespmem:s24+$0x8830];
	v26 =	vmul.f32 v31, v21  }
0xe8: {  	v18 =	vadd.f32 v18, v19;
	[tilespmem:s24+$0x10040] =	vst v24;
	v19 =	vld [tilespmem:s24+$0x8820];
	v24 =	vmul.f32 v34, v21;
	v28 =	vmul.f32 v33, v20  }
0xe9: {  	v14 =	vadd.f32 v15, v14;
	[tilespmem:s24+$0x10030] =	vst v22;
	v15 =	vld [tilespmem:s24+$0x8810];
	v22 =	vmul.f32 v44, v21;
	v29 =	vmul.f32 v29, v20  }
0xea: {  	[tilespmem:s24+$0x10020] =	vst v18;
	v18 =	vmul.f32 v43, v21;
	v27 =	vmul.f32 v27, v20;
	v26 =	vadd.f32 v28, v26;
	v28 =	vld [tilespmem:s24+$0xC10]  }
0xeb: {  	[tilespmem:s24+$0x10010] =	vst v14;
	v14 =	vmul.f32 v42, v21;
	v25 =	vmul.f32 v25, v20;
	v24 =	vadd.f32 v29, v24;
	v29 =	vld [tilespmem:s24+$0x8C10]  }
0xec: {  	v30 =	vmul.f32 v41, v21;
	v23 =	vmul.f32 v23, v20;
	v22 =	vadd.f32 v27, v22;
	[tilespmem:s24+$0x10C00] =	vst v26;
	v26 =	vld [tilespmem:s24+$0xC20]  }
0xed: {  	v27 =	vmul.f32 v40, v21;
	v19 =	vmul.f32 v19, v20;
	v18 =	vadd.f32 v25, v18;
	[tilespmem:s24+$0x10860] =	vst v24;
	v24 =	vld [tilespmem:s24+$0x8C20]  }
0xee: {  	v25 =	vmul.f32 v38, v21;
	v15 =	vmul.f32 v15, v20;
	v14 =	vadd.f32 v23, v14;
	[tilespmem:s24+$0x10850] =	vst v22;
	v22 =	vld [tilespmem:s24+$0xC30]  }
0xef: {  	v17 =	vmul.f32 v17, v21;
	v23 =	vmul.f32 v39, v20;
	v19 =	vadd.f32 v19, v30;
	[tilespmem:s24+$0x10840] =	vst v18;
	v18 =	vld [tilespmem:s24+$0x8C30]  }
0xf0: {  	v13 =	vmul.f32 v13, v21;
	v16 =	vmul.f32 v16, v20;
	v15 =	vadd.f32 v15, v27;
	[tilespmem:s24+$0x10830] =	vst v14;
	v14 =	vld [tilespmem:s24+$0xC40]  }
0xf1: {  	v11 =	vmul.f32 v11, v21;
	v12 =	vmul.f32 v12, v20;
	v23 =	vadd.f32 v23, v25;
	[tilespmem:s24+$0x10820] =	vst v19;
	v19 =	vld [tilespmem:s24+$0x8C40]  }
0xf2: {  	v9 =	vmul.f32 v9, v21;
	v10 =	vmul.f32 v10, v20;
	v16 =	vadd.f32 v16, v17;
	[tilespmem:s24+$0x10810] =	vst v15;
	v15 =	vld [tilespmem:s24+$0xC50]  }
0xf3: {  	v7 =	vmul.f32 v7, v21;
	v8 =	vmul.f32 v8, v20;
	v12 =	vadd.f32 v12, v13;
	[tilespmem:s24+$0x10800] =	vst v23;
	v13 =	vld [tilespmem:s24+$0x8C50]  }
0xf4: {  	v5 =	vmul.f32 v5, v21;
	v6 =	vmul.f32 v6, v20;
	v10 =	vadd.f32 v10, v11;
	[tilespmem:s24+$0x10470] =	vst v16;
	v11 =	vld [tilespmem:s24+$0xC60]  }
0xf5: {  	v4 =	vmul.f32 v4, v20;
	v8 =	vadd.f32 v8, v9;
	v9 =	vmul.f32 v28, v21;
	[tilespmem:s24+$0x10460] =	vst v12;
	v12 =	vld [tilespmem:s24+$0x8C60]  }
0xf6: {  	s25 =	sadd.s32 $0x200, s25;
	v6 =	vadd.f32 v6, v7;
	v7 =	vmul.f32 v29, v20;
	[tilespmem:s24+$0x10450] =	vst v10;
	v10 =	vmul.f32 v26, v21;
	v16 =	vld [tilespmem:s24+$0xC70]  }
0xf7: {  	s29 =	sand.u32 $0x380, s26;
	s28 =	sand.u32 $0x3000, s25;
	v4 =	vadd.f32 v4, v5;
	v5 =	vmul.f32 v24, v20;
	[tilespmem:s24+$0x10440] =	vst v8;
	v8 =	vmul.f32 v22, v21;
	v17 =	vld [tilespmem:s24+$0x8C70]  }
0xf8: {  	s28 =	sor.u32 s29, s28;
	v22 =	vld [tilespmem:s24+$0x8000];
	[tilespmem:s24+$0x10430] =	vst v6;
	v6 =	vadd.f32 v7, v9;
	v7 =	vmul.f32 v18, v20;
	v9 =	vmul.f32 v14, v21  }
0xf9: {  	v24 =	vld [tilespmem:s28+$0x0];
	[tilespmem:s24+$0x10420] =	vst v4;
	v4 =	vadd.f32 v5, v10;
	v5 =	vmul.f32 v19, v20;
	v10 =	vmul.f32 v15, v21  }
0xfa: {  	v14 =	vld [tilespmem:s28+$0x10];
	[tilespmem:s24+$0x10C10] =	vst v6;
	v6 =	vadd.f32 v7, v8;
	v7 =	vmul.f32 v13, v20;
	v8 =	vmul.f32 v11, v21  }
0xfb: {  	v15 =	vld [tilespmem:s28+$0x8010];
	[tilespmem:s24+$0x10C20] =	vst v4;
	v4 =	vadd.f32 v5, v9;
	v5 =	vmul.f32 v12, v20;
	v9 =	vmul.f32 v16, v21  }
0xfc: {  	v11 =	vmul.f32 v3, v21;
	v19 =	vld [tilespmem:s28+$0x20];
	[tilespmem:s24+$0x10C30] =	vst v6;
	v10 =	vadd.f32 v7, v10;
	v6 =	vmul.f32 v17, v20  }
0xfd: {  	v18 =	vld [tilespmem:s28+$0x8020];
	v7 =	vmul.f32 v22, v20;
	[tilespmem:s24+$0x10C40] =	vst v4;
	v4 =	vadd.f32 v5, v8  }
0xfe: {  	v23 =	vld [tilespmem:s28+$0x30];
	[tilespmem:s24+$0x10C50] =	vst v10;
	v5 =	vadd.f32 v6, v9;
	v3 =	vmov v24  }
0xff: {  	v22 =	vld [tilespmem:s28+$0x8030];
	v6 =	vadd.f32 v7, v11;
	[tilespmem:s24+$0x10C60] =	vst v4  }
0x100: {  	v25 =	vld [tilespmem:s28+$0x40];
	[tilespmem:s24+$0x10C70] =	vst v5  }
0x101: {  	v24 =	vld [tilespmem:s28+$0x8040];
	[tilespmem:s24+$0x10000] =	vst v6;
	s24 =	smov.u32 s28  }
0x102: {  	v27 =	vld [tilespmem:s24+$0x50]  }
0x103: {  	v26 =	vld [tilespmem:s24+$0x8050]  }
0x104: {  	v29 =	vld [tilespmem:s24+$0x60]  }
0x105: {  	v28 =	vld [tilespmem:s24+$0x8060]  }
0x106: {  	v30 =	vld [tilespmem:s24+$0x70]  }
0x107: {  	v31 =	vld [tilespmem:s24+$0x8070]  }
0x108: {  	v33 =	vld [tilespmem:s24+$0x400]  }
0x109: {  	v32 =	vld [tilespmem:s24+$0x8400]  }
0x10a: {  	v35 =	vld [tilespmem:s24+$0x410]  }
0x10b: {  	v34 =	vld [tilespmem:s24+$0x8410]  }
0x10c: {  	v5 =	vld [tilespmem:s24+$0x420]  }
0x10d: {  	v4 =	vld [tilespmem:s24+$0x8420]  }
0x10e: {  	v7 =	vld [tilespmem:s24+$0x430]  }
0x10f: {  	v6 =	vld [tilespmem:s24+$0x8430]  }
0x110: {  	v9 =	vld [tilespmem:s24+$0x440]  }
0x111: {  	v8 =	vld [tilespmem:s24+$0x8440]  }
0x112: {  	v11 =	vld [tilespmem:s24+$0x450]  }
0x113: {  	v10 =	vld [tilespmem:s24+$0x8450]  }
0x114: {  	v13 =	vld [tilespmem:s24+$0x460]  }
.Ltmp0:
0x115: {  	v12 =	vld [tilespmem:s24+$0x8460];
	(pc) =	sbr.rel @p0 .LBB2_3-.Ltmp0, $4  }
0x116: {  	v17 =	vld [tilespmem:s24+$0x470]  }
0x117: {  	v16 =	vld [tilespmem:s24+$0x8470]  }
0x118: {  	v36 =	vld [tilespmem:s24+$0x870]  }
0x119: {  	s26 =	sadd.s32 $0x80, s26;
	s28 =	sshra.s32 s25, $0x2;
	v37 =	vld [tilespmem:s24+$0x8870]  }
0x11a: {  	v20 =	vld [tilespmem:s28+$0x14200]  }
0x11b: {  	v21 =	vld [tilespmem:s28+$0x16200];
	_ =	sdelay $0x2  }
0x11c: {  	v38 =	vld [tilespmem:s24+$0x800]  }
0x11d: {  	v39 =	vld [tilespmem:s24+$0x8800]  }
0x11e: {  	v40 =	vld [tilespmem:s24+$0x810];
	v36 =	vmul.f32 v36, v20;
	v37 =	vmul.f32 v37, v21  }
0x11f: {  	v41 =	vld [tilespmem:s24+$0x820];
	v35 =	vmul.f32 v35, v20;
	v34 =	vmul.f32 v34, v21  }
0x120: {  	v42 =	vld [tilespmem:s24+$0x830];
	v33 =	vmul.f32 v33, v20;
	v32 =	vmul.f32 v32, v21  }
0x121: {  	v60 =	vld [tilespmem:s24+$0x860];
	v30 =	vmul.f32 v30, v20;
	v31 =	vmul.f32 v31, v21  }
0x122: {  	v61 =	vld [tilespmem:s24+$0xC00];
	v29 =	vmul.f32 v29, v20;
	v28 =	vmul.f32 v28, v21;
	v36 =	vadd.f32 v37, v36  }
0x123: {  	v62 =	vld [tilespmem:s24+$0x8C00];
	v27 =	vmul.f32 v27, v20;
	v26 =	vmul.f32 v26, v21;
	v34 =	vadd.f32 v34, v35  }
0x124: {  	v63 =	vld [tilespmem:s24+$0x8860];
	v25 =	vmul.f32 v25, v20;
	v24 =	vmul.f32 v24, v21;
	v32 =	vadd.f32 v32, v33;
	[tilespmem:s24+$0x10870] =	vst v36  }
0x125: {  	v43 =	vld [tilespmem:s24+$0x840];
	v23 =	vmul.f32 v23, v20;
	v22 =	vmul.f32 v22, v21;
	v30 =	vadd.f32 v31, v30;
	[tilespmem:s24+$0x10410] =	vst v34  }
0x126: {  	v44 =	vld [tilespmem:s24+$0x850];
	v19 =	vmul.f32 v19, v20;
	v18 =	vmul.f32 v18, v21;
	v28 =	vadd.f32 v28, v29;
	[tilespmem:s24+$0x10400] =	vst v32  }
0x127: {  	v45 =	vld [tilespmem:s24+$0x8830];
	v14 =	vmul.f32 v14, v20;
	v15 =	vmul.f32 v15, v21;
	v26 =	vadd.f32 v26, v27;
	[tilespmem:s24+$0x10070] =	vst v30  }
0x128: {  	v46 =	vld [tilespmem:s24+$0x8820];
	v48 =	vmul.f32 v61, v20;
	v49 =	vmul.f32 v62, v21;
	v24 =	vadd.f32 v24, v25;
	[tilespmem:s24+$0x10060] =	vst v28  }
0x129: {  	v47 =	vld [tilespmem:s24+$0x8810];
	v51 =	vmul.f32 v60, v20;
	v52 =	vmul.f32 v63, v21;
	v22 =	vadd.f32 v22, v23;
	[tilespmem:s24+$0x10050] =	vst v26  }
0x12a: {  	v50 =	vld [tilespmem:s24+$0xC10];
	v17 =	vmul.f32 v17, v20;
	v16 =	vmul.f32 v16, v21;
	v18 =	vadd.f32 v18, v19;
	[tilespmem:s24+$0x10040] =	vst v24  }
0x12b: {  	v53 =	vld [tilespmem:s24+$0x8C10];
	v13 =	vmul.f32 v13, v20;
	v12 =	vmul.f32 v12, v21;
	v14 =	vadd.f32 v15, v14;
	[tilespmem:s24+$0x10030] =	vst v22  }
0x12c: {  	v56 =	vld [tilespmem:s24+$0xC20];
	v11 =	vmul.f32 v11, v20;
	v10 =	vmul.f32 v10, v21;
	v16 =	vadd.f32 v16, v17;
	[tilespmem:s24+$0x10020] =	vst v18  }
0x12d: {  	v58 =	vld [tilespmem:s24+$0x8C20];
	v9 =	vmul.f32 v9, v20;
	v8 =	vmul.f32 v8, v21;
	v12 =	vadd.f32 v12, v13;
	[tilespmem:s24+$0x10010] =	vst v14  }
0x12e: {  	v60 =	vld [tilespmem:s24+$0xC30];
	v7 =	vmul.f32 v7, v20;
	v6 =	vmul.f32 v6, v21;
	v10 =	vadd.f32 v10, v11;
	[tilespmem:s24+$0x10470] =	vst v16  }
0x12f: {  	v62 =	vld [tilespmem:s24+$0x8C30];
	v5 =	vmul.f32 v5, v20;
	v4 =	vmul.f32 v4, v21;
	v8 =	vadd.f32 v8, v9;
	[tilespmem:s24+$0x10460] =	vst v12  }
0x130: {  	v54 =	vmul.f32 v44, v20;
	v63 =	vmul.f32 v40, v20;
	v40 =	vld [tilespmem:s24+$0xC70];
	v6 =	vadd.f32 v6, v7;
	[tilespmem:s24+$0x10450] =	vst v10  }
0x131: {  	v57 =	vmul.f32 v43, v20;
	v59 =	vmul.f32 v42, v20;
	v43 =	vld [tilespmem:s24+$0x8C70];
	v4 =	vadd.f32 v4, v5;
	[tilespmem:s24+$0x10440] =	vst v8  }
0x132: {  	v25 =	vmul.f32 v45, v21;
	v23 =	vmul.f32 v46, v21;
	v46 =	vld [tilespmem:s24+$0x8000];
	v22 =	vadd.f32 v49, v48;
	[tilespmem:s24+$0x10430] =	vst v6  }
0x133: {  	v61 =	vmul.f32 v41, v20;
	v41 =	vmul.f32 v50, v20;
	v34 =	vld [tilespmem:s24+$0x8850];
	v18 =	vadd.f32 v52, v51;
	[tilespmem:s24+$0x10420] =	vst v4  }
0x134: {  	v42 =	vmul.f32 v53, v21;
	v19 =	vmul.f32 v47, v21;
	v36 =	vld [tilespmem:s24+$0x8840];
	v25 =	vadd.f32 v25, v59;
	[tilespmem:s24+$0x10C00] =	vst v22  }
0x135: {  	v44 =	vmul.f32 v56, v20;
	v33 =	vmul.f32 v38, v20;
	v35 =	vld [tilespmem:s24+$0x8C40];
	v23 =	vadd.f32 v23, v61;
	[tilespmem:s24+$0x10860] =	vst v18  }
0x136: {  	v37 =	vld [tilespmem:s24+$0x8C50];
	v45 =	vmul.f32 v58, v21;
	v19 =	vadd.f32 v19, v63;
	v47 =	vmul.f32 v60, v20;
	[tilespmem:s24+$0x10830] =	vst v25  }
0x137: {  	v38 =	vld [tilespmem:s24+$0xC60];
	v48 =	vadd.f32 v42, v41;
	v58 =	vmul.f32 v40, v20;
	v60 =	vmul.f32 v43, v21;
	[tilespmem:s24+$0x10820] =	vst v23  }
0x138: {  	v3 =	vmul.f32 v3, v20;
	v32 =	vld [tilespmem:s24+$0xC40];
	v51 =	vadd.f32 v45, v44;
	[tilespmem:s24+$0x10810] =	vst v19;
	v61 =	vmul.f32 v46, v21  }
0x139: {  	[tilespmem:s24+$0x10C10] =	vst v48;
	v63 =	vadd.f32 v60, v58;
	v55 =	vmul.f32 v34, v21;
	v27 =	vmul.f32 v36, v21;
	v36 =	vld [tilespmem:s24+$0xC50]  }
0x13a: {  	[tilespmem:s24+$0x10C20] =	vst v51;
	v34 =	vmul.f32 v39, v21;
	v39 =	vld [tilespmem:s24+$0x8C60];
	v3 =	vadd.f32 v61, v3  }
0x13b: {  	[tilespmem:s24+$0x10C70] =	vst v63;
	v24 =	vadd.f32 v55, v54  }
0x13c: {  	v49 =	vmul.f32 v62, v21;
	v26 =	vadd.f32 v27, v57;
	[tilespmem:s24+$0x10000] =	vst v3  }
0x13d: {  	v52 =	vmul.f32 v35, v21;
	v50 =	vmul.f32 v32, v20;
	v27 =	vadd.f32 v34, v33;
	[tilespmem:s24+$0x10850] =	vst v24  }
0x13e: {  	v54 =	vadd.f32 v49, v47;
	v55 =	vmul.f32 v37, v21;
	[tilespmem:s24+$0x10840] =	vst v26;
	v53 =	vmul.f32 v36, v20  }
0x13f: {  	v13 =	vmul.f32 v38, v20;
	v56 =	vadd.f32 v52, v50;
	[tilespmem:s24+$0x10800] =	vst v27;
	v57 =	vmul.f32 v39, v21  }
0x140: {  	[tilespmem:s24+$0x10C30] =	vst v54;
	v59 =	vadd.f32 v55, v53  }
0x141: {  	[tilespmem:s24+$0x10C40] =	vst v56;
	v62 =	vadd.f32 v57, v13  }
0x142: {  	s25 =	sshll.u32 s21, $0xC;
	p0 =	seq.s32 s21, $0xF;
	[tilespmem:s24+$0x10C50] =	vst v59  }
.Ltmp1:
0x143: {  	s29 =	sadd.s32 s25, s14;
	[tilespmem:s24+$0x10C60] =	vst v62;
	(pc) =	sbr.rel @p0 .LBB2_6-.Ltmp1, $4  }
0x144: {  	[hbm4b:s29+s2] =	stream.linear.scatter [tilespmem:s18], [sflag:$0x3], $0x4000, $0x38;
	[tilespmem:$0x18200] =	vst v63  }
0x145: {  	_ =	swait.ge [sflag:s19], $0x4000  }
0x146: {  	[sflag:s19] =	ssyncset.done $0x0  }
0x147: {  	[sflag:s19] =	ssyncadd.s32 $0xFFFFC000  }
0x148: {  	s24 =	rddreg [dreg:$0x7]  }
0x149: {  	s23 =	sadd.s32 s23, s24  }
0x14a: {  	s24 =	sshrl.u32 s23, $0x3  }
0x14b: {  	s26 =	simm.s32 $0x14000;
	s25 =	sadd.s32 s5, s24  }
0x14c: {  	[tilespmem:s26], [sflag:$0x3] =	stream.linear.gather [hbm4b:s25+s2], $0x20, $0x38;
	[tilespmem:$0x18200] =	vst v63  }
0x14d: {  	_ =	swait.ge [sflag:s19], $0x20  }
0x14e: {  	[sflag:s19] =	ssyncset.done $0x0  }
0x14f: {  	s29 =	simm.s32 $0x14100;
	s24 =	sadd.s32 s6, s24;
	[sflag:s19] =	ssyncadd.s32 $0xFFFFFFE0  }
0x150: {  	[tilespmem:s29], [sflag:$0x3] =	stream.linear.gather [hbm4b:s24+s2], $0x20, $0x38;
	[tilespmem:$0x18200] =	vst v63  }
0x151: {  	_ =	swait.ge [sflag:s19], $0x20  }
0x152: {  	s23 =	sshll.u32 s23, $0x4;
	[sflag:s19] =	ssyncset.done $0x0  }
0x153: {  	s28 =	simm.s32 $0x14200;
	s26 =	sadd.s32 s7, s23;
	[sflag:s19] =	ssyncadd.s32 $0xFFFFFFE0  }
0x154: {  	[tilespmem:s28], [sflag:$0x3] =	stream.linear.gather [hbm4b:s26+s2], $0x1000, $0x38;
	[tilespmem:$0x18200] =	vst v63  }
0x155: {  	_ =	swait.ge [sflag:s19], $0x1000  }
0x156: {  	[sflag:s19] =	ssyncset.done $0x0  }
0x157: {  	s23 =	sadd.s32 s8, s23;
	s29 =	simm.s32 $0x16200;
	[sflag:s19] =	ssyncadd.s32 $0xFFFFF000  }
0x158: {  	[tilespmem:s29], [sflag:$0x3] =	stream.linear.gather [hbm4b:s23+s2], $0x1000, $0x38;
	[tilespmem:$0x18200] =	vst v63  }
0x159: {  	_ =	swait.ge [sflag:s19], $0x1000  }
0x15a: {  	[sflag:s19] =	ssyncset.done $0x0  }
0x15b: {  	[sflag:s19] =	ssyncadd.s32 $0xFFFFF000  }
0x15c: {  	v3 =	vld [tilespmem:$0x14000];
	_ =	sdelay $0x4  }
0x15d: {  	v4 =	vshll.u32 v3, $0x2  }
0x15e: {  	v3 =	vand.u32 $0x7, v3;
	v4 =	vand.u32 $0xFFFFFFE0, v4  }
0x15f: {  	v3 =	vor.u32 v3, v4  }
0x160: {  	v4 =	vperm.xlane v3, v0;
	_ =	sdelay $0x1  }
0x161: {  	v4 =	vadd.s32 v1, v4;
	_ =	sdelay $0x1  }
0x162: {  	v3 =	vperm.xlane v3, v2;
	_ =	sdelay $0x1  }
0x163: {  	v3 =	vadd.s32 v1, v3  }
0x164: {  	[tilespmem:s2], [sflag:$0x1] =	stream.indirect_vreg.gather [hbm4b:s3+s2], $0x80, v4, vm0, $0xb8;
	[tilespmem:$0x18200] =	vst v63  }
0x165: {  	s24 =	simm.s32 $0x800  }
0x166: {  	[tilespmem:s24], [sflag:$0x1] =	stream.indirect_vreg.gather [hbm4b:s13+s2], $0x80, v4, vm0, $0xb8;
	[tilespmem:$0x18200] =	vst v63  }
0x167: {  	s25 =	simm.s32 $0x1000  }
0x168: {  	[tilespmem:s25], [sflag:$0x1] =	stream.indirect_vreg.gather [hbm4b:s3+s2], $0x80, v3, vm0, $0xb8;
	[tilespmem:$0x18200] =	vst v63  }
0x169: {  	s26 =	simm.s32 $0x1800  }
0x16a: {  	[tilespmem:s26], [sflag:$0x1] =	stream.indirect_vreg.gather [hbm4b:s13+s2], $0x80, v3, vm0, $0xb8;
	[tilespmem:$0x18200] =	vst v63  }
0x16b: {  	v3 =	vld [tilespmem:$0x14010];
	_ =	sdelay $0x4  }
0x16c: {  	v61 =	vshll.u32 v3, $0x2  }
0x16d: {  	v3 =	vand.u32 $0x7, v3;
	v4 =	vand.u32 $0xFFFFFFE0, v61  }
0x16e: {  	v3 =	vor.u32 v3, v4  }
0x16f: {  	v4 =	vperm.xlane v3, v0;
	_ =	sdelay $0x1  }
0x170: {  	v4 =	vadd.s32 v1, v4;
	_ =	sdelay $0x1  }
0x171: {  	v3 =	vperm.xlane v3, v2;
	_ =	sdelay $0x1  }
0x172: {  	s28 =	simm.s32 $0x2000;
	v3 =	vadd.s32 v1, v3  }
0x173: {  	[tilespmem:s28], [sflag:$0x1] =	stream.indirect_vreg.gather [hbm4b:s3+s2], $0x80, v4, vm0, $0xb8;
	[tilespmem:$0x18200] =	vst v63  }
0x174: {  	s29 =	simm.s32 $0x2800  }
0x175: {  	[tilespmem:s29], [sflag:$0x1] =	stream.indirect_vreg.gather [hbm4b:s13+s2], $0x80, v4, vm0, $0xb8;
	[tilespmem:$0x18200] =	vst v63  }
0x176: {  	s24 =	simm.s32 $0x3000  }
0x177: {  	[tilespmem:s24], [sflag:$0x1] =	stream.indirect_vreg.gather [hbm4b:s3+s2], $0x80, v3, vm0, $0xb8;
	[tilespmem:$0x18200] =	vst v63  }
0x178: {  	s25 =	simm.s32 $0x3800  }
0x179: {  	[tilespmem:s25], [sflag:$0x1] =	stream.indirect_vreg.gather [hbm4b:s13+s2], $0x80, v3, vm0, $0xb8;
	[tilespmem:$0x18200] =	vst v63  }
0x17a: {  	v3 =	vld [tilespmem:$0x14100];
	_ =	sdelay $0x4  }
0x17b: {  	v62 =	vshll.u32 v3, $0x2  }
0x17c: {  	v3 =	vand.u32 $0x7, v3;
	v4 =	vand.u32 $0xFFFFFFE0, v62  }
0x17d: {  	v3 =	vor.u32 v3, v4  }
0x17e: {  	v4 =	vperm.xlane v3, v0;
	_ =	sdelay $0x1  }
0x17f: {  	v4 =	vadd.s32 v1, v4;
	_ =	sdelay $0x1  }
0x180: {  	v3 =	vperm.xlane v3, v2;
	_ =	sdelay $0x1  }
0x181: {  	s26 =	simm.s32 $0x8000;
	v3 =	vadd.s32 v1, v3  }
0x182: {  	[tilespmem:s26], [sflag:$0x1] =	stream.indirect_vreg.gather [hbm4b:s3+s2], $0x80, v4, vm0, $0xb8;
	[tilespmem:$0x18200] =	vst v63  }
0x183: {  	s28 =	simm.s32 $0x8800  }
0x184: {  	[tilespmem:s28], [sflag:$0x1] =	stream.indirect_vreg.gather [hbm4b:s13+s2], $0x80, v4, vm0, $0xb8;
	[tilespmem:$0x18200] =	vst v63  }
0x185: {  	s29 =	simm.s32 $0x9000  }
0x186: {  	[tilespmem:s29], [sflag:$0x1] =	stream.indirect_vreg.gather [hbm4b:s3+s2], $0x80, v3, vm0, $0xb8;
	[tilespmem:$0x18200] =	vst v63  }
0x187: {  	s24 =	simm.s32 $0x9800  }
0x188: {  	[tilespmem:s24], [sflag:$0x1] =	stream.indirect_vreg.gather [hbm4b:s13+s2], $0x80, v3, vm0, $0xb8;
	[tilespmem:$0x18200] =	vst v63  }
0x189: {  	v3 =	vld [tilespmem:$0x14110];
	_ =	sdelay $0x4  }
0x18a: {  	v63 =	vshll.u32 v3, $0x2  }
0x18b: {  	v3 =	vand.u32 $0x7, v3;
	v4 =	vand.u32 $0xFFFFFFE0, v63  }
0x18c: {  	v3 =	vor.u32 v3, v4  }
0x18d: {  	v4 =	vperm.xlane v3, v0;
	_ =	sdelay $0x1  }
0x18e: {  	v4 =	vadd.s32 v1, v4;
	_ =	sdelay $0x1  }
0x18f: {  	v3 =	vperm.xlane v3, v2;
	_ =	sdelay $0x1  }
0x190: {  	s25 =	simm.s32 $0xA000;
	v3 =	vadd.s32 v1, v3  }
0x191: {  	[tilespmem:s25], [sflag:$0x1] =	stream.indirect_vreg.gather [hbm4b:s3+s2], $0x80, v4, vm0, $0xb8;
	[tilespmem:$0x18200] =	vst v63  }
0x192: {  	s26 =	simm.s32 $0xA800  }
0x193: {  	[tilespmem:s26], [sflag:$0x1] =	stream.indirect_vreg.gather [hbm4b:s13+s2], $0x80, v4, vm0, $0xb8;
	[tilespmem:$0x18200] =	vst v63  }
0x194: {  	s28 =	simm.s32 $0xB000  }
0x195: {  	[tilespmem:s28], [sflag:$0x1] =	stream.indirect_vreg.gather [hbm4b:s3+s2], $0x80, v3, vm0, $0xb8;
	[tilespmem:$0x18200] =	vst v63  }
0x196: {  	s29 =	simm.s32 $0xB800  }
0x197: {  	[tilespmem:s29], [sflag:$0x1] =	stream.indirect_vreg.gather [hbm4b:s13+s2], $0x80, v3, vm0, $0xb8;
	[tilespmem:$0x18200] =	vst v63  }
.LBB2_6:
0x198: {  	_ =	swait.ge [sflag:s20], $0x4000  }
0x199: {  	[sflag:s20] =	ssyncset.done $0x0  }
0x19a: {  	[sflag:s20] =	ssyncadd.s32 $0xFFFFC000  }
0x19b: {  	s24 =	simm.s32 $0x0;
	_ =	swait.ge [sflag:s20], $0x4000  }
0x19c: {  	s23 =	sand.u32 $0x3000, s24;
	s25 =	sand.u32 $0x380, s24;
	[sflag:s20] =	ssyncset.done $0x0  }
0x19d: {  	s23 =	sor.u32 s25, s23;
	[sflag:s20] =	ssyncadd.s32 $0xFFFFC000  }
0x19e: {  	v3 =	vld [tilespmem:s23+$0x4000]  }
0x19f: {  	v14 =	vld [tilespmem:s23+$0x4010]  }
0x1a0: {  	v15 =	vld [tilespmem:s23+$0xC010]  }
0x1a1: {  	v19 =	vld [tilespmem:s23+$0x4020]  }
0x1a2: {  	v18 =	vld [tilespmem:s23+$0xC020]  }
0x1a3: {  	v23 =	vld [tilespmem:s23+$0x4030]  }
0x1a4: {  	v22 =	vld [tilespmem:s23+$0xC030]  }
0x1a5: {  	v25 =	vld [tilespmem:s23+$0x4040]  }
0x1a6: {  	v24 =	vld [tilespmem:s23+$0xC040]  }
0x1a7: {  	v27 =	vld [tilespmem:s23+$0x4050]  }
0x1a8: {  	v26 =	vld [tilespmem:s23+$0xC050]  }
0x1a9: {  	v29 =	vld [tilespmem:s23+$0x4060]  }
0x1aa: {  	v28 =	vld [tilespmem:s23+$0xC060]  }
0x1ab: {  	v30 =	vld [tilespmem:s23+$0x4070]  }
0x1ac: {  	v31 =	vld [tilespmem:s23+$0xC070]  }
0x1ad: {  	v33 =	vld [tilespmem:s23+$0x4400]  }
0x1ae: {  	v32 =	vld [tilespmem:s23+$0xC400]  }
0x1af: {  	v35 =	vld [tilespmem:s23+$0x4410]  }
0x1b0: {  	v34 =	vld [tilespmem:s23+$0xC410]  }
0x1b1: {  	v5 =	vld [tilespmem:s23+$0x4420]  }
0x1b2: {  	v4 =	vld [tilespmem:s23+$0xC420]  }
0x1b3: {  	v7 =	vld [tilespmem:s23+$0x4430]  }
0x1b4: {  	v6 =	vld [tilespmem:s23+$0xC430]  }
0x1b5: {  	v9 =	vld [tilespmem:s23+$0x4440]  }
0x1b6: {  	v8 =	vld [tilespmem:s23+$0xC440]  }
0x1b7: {  	v11 =	vld [tilespmem:s23+$0x4450]  }
0x1b8: {  	v10 =	vld [tilespmem:s23+$0xC450]  }
0x1b9: {  	v13 =	vld [tilespmem:s23+$0x4460]  }
0x1ba: {  	v12 =	vld [tilespmem:s23+$0xC460]  }
0x1bb: {  	v17 =	vld [tilespmem:s23+$0x4470]  }
0x1bc: {  	v16 =	vld [tilespmem:s23+$0xC470]  }
0x1bd: {  	v36 =	vld [tilespmem:s23+$0x4870]  }
0x1be: {  	s26 =	simm.s32 $0x0;
	s25 =	simm.s32 $0x80;
	v37 =	vld [tilespmem:s23+$0xC870]  }
.LBB2_7:
0x1bf: {  	p0 =	sne.s32 s25, $0xF80;
	v21 =	vld [tilespmem:s26+$0x15200]  }
0x1c0: {  	v20 =	vld [tilespmem:s26+$0x17200]  }
0x1c1: {  	v38 =	vld [tilespmem:s23+$0x4800]  }
0x1c2: {  	v39 =	vld [tilespmem:s23+$0xC800]  }
0x1c3: {  	v40 =	vld [tilespmem:s23+$0x4810]  }
0x1c4: {  	v33 =	vmul.f32 v33, v21;
	v35 =	vmul.f32 v35, v21;
	v41 =	vld [tilespmem:s23+$0x4820]  }
0x1c5: {  	v36 =	vmul.f32 v36, v21;
	v42 =	vld [tilespmem:s23+$0x4830];
	v37 =	vmul.f32 v37, v20  }
0x1c6: {  	v32 =	vmul.f32 v32, v20;
	v34 =	vmul.f32 v34, v20;
	v43 =	vld [tilespmem:s23+$0x4840]  }
0x1c7: {  	v30 =	vmul.f32 v30, v21;
	v31 =	vmul.f32 v31, v20;
	v44 =	vld [tilespmem:s23+$0x4850];
	v36 =	vadd.f32 v37, v36  }
0x1c8: {  	v29 =	vmul.f32 v29, v21;
	v32 =	vadd.f32 v32, v33;
	v33 =	vadd.f32 v34, v35;
	v34 =	vld [tilespmem:s23+$0x4860]  }
0x1c9: {  	v27 =	vmul.f32 v27, v21;
	v28 =	vmul.f32 v28, v20;
	v30 =	vadd.f32 v31, v30;
	[tilespmem:s23+$0x10870] =	vst v36;
	v31 =	vld [tilespmem:s23+$0x4C00]  }
0x1ca: {  	v25 =	vmul.f32 v25, v21;
	v26 =	vmul.f32 v26, v20;
	[tilespmem:s23+$0x10410] =	vst v33;
	v33 =	vld [tilespmem:s23+$0xCC00]  }
0x1cb: {  	v23 =	vmul.f32 v23, v21;
	v24 =	vmul.f32 v24, v20;
	v28 =	vadd.f32 v28, v29;
	[tilespmem:s23+$0x10400] =	vst v32;
	v29 =	vld [tilespmem:s23+$0xC860]  }
0x1cc: {  	v19 =	vmul.f32 v19, v21;
	v22 =	vmul.f32 v22, v20;
	v26 =	vadd.f32 v26, v27;
	[tilespmem:s23+$0x10070] =	vst v30;
	v27 =	vld [tilespmem:s23+$0xC850]  }
0x1cd: {  	v14 =	vmul.f32 v14, v21;
	v18 =	vmul.f32 v18, v20;
	v24 =	vadd.f32 v24, v25;
	[tilespmem:s23+$0x10060] =	vst v28;
	v25 =	vld [tilespmem:s23+$0xC840]  }
0x1ce: {  	v15 =	vmul.f32 v15, v20;
	v22 =	vadd.f32 v22, v23;
	[tilespmem:s23+$0x10050] =	vst v26;
	v23 =	vld [tilespmem:s23+$0xC830];
	v26 =	vmul.f32 v31, v21  }
0x1cf: {  	v18 =	vadd.f32 v18, v19;
	[tilespmem:s23+$0x10040] =	vst v24;
	v19 =	vld [tilespmem:s23+$0xC820];
	v24 =	vmul.f32 v34, v21;
	v28 =	vmul.f32 v33, v20  }
0x1d0: {  	v14 =	vadd.f32 v15, v14;
	[tilespmem:s23+$0x10030] =	vst v22;
	v15 =	vld [tilespmem:s23+$0xC810];
	v22 =	vmul.f32 v44, v21;
	v29 =	vmul.f32 v29, v20  }
0x1d1: {  	[tilespmem:s23+$0x10020] =	vst v18;
	v18 =	vmul.f32 v43, v21;
	v27 =	vmul.f32 v27, v20;
	v26 =	vadd.f32 v28, v26;
	v28 =	vld [tilespmem:s23+$0x4C10]  }
0x1d2: {  	[tilespmem:s23+$0x10010] =	vst v14;
	v14 =	vmul.f32 v42, v21;
	v25 =	vmul.f32 v25, v20;
	v24 =	vadd.f32 v29, v24;
	v29 =	vld [tilespmem:s23+$0xCC10]  }
0x1d3: {  	v30 =	vmul.f32 v41, v21;
	v23 =	vmul.f32 v23, v20;
	v22 =	vadd.f32 v27, v22;
	[tilespmem:s23+$0x10C00] =	vst v26;
	v26 =	vld [tilespmem:s23+$0x4C20]  }
0x1d4: {  	v27 =	vmul.f32 v40, v21;
	v19 =	vmul.f32 v19, v20;
	v18 =	vadd.f32 v25, v18;
	[tilespmem:s23+$0x10860] =	vst v24;
	v24 =	vld [tilespmem:s23+$0xCC20]  }
0x1d5: {  	v25 =	vmul.f32 v38, v21;
	v15 =	vmul.f32 v15, v20;
	v14 =	vadd.f32 v23, v14;
	[tilespmem:s23+$0x10850] =	vst v22;
	v22 =	vld [tilespmem:s23+$0x4C30]  }
0x1d6: {  	v17 =	vmul.f32 v17, v21;
	v23 =	vmul.f32 v39, v20;
	v19 =	vadd.f32 v19, v30;
	[tilespmem:s23+$0x10840] =	vst v18;
	v18 =	vld [tilespmem:s23+$0xCC30]  }
0x1d7: {  	v13 =	vmul.f32 v13, v21;
	v16 =	vmul.f32 v16, v20;
	v15 =	vadd.f32 v15, v27;
	[tilespmem:s23+$0x10830] =	vst v14;
	v14 =	vld [tilespmem:s23+$0x4C40]  }
0x1d8: {  	v11 =	vmul.f32 v11, v21;
	v12 =	vmul.f32 v12, v20;
	v23 =	vadd.f32 v23, v25;
	[tilespmem:s23+$0x10820] =	vst v19;
	v19 =	vld [tilespmem:s23+$0xCC40]  }
0x1d9: {  	v9 =	vmul.f32 v9, v21;
	v10 =	vmul.f32 v10, v20;
	v16 =	vadd.f32 v16, v17;
	[tilespmem:s23+$0x10810] =	vst v15;
	v15 =	vld [tilespmem:s23+$0x4C50]  }
0x1da: {  	v7 =	vmul.f32 v7, v21;
	v8 =	vmul.f32 v8, v20;
	v12 =	vadd.f32 v12, v13;
	[tilespmem:s23+$0x10800] =	vst v23;
	v13 =	vld [tilespmem:s23+$0xCC50]  }
0x1db: {  	v5 =	vmul.f32 v5, v21;
	v6 =	vmul.f32 v6, v20;
	v10 =	vadd.f32 v10, v11;
	[tilespmem:s23+$0x10470] =	vst v16;
	v11 =	vld [tilespmem:s23+$0x4C60]  }
0x1dc: {  	v4 =	vmul.f32 v4, v20;
	v8 =	vadd.f32 v8, v9;
	v9 =	vmul.f32 v28, v21;
	[tilespmem:s23+$0x10460] =	vst v12;
	v12 =	vld [tilespmem:s23+$0xCC60]  }
0x1dd: {  	s24 =	sadd.s32 $0x200, s24;
	v6 =	vadd.f32 v6, v7;
	v7 =	vmul.f32 v29, v20;
	[tilespmem:s23+$0x10450] =	vst v10;
	v10 =	vmul.f32 v26, v21;
	v16 =	vld [tilespmem:s23+$0x4C70]  }
0x1de: {  	s28 =	sand.u32 $0x380, s25;
	s26 =	sand.u32 $0x3000, s24;
	v4 =	vadd.f32 v4, v5;
	v5 =	vmul.f32 v24, v20;
	[tilespmem:s23+$0x10440] =	vst v8;
	v8 =	vmul.f32 v22, v21;
	v17 =	vld [tilespmem:s23+$0xCC70]  }
0x1df: {  	s26 =	sor.u32 s28, s26;
	v22 =	vld [tilespmem:s23+$0xC000];
	[tilespmem:s23+$0x10430] =	vst v6;
	v6 =	vadd.f32 v7, v9;
	v7 =	vmul.f32 v18, v20;
	v9 =	vmul.f32 v14, v21  }
0x1e0: {  	v24 =	vld [tilespmem:s26+$0x4000];
	[tilespmem:s23+$0x10420] =	vst v4;
	v4 =	vadd.f32 v5, v10;
	v5 =	vmul.f32 v19, v20;
	v10 =	vmul.f32 v15, v21  }
0x1e1: {  	v14 =	vld [tilespmem:s26+$0x4010];
	[tilespmem:s23+$0x10C10] =	vst v6;
	v6 =	vadd.f32 v7, v8;
	v7 =	vmul.f32 v13, v20;
	v8 =	vmul.f32 v11, v21  }
0x1e2: {  	v15 =	vld [tilespmem:s26+$0xC010];
	[tilespmem:s23+$0x10C20] =	vst v4;
	v4 =	vadd.f32 v5, v9;
	v5 =	vmul.f32 v12, v20;
	v9 =	vmul.f32 v16, v21  }
0x1e3: {  	v11 =	vmul.f32 v3, v21;
	v19 =	vld [tilespmem:s26+$0x4020];
	[tilespmem:s23+$0x10C30] =	vst v6;
	v10 =	vadd.f32 v7, v10;
	v6 =	vmul.f32 v17, v20  }
0x1e4: {  	v18 =	vld [tilespmem:s26+$0xC020];
	v7 =	vmul.f32 v22, v20;
	[tilespmem:s23+$0x10C40] =	vst v4;
	v4 =	vadd.f32 v5, v8  }
0x1e5: {  	v23 =	vld [tilespmem:s26+$0x4030];
	[tilespmem:s23+$0x10C50] =	vst v10;
	v5 =	vadd.f32 v6, v9;
	v3 =	vmov v24  }
0x1e6: {  	v22 =	vld [tilespmem:s26+$0xC030];
	v6 =	vadd.f32 v7, v11;
	[tilespmem:s23+$0x10C60] =	vst v4  }
0x1e7: {  	v25 =	vld [tilespmem:s26+$0x4040];
	[tilespmem:s23+$0x10C70] =	vst v5  }
0x1e8: {  	v24 =	vld [tilespmem:s26+$0xC040];
	[tilespmem:s23+$0x10000] =	vst v6;
	s23 =	smov.u32 s26  }
0x1e9: {  	v27 =	vld [tilespmem:s23+$0x4050]  }
0x1ea: {  	v26 =	vld [tilespmem:s23+$0xC050]  }
0x1eb: {  	v29 =	vld [tilespmem:s23+$0x4060]  }
0x1ec: {  	v28 =	vld [tilespmem:s23+$0xC060]  }
0x1ed: {  	v30 =	vld [tilespmem:s23+$0x4070]  }
0x1ee: {  	v31 =	vld [tilespmem:s23+$0xC070]  }
0x1ef: {  	v33 =	vld [tilespmem:s23+$0x4400]  }
0x1f0: {  	v32 =	vld [tilespmem:s23+$0xC400]  }
0x1f1: {  	v35 =	vld [tilespmem:s23+$0x4410]  }
0x1f2: {  	v34 =	vld [tilespmem:s23+$0xC410]  }
0x1f3: {  	v5 =	vld [tilespmem:s23+$0x4420]  }
0x1f4: {  	v4 =	vld [tilespmem:s23+$0xC420]  }
0x1f5: {  	v7 =	vld [tilespmem:s23+$0x4430]  }
0x1f6: {  	v6 =	vld [tilespmem:s23+$0xC430]  }
0x1f7: {  	v9 =	vld [tilespmem:s23+$0x4440]  }
0x1f8: {  	v8 =	vld [tilespmem:s23+$0xC440]  }
0x1f9: {  	v11 =	vld [tilespmem:s23+$0x4450]  }
0x1fa: {  	v10 =	vld [tilespmem:s23+$0xC450]  }
0x1fb: {  	v13 =	vld [tilespmem:s23+$0x4460]  }
.Ltmp2:
0x1fc: {  	v12 =	vld [tilespmem:s23+$0xC460];
	(pc) =	sbr.rel @p0 .LBB2_7-.Ltmp2, $4  }
0x1fd: {  	v17 =	vld [tilespmem:s23+$0x4470]  }
0x1fe: {  	v16 =	vld [tilespmem:s23+$0xC470]  }
0x1ff: {  	v36 =	vld [tilespmem:s23+$0x4870]  }
0x200: {  	s25 =	sadd.s32 $0x80, s25;
	s26 =	sshra.s32 s24, $0x2;
	v37 =	vld [tilespmem:s23+$0xC870]  }
0x201: {  	v20 =	vld [tilespmem:s26+$0x15200]  }
0x202: {  	v21 =	vld [tilespmem:s26+$0x17200];
	_ =	sdelay $0x2  }
0x203: {  	v38 =	vld [tilespmem:s23+$0x4800]  }
0x204: {  	v39 =	vld [tilespmem:s23+$0xC800]  }
0x205: {  	v40 =	vld [tilespmem:s23+$0x4810];
	v36 =	vmul.f32 v36, v20;
	v37 =	vmul.f32 v37, v21  }
0x206: {  	v41 =	vld [tilespmem:s23+$0x4820];
	v35 =	vmul.f32 v35, v20;
	v34 =	vmul.f32 v34, v21  }
0x207: {  	v42 =	vld [tilespmem:s23+$0x4830];
	v33 =	vmul.f32 v33, v20;
	v32 =	vmul.f32 v32, v21  }
0x208: {  	v60 =	vld [tilespmem:s23+$0x4860];
	v30 =	vmul.f32 v30, v20;
	v31 =	vmul.f32 v31, v21  }
0x209: {  	v61 =	vld [tilespmem:s23+$0x4C00];
	v29 =	vmul.f32 v29, v20;
	v28 =	vmul.f32 v28, v21;
	v36 =	vadd.f32 v37, v36  }
0x20a: {  	v62 =	vld [tilespmem:s23+$0xCC00];
	v27 =	vmul.f32 v27, v20;
	v26 =	vmul.f32 v26, v21;
	v34 =	vadd.f32 v34, v35  }
0x20b: {  	v63 =	vld [tilespmem:s23+$0xC860];
	v25 =	vmul.f32 v25, v20;
	v24 =	vmul.f32 v24, v21;
	v32 =	vadd.f32 v32, v33;
	[tilespmem:s23+$0x10870] =	vst v36  }
0x20c: {  	v43 =	vld [tilespmem:s23+$0x4840];
	v23 =	vmul.f32 v23, v20;
	v22 =	vmul.f32 v22, v21;
	v30 =	vadd.f32 v31, v30;
	[tilespmem:s23+$0x10410] =	vst v34  }
0x20d: {  	v44 =	vld [tilespmem:s23+$0x4850];
	v19 =	vmul.f32 v19, v20;
	v18 =	vmul.f32 v18, v21;
	v28 =	vadd.f32 v28, v29;
	[tilespmem:s23+$0x10400] =	vst v32  }
0x20e: {  	v45 =	vld [tilespmem:s23+$0xC830];
	v14 =	vmul.f32 v14, v20;
	v15 =	vmul.f32 v15, v21;
	v26 =	vadd.f32 v26, v27;
	[tilespmem:s23+$0x10070] =	vst v30  }
0x20f: {  	v46 =	vld [tilespmem:s23+$0xC820];
	v48 =	vmul.f32 v61, v20;
	v49 =	vmul.f32 v62, v21;
	v24 =	vadd.f32 v24, v25;
	[tilespmem:s23+$0x10060] =	vst v28  }
0x210: {  	v47 =	vld [tilespmem:s23+$0xC810];
	v51 =	vmul.f32 v60, v20;
	v52 =	vmul.f32 v63, v21;
	v22 =	vadd.f32 v22, v23;
	[tilespmem:s23+$0x10050] =	vst v26  }
0x211: {  	v50 =	vld [tilespmem:s23+$0x4C10];
	v17 =	vmul.f32 v17, v20;
	v16 =	vmul.f32 v16, v21;
	v18 =	vadd.f32 v18, v19;
	[tilespmem:s23+$0x10040] =	vst v24  }
0x212: {  	v53 =	vld [tilespmem:s23+$0xCC10];
	v13 =	vmul.f32 v13, v20;
	v12 =	vmul.f32 v12, v21;
	v14 =	vadd.f32 v15, v14;
	[tilespmem:s23+$0x10030] =	vst v22  }
0x213: {  	v56 =	vld [tilespmem:s23+$0x4C20];
	v11 =	vmul.f32 v11, v20;
	v10 =	vmul.f32 v10, v21;
	v16 =	vadd.f32 v16, v17;
	[tilespmem:s23+$0x10020] =	vst v18  }
0x214: {  	v58 =	vld [tilespmem:s23+$0xCC20];
	v9 =	vmul.f32 v9, v20;
	v8 =	vmul.f32 v8, v21;
	v12 =	vadd.f32 v12, v13;
	[tilespmem:s23+$0x10010] =	vst v14  }
0x215: {  	v60 =	vld [tilespmem:s23+$0x4C30];
	v7 =	vmul.f32 v7, v20;
	v6 =	vmul.f32 v6, v21;
	v10 =	vadd.f32 v10, v11;
	[tilespmem:s23+$0x10470] =	vst v16  }
0x216: {  	v62 =	vld [tilespmem:s23+$0xCC30];
	v5 =	vmul.f32 v5, v20;
	v4 =	vmul.f32 v4, v21;
	v8 =	vadd.f32 v8, v9;
	[tilespmem:s23+$0x10460] =	vst v12  }
0x217: {  	v54 =	vmul.f32 v44, v20;
	v63 =	vmul.f32 v40, v20;
	v40 =	vld [tilespmem:s23+$0x4C70];
	v6 =	vadd.f32 v6, v7;
	[tilespmem:s23+$0x10450] =	vst v10  }
0x218: {  	v57 =	vmul.f32 v43, v20;
	v59 =	vmul.f32 v42, v20;
	v43 =	vld [tilespmem:s23+$0xCC70];
	v4 =	vadd.f32 v4, v5;
	[tilespmem:s23+$0x10440] =	vst v8  }
0x219: {  	v25 =	vmul.f32 v45, v21;
	v23 =	vmul.f32 v46, v21;
	v46 =	vld [tilespmem:s23+$0xC000];
	v22 =	vadd.f32 v49, v48;
	[tilespmem:s23+$0x10430] =	vst v6  }
0x21a: {  	v61 =	vmul.f32 v41, v20;
	v41 =	vmul.f32 v50, v20;
	v34 =	vld [tilespmem:s23+$0xC850];
	v18 =	vadd.f32 v52, v51;
	[tilespmem:s23+$0x10420] =	vst v4  }
0x21b: {  	v42 =	vmul.f32 v53, v21;
	v19 =	vmul.f32 v47, v21;
	v36 =	vld [tilespmem:s23+$0xC840];
	v25 =	vadd.f32 v25, v59;
	[tilespmem:s23+$0x10C00] =	vst v22  }
0x21c: {  	v44 =	vmul.f32 v56, v20;
	v33 =	vmul.f32 v38, v20;
	v35 =	vld [tilespmem:s23+$0xCC40];
	v23 =	vadd.f32 v23, v61;
	[tilespmem:s23+$0x10860] =	vst v18  }
0x21d: {  	v37 =	vld [tilespmem:s23+$0xCC50];
	v45 =	vmul.f32 v58, v21;
	v19 =	vadd.f32 v19, v63;
	v47 =	vmul.f32 v60, v20;
	[tilespmem:s23+$0x10830] =	vst v25  }
0x21e: {  	v38 =	vld [tilespmem:s23+$0x4C60];
	v48 =	vadd.f32 v42, v41;
	v58 =	vmul.f32 v40, v20;
	v60 =	vmul.f32 v43, v21;
	[tilespmem:s23+$0x10820] =	vst v23  }
0x21f: {  	v3 =	vmul.f32 v3, v20;
	v32 =	vld [tilespmem:s23+$0x4C40];
	v51 =	vadd.f32 v45, v44;
	[tilespmem:s23+$0x10810] =	vst v19;
	v61 =	vmul.f32 v46, v21  }
0x220: {  	[tilespmem:s23+$0x10C10] =	vst v48;
	v63 =	vadd.f32 v60, v58;
	v55 =	vmul.f32 v34, v21;
	v27 =	vmul.f32 v36, v21;
	v36 =	vld [tilespmem:s23+$0x4C50]  }
0x221: {  	[tilespmem:s23+$0x10C20] =	vst v51;
	v34 =	vmul.f32 v39, v21;
	v39 =	vld [tilespmem:s23+$0xCC60];
	v3 =	vadd.f32 v61, v3  }
0x222: {  	[tilespmem:s23+$0x10C70] =	vst v63;
	v24 =	vadd.f32 v55, v54  }
0x223: {  	v49 =	vmul.f32 v62, v21;
	v26 =	vadd.f32 v27, v57;
	[tilespmem:s23+$0x10000] =	vst v3  }
0x224: {  	v52 =	vmul.f32 v35, v21;
	v50 =	vmul.f32 v32, v20;
	v27 =	vadd.f32 v34, v33;
	[tilespmem:s23+$0x10850] =	vst v24  }
0x225: {  	v54 =	vadd.f32 v49, v47;
	v55 =	vmul.f32 v37, v21;
	[tilespmem:s23+$0x10840] =	vst v26;
	v53 =	vmul.f32 v36, v20  }
0x226: {  	v13 =	vmul.f32 v38, v20;
	v56 =	vadd.f32 v52, v50;
	[tilespmem:s23+$0x10800] =	vst v27;
	v57 =	vmul.f32 v39, v21  }
0x227: {  	[tilespmem:s23+$0x10C30] =	vst v54;
	v59 =	vadd.f32 v55, v53  }
0x228: {  	s21 =	sadd.s32 $0x1, s21;
	[tilespmem:s23+$0x10C40] =	vst v56;
	v62 =	vadd.f32 v57, v13  }
0x229: {  	s22 =	sshll.u32 s22, $0x6;
	s29 =	rddreg [dreg:$0x1];
	p0 =	sne.s32 s21, $0x10;
	[tilespmem:s23+$0x10C50] =	vst v59  }
.Ltmp3:
0x22a: {  	s22 =	sadd.s32 s29, s22;
	[tilespmem:s23+$0x10C60] =	vst v62;
	(pc) =	sbr.rel @p0 .LBB2_2-.Ltmp3, $4  }
0x22b: {  	[hbm4b:s22+s2] =	stream.linear.scatter [tilespmem:s18], [sflag:$0x3], $0x4000, $0x38;
	[tilespmem:$0x18200] =	vst v63  }
0x22c: {  	_ =	swait.ge [sflag:s19], $0x4000  }
0x22d: {  	[sflag:s19] =	ssyncset.done $0x0  }
0x22e: {  	[sflag:s19] =	ssyncadd.s32 $0xFFFFC000  }
0x22f: {  	s22 =	rddreg [dreg:$0x9]  }
0x230: {  	s21 =	rddreg [dreg:$0x8];
	s22 =	sadd.s32 $0x1, s22  }
0x231: {  	p0 =	sne.s32 s22, s21  }
.Ltmp4:
0x232: {  	_ = 	snop;
	(pc) =	sbr.rel @p0 .LBB2_1-.Ltmp4, $1  }
0x233: {  	_ =	sdelay $0x3  }
0x234: {  	_ =	sfence.sel $0x180000  }
0x235: {  	[bflag:$0x0] =	sbarrier.arrive $0xFFFF  }
0x236: {  	_ =	strace $0x9000004A  }
0x237: {  	s0 =	stileid.u32;
	[bflag:$0x2] =	sbarrier.arrive $0xFFFF  }
0x238: {  	p0 =	sne.s32 s0, $0x0;
	s0 =	rddreg [dreg:$0x2]  }
0x239: {  	s0 =	sadd.s32 @!p0 $0x100000, s0  }
0x23a: {  	[sflag:s0] =	ssyncadd.tile.s32 @!p0 $0x1;
	_ =	shalt  }
.Lfunc_end2:
_tile_overlayer_lowered:
.L_overlay_start_2:
0x23b: {  	(tag) =	ssettag $0x2  }
0x23c: {  	s0 =	rddreg [dreg:$0x0];
	s2 =	stileid.u32  }
0x23d: {  	s1 =	rddreg [dreg:$0x1];
	p0 =	sne.s32 s2, $0x0  }
0x23e: {  	s3 =	rddreg [dreg:$0x2];
	[bflag:$0x3] =	sbarrier.arrive $0xFFFF;
	s2 =	simm.s32 @!p0 $0x1C03  }
0x23f: {  	[timem:s3], [sflag:s2] =	dma.local @!p0 [hbm:s0], s1  }
0x240: {  	s0 =	simm.s32 @!p0 $0x3  }
0x241: {  	_ =	swait.ge @!p0 [sflag:s0], s1  }
0x242: {  	s1 =	ssub.s32 @!p0 $0x0, s1;
	[sflag:s0] =	ssyncset.done @!p0 $0x0  }
0x243: {  	[sflag:s0] =	ssyncadd.s32 @!p0 s1  }
0x244: {  	[bflag:$0x3] =	sbarrier.arrive $0xFFFF  }
0x245: {  	_ =	shalt  }

</sc_bundles>
